<compile_context>
chip_gen: v7x
topology: tpu7x:2x2x1
jax: 0.10.2.dev20260603
libtpu: 0.0.44.dev20260713+nightly
codegen_flags: <defaults>
</compile_context>

<pallas_src>
import functools

import jax
import jax.numpy as jnp
from jax import lax
from jax.experimental import pallas as pl
from jax.experimental.pallas import tpu as pltpu
from jax.experimental.pallas import tpu_sc as plsc

N = 10000
E = 320000
NADJ = 11
NFEAT = 128
NHID = 64
NCLASS = 2
D = NADJ * NHID
DP = 768
NHACC = 128

NC = 2
NS = 16
NW = NC * NS
CHUNK = 64
EPT = 10048
NCHUNK = EPT // CHUNK
EPAD = NW * EPT
ROWS_PT = 320
NPAD = NS * ROWS_PT
TRASH = 5100

BM = 1000



def _mm_body(x_ref, w_ref, o_ref):
    o_ref[...] = jnp.dot(x_ref[...], w_ref[...], preferred_element_type=jnp.float32)


def _tc_matmul(x, w):
    m, k = x.shape
    d = w.shape[1]
    return pl.pallas_call(
        _mm_body,
        grid=(m // BM,),
        in_specs=[
            pl.BlockSpec((BM, k), lambda i: (i, 0)),
            pl.BlockSpec((k, d), lambda i: (0, 0)),
        ],
        out_specs=pl.BlockSpec((BM, d), lambda i: (i, 0)),
        out_shape=jax.ShapeDtypeStruct((m, d), jnp.float32),
    )(x, w)


def _comb_body(p_ref, b_ref, w_ref, o_ref):
    h = jnp.maximum((p_ref[0] + p_ref[1] + b_ref[...]) * (1.0 / NADJ), 0.0)
    o_ref[...] = jnp.dot(h, w_ref[...], preferred_element_type=jnp.float32)


def _tc_combine_mm(p, b, w):
    d = w.shape[1]
    return pl.pallas_call(
        _comb_body,
        grid=(N // BM,),
        in_specs=[
            pl.BlockSpec((2, BM, NHID), lambda i: (0, i, 0)),
            pl.BlockSpec((1, NHID), lambda i: (0, 0)),
            pl.BlockSpec((NHID, d), lambda i: (0, 0)),
        ],
        out_specs=pl.BlockSpec((BM, d), lambda i: (i, 0)),
        out_shape=jax.ShapeDtypeStruct((N, d), jnp.float32),
    )(p, b, w)


def _head_body(p_ref, b_ref, wc_ref, bc_ref, o_ref):
    h = jnp.maximum((p_ref[0] + p_ref[1] + b_ref[...]) * (1.0 / NADJ), 0.0)
    logits = jnp.dot(h, wc_ref[...], preferred_element_type=jnp.float32) + bc_ref[...]
    m = jnp.max(logits, axis=1, keepdims=True)
    ex = jnp.exp(logits - m)
    o_ref[...] = (logits - m) - jnp.log(jnp.sum(ex, axis=1, keepdims=True))


def _tc_head(p, b, wc, bc):
    return pl.pallas_call(
        _head_body,
        grid=(N // BM,),
        in_specs=[
            pl.BlockSpec((2, BM, NHID), lambda i: (0, i, 0)),
            pl.BlockSpec((1, NHID), lambda i: (0, 0)),
            pl.BlockSpec((NHID, NCLASS), lambda i: (0, 0)),
            pl.BlockSpec((1, NCLASS), lambda i: (0, 0)),
        ],
        out_specs=pl.BlockSpec((BM, NCLASS), lambda i: (i, 0)),
        out_shape=jax.ShapeDtypeStruct((N, NCLASS), jnp.float32),
    )(p, b, wc, bc)



def _sc_body(S_hbm, src_hbm, dst_hbm, adj_hbm, out_hbm,
             src_v, dst_v, adj_v, rows_v, ebuf_v, obuf_v, ie_v, io_v, acc_sh, sem):
    c = lax.axis_index("c")
    s = lax.axis_index("s")
    wid = c * NS + s

    def zbuf_body(e, _):
        for g in range(NHACC // 16):
            ebuf_v[e, pl.ds(g * 16, 16)] = jnp.zeros((16,), jnp.float32)
            obuf_v[e, pl.ds(g * 16, 16)] = jnp.zeros((16,), jnp.float32)
        return 0

    lax.fori_loop(0, CHUNK, zbuf_body, 0)

    def zacc_body(r, _):
        pltpu.sync_copy(ebuf_v, acc_sh.at[pl.ds(s * ROWS_PT + r * CHUNK, CHUNK)])
        return 0

    lax.fori_loop(0, ROWS_PT // CHUNK, zacc_body, 0)
    plsc.subcore_barrier()

    def chunk_body(k, _):
        base = pl.multiple_of(wid * EPT + k * CHUNK, 8)
        pltpu.sync_copy(src_hbm.at[pl.ds(base, CHUNK)], src_v)
        pltpu.sync_copy(dst_hbm.at[pl.ds(base, CHUNK)], dst_v)
        pltpu.sync_copy(adj_hbm.at[pl.ds(base, CHUNK)], adj_v)
        pltpu.async_copy(S_hbm.at[src_v], rows_v, sem).wait()

        def idx_body(q, _):
            d = dst_v[pl.ds(q * 16, 16)]
            h = lax.shift_right_logical(d, 1)
            odd = lax.rem(d, 2) == 1
            ie_v[pl.ds(q * 16, 16)] = jnp.where(odd, TRASH, h)
            io_v[pl.ds(q * 16, 16)] = jnp.where(odd, h, TRASH)
            return 0

        lax.fori_loop(0, CHUNK // 16, idx_body, 0)

        def edge_body(e, _):
            av = adj_v[e, :]
            for g in range(NHID // 16):
                acc = av[0] * rows_v[e, pl.ds(g * 16, 16)]
                for i in range(1, NADJ):
                    acc = acc + av[i] * rows_v[e, pl.ds(i * NHID + g * 16, 16)]
                ebuf_v[e, pl.ds(g * 16, 16)] = acc
                obuf_v[e, pl.ds(64 + g * 16, 16)] = acc
            return 0

        lax.fori_loop(0, CHUNK, edge_body, 0)
        pltpu.sync_copy(ebuf_v, acc_sh.at[ie_v], add=True)
        pltpu.sync_copy(obuf_v, acc_sh.at[io_v], add=True)
        return 0

    lax.fori_loop(0, NCHUNK, chunk_body, 0)
    plsc.subcore_barrier()

    pltpu.sync_copy(acc_sh.at[pl.ds(s * ROWS_PT, ROWS_PT)],
                    out_hbm.at[c, pl.ds(s * ROWS_PT, ROWS_PT)])


_sc_spmm = functools.partial(
    pl.kernel,
    out_type=jax.ShapeDtypeStruct((NC, NPAD, NHACC), jnp.float32),
    mesh=plsc.VectorSubcoreMesh(core_axis_name="c", subcore_axis_name="s"),
    scratch_types=[
        pltpu.VMEM((CHUNK,), jnp.int32),
        pltpu.VMEM((CHUNK,), jnp.int32),
        pltpu.VMEM((CHUNK, 16), jnp.float32),
        pltpu.VMEM((CHUNK, DP), jnp.float32),
        pltpu.VMEM((CHUNK, NHACC), jnp.float32),
        pltpu.VMEM((CHUNK, NHACC), jnp.float32),
        pltpu.VMEM((CHUNK,), jnp.int32),
        pltpu.VMEM((CHUNK,), jnp.int32),
        pltpu.VMEM_SHARED((NPAD, NHACC), jnp.float32),
        pltpu.SemaphoreType.DMA,
    ],
)(_sc_body)



def _pad_edges(a, fill):
    a = a.reshape((NW, E // NW) + a.shape[1:])
    pad = [(0, 0), (0, EPT - E // NW)] + [(0, 0)] * (a.ndim - 2)
    return jnp.pad(a, pad, constant_values=fill).reshape((EPAD,) + a.shape[2:])


def kernel(x, edge_index, adj_values, W1, b1, W2, b2, Wc, bc):
    src = _pad_edges(edge_index[0], 0)
    dst = _pad_edges(edge_index[1], 2 * TRASH)
    adjT = _pad_edges(jnp.pad(adj_values.T, ((0, 0), (0, 16 - NADJ))), 0)
    W1c = jnp.pad(W1.transpose(1, 0, 2).reshape(NFEAT, D), ((0, 0), (0, DP - D)))
    W2c = jnp.pad(W2.transpose(1, 0, 2).reshape(NHID, D), ((0, 0), (0, DP - D)))
    b1s = b1.sum(axis=0).reshape(1, NHID)
    b2s = b2.sum(axis=0).reshape(1, NHID)

    S1 = _tc_matmul(x, W1c)
    P1 = _sc_spmm(S1, src, dst, adjT).reshape(NC, 2 * NPAD, NHID)[:, :N]
    S2 = _tc_combine_mm(P1, b1s, W2c)
    P2 = _sc_spmm(S2, src, dst, adjT).reshape(NC, 2 * NPAD, NHID)[:, :N]
    return _tc_head(P2, b2s, Wc, bc.reshape(1, NCLASS))

# --- scband reference (transcript-rebuilt; emitter-appended) ---
"""Pipeline reference for scband-classification-38242388803710 (READ-ONLY COPY).

The authoritative reference and input builder live on the scoring server;
editing this copy changes nothing except your own understanding.
"""

import jax, jax.numpy as jnp
import numpy as np

N = 10000
E = 320000
NADJ = 11
NFEAT = 128
NHID = 64
NCLASS = 2


def setup_inputs(seed: int = 0) -> dict:
    key = jax.random.key(seed)
    ks = jax.random.split(key, 10)
    x = jax.random.normal(ks[0], (N, NFEAT), dtype=jnp.float32)
    edge_index = jax.random.randint(ks[1], (2, E), 0, N, dtype=jnp.int32)
    adj_values = jax.random.uniform(ks[2], (NADJ, E), dtype=jnp.float32)
    # learned parameters: per-adjacency weight/bias for 2 GCN layers + classifier
    W1 = jax.random.normal(ks[3], (NADJ, NFEAT, NHID), dtype=jnp.float32) * (1.0 / np.sqrt(NFEAT))
    b1 = jnp.zeros((NADJ, NHID), dtype=jnp.float32)
    W2 = jax.random.normal(ks[4], (NADJ, NHID, NHID), dtype=jnp.float32) * (1.0 / np.sqrt(NHID))
    b2 = jnp.zeros((NADJ, NHID), dtype=jnp.float32)
    Wc = jax.random.normal(ks[5], (NHID, NCLASS), dtype=jnp.float32) * (1.0 / np.sqrt(NHID))
    bc = jnp.zeros((NCLASS,), dtype=jnp.float32)
    return {"x": x, "edge_index": edge_index, "adj_values": adj_values,
            "W1": W1, "b1": b1, "W2": W2, "b2": b2, "Wc": Wc, "bc": bc}


def _gcn_layer(x, edge_index, adj_values, W, b):
    # multi-relational GraphConvolution: per-adj spmm(adj_i, x @ W_i) + b_i, mean-combined (attention_mode='none')
    src = edge_index[0]
    dst = edge_index[1]
    n = x.shape[0]
    nadj = W.shape[0]
    outs = []
    for i in range(nadj):
        support = x @ W[i]                         # [N, out]
        msg = adj_values[i][:, None] * support[src]  # gather by src, weight by adj value
        out = jax.ops.segment_sum(msg, dst, num_segments=n)  # scatter-add to dst
        outs.append(out + b[i])
    acc = outs[0]
    for o in outs[1:]:
        acc = acc + o
    return acc / float(nadj)


def reference(x, edge_index, adj_values, W1, b1, W2, b2, Wc, bc):
    # GCN_multirelation (skip_mode='none', eval mode so dropout is identity)
    x1 = jax.nn.relu(_gcn_layer(x, edge_index, adj_values, W1, b1))
    x2 = jax.nn.relu(_gcn_layer(x1, edge_index, adj_values, W2, b2))
    # Classification head
    logits = x2 @ Wc + bc
    return jax.nn.log_softmax(logits, axis=1)

if __name__ == "__main__":
    import jax
    _d = setup_inputs()
    print(jax.jit(kernel)(*tuple(_d.values())))

</pallas_src>

<mosaic_0001>
#map = affine_map<(d0, d1) -> (0, 0)>
#map1 = affine_map<(d0, d1) -> (0)>
#map2 = affine_map<(d0, d1) -> (0, 0, 0)>
module attributes {stable_mosaic.version = 14 : i64} {
  func.func @_sc_body(%arg0: i32, %arg1: i32, %arg2: memref<10000x768xf32, #tpu.memory_space<hbm>>, %arg3: memref<321536xi32, #tpu.memory_space<hbm>>, %arg4: memref<321536xi32, #tpu.memory_space<hbm>>, %arg5: memref<321536x16xf32, #tpu.memory_space<hbm>>, %arg6: memref<2x5120x128xf32, #tpu.memory_space<hbm>>, %arg7: memref<64xi32, #tpu.memory_space<vmem>>, %arg8: memref<64xi32, #tpu.memory_space<vmem>>, %arg9: memref<64x16xf32, #tpu.memory_space<vmem>>, %arg10: memref<64x768xf32, #tpu.memory_space<vmem>>, %arg11: memref<64x128xf32, #tpu.memory_space<vmem>>, %arg12: memref<64x128xf32, #tpu.memory_space<vmem>>, %arg13: memref<64xi32, #tpu.memory_space<vmem>>, %arg14: memref<64xi32, #tpu.memory_space<vmem>>, %arg15: memref<5120x128xf32, #tpu.memory_space<vmem_shared>>, %arg16: memref<!tpu.dma_semaphore, #tpu.memory_space<semaphore_mem>>) attributes {dimension_semantics = [#tpu.dimension_semantics<core_parallel>, #tpu.dimension_semantics<subcore_parallel>], iteration_bounds = array<i64: 2, 16>, scalar_prefetch = 0 : i64, scratch_operands = 10 : i64, tpu.core_type = #tpu.core_type<sc_vector_subcore>, window_params = [{transform_indices = #map}, {transform_indices = #map1}, {transform_indices = #map1}, {transform_indices = #map}, {transform_indices = #map2}]} {
    %mul3A = arith.constant 16 : i32
    %mul3A_0 = arith.muli %arg0, %mul3A : i32
    %add3A = arith.addi %mul3A_0, %arg1 : i32
    %scan3A = arith.constant 0 : i32
    %scan3A_1 = arith.constant 0 : i32
    %scan3A_2 = arith.constant 64 : i32
    %scan3A_3 = arith.addi %scan3A_1, %scan3A_2 : i32
    %scan3A_4 = arith.constant 1 : i32
    %scan3A_5 = scf.for %scan3A_26 = %scan3A_1 to %scan3A_3 step %scan3A_4 iter_args(%scan3A_27 = %scan3A) -> (i32)  : i32 {
      %broadcast_in_dim3A = arith.constant 0.000000e+00 : f32
      %broadcast_in_dim3A_28 = vector.broadcast %broadcast_in_dim3A : f32 to vector<16xf32>
      %swap3A = arith.index_cast %scan3A_26 : i32 to index
      %swap3A_29 = arith.constant 0 : index
      %swap3A_30 = tpu.vector_load %arg11[%swap3A, %swap3A_29] {strides = array<i32>} : memref<64x128xf32, #tpu.memory_space<vmem>>, vector<1x16xf32>,
      %swap3A_31 = vector.shape_cast %swap3A_30 : vector<1x16xf32> to vector<16xf32>
      %swap3A_32 = vector.shape_cast %broadcast_in_dim3A_28 : vector<16xf32> to vector<1x16xf32>
      tpu.vector_store %arg11[%swap3A, %swap3A_29], %swap3A_32 {strides = array<i32>} : memref<64x128xf32, #tpu.memory_space<vmem>>, vector<1x16xf32>,
      %broadcast_in_dim3A_33 = arith.constant 0.000000e+00 : f32
      %broadcast_in_dim3A_34 = vector.broadcast %broadcast_in_dim3A_33 : f32 to vector<16xf32>
      %swap3A_35 = arith.index_cast %scan3A_26 : i32 to index
      %swap3A_36 = arith.constant 0 : index
      %swap3A_37 = tpu.vector_load %arg12[%swap3A_35, %swap3A_36] {strides = array<i32>} : memref<64x128xf32, #tpu.memory_space<vmem>>, vector<1x16xf32>,
      %swap3A_38 = vector.shape_cast %swap3A_37 : vector<1x16xf32> to vector<16xf32>
      %swap3A_39 = vector.shape_cast %broadcast_in_dim3A_34 : vector<16xf32> to vector<1x16xf32>
      tpu.vector_store %arg12[%swap3A_35, %swap3A_36], %swap3A_39 {strides = array<i32>} : memref<64x128xf32, #tpu.memory_space<vmem>>, vector<1x16xf32>,
      %broadcast_in_dim3A_40 = arith.constant 0.000000e+00 : f32
      %broadcast_in_dim3A_41 = vector.broadcast %broadcast_in_dim3A_40 : f32 to vector<16xf32>
      %swap3A_42 = arith.index_cast %scan3A_26 : i32 to index
      %swap3A_43 = arith.constant 16 : index
      %swap3A_44 = tpu.vector_load %arg11[%swap3A_42, %swap3A_43] {strides = array<i32>} : memref<64x128xf32, #tpu.memory_space<vmem>>, vector<1x16xf32>,
      %swap3A_45 = vector.shape_cast %swap3A_44 : vector<1x16xf32> to vector<16xf32>
      %swap3A_46 = vector.shape_cast %broadcast_in_dim3A_41 : vector<16xf32> to vector<1x16xf32>
      tpu.vector_store %arg11[%swap3A_42, %swap3A_43], %swap3A_46 {strides = array<i32>} : memref<64x128xf32, #tpu.memory_space<vmem>>, vector<1x16xf32>,
      %broadcast_in_dim3A_47 = arith.constant 0.000000e+00 : f32
      %broadcast_in_dim3A_48 = vector.broadcast %broadcast_in_dim3A_47 : f32 to vector<16xf32>
      %swap3A_49 = arith.index_cast %scan3A_26 : i32 to index
      %swap3A_50 = arith.constant 16 : index
      %swap3A_51 = tpu.vector_load %arg12[%swap3A_49, %swap3A_50] {strides = array<i32>} : memref<64x128xf32, #tpu.memory_space<vmem>>, vector<1x16xf32>,
      %swap3A_52 = vector.shape_cast %swap3A_51 : vector<1x16xf32> to vector<16xf32>
      %swap3A_53 = vector.shape_cast %broadcast_in_dim3A_48 : vector<16xf32> to vector<1x16xf32>
      tpu.vector_store %arg12[%swap3A_49, %swap3A_50], %swap3A_53 {strides = array<i32>} : memref<64x128xf32, #tpu.memory_space<vmem>>, vector<1x16xf32>,
      %broadcast_in_dim3A_54 = arith.constant 0.000000e+00 : f32
      %broadcast_in_dim3A_55 = vector.broadcast %broadcast_in_dim3A_54 : f32 to vector<16xf32>
      %swap3A_56 = arith.index_cast %scan3A_26 : i32 to index
      %swap3A_57 = arith.constant 32 : index
      %swap3A_58 = tpu.vector_load %arg11[%swap3A_56, %swap3A_57] {strides = array<i32>} : memref<64x128xf32, #tpu.memory_space<vmem>>, vector<1x16xf32>,
      %swap3A_59 = vector.shape_cast %swap3A_58 : vector<1x16xf32> to vector<16xf32>
      %swap3A_60 = vector.shape_cast %broadcast_in_dim3A_55 : vector<16xf32> to vector<1x16xf32>
      tpu.vector_store %arg11[%swap3A_56, %swap3A_57], %swap3A_60 {strides = array<i32>} : memref<64x128xf32, #tpu.memory_space<vmem>>, vector<1x16xf32>,
      %broadcast_in_dim3A_61 = arith.constant 0.000000e+00 : f32
      %broadcast_in_dim3A_62 = vector.broadcast %broadcast_in_dim3A_61 : f32 to vector<16xf32>
      %swap3A_63 = arith.index_cast %scan3A_26 : i32 to index
      %swap3A_64 = arith.constant 32 : index
      %swap3A_65 = tpu.vector_load %arg12[%swap3A_63, %swap3A_64] {strides = array<i32>} : memref<64x128xf32, #tpu.memory_space<vmem>>, vector<1x16xf32>,
      %swap3A_66 = vector.shape_cast %swap3A_65 : vector<1x16xf32> to vector<16xf32>
      %swap3A_67 = vector.shape_cast %broadcast_in_dim3A_62 : vector<16xf32> to vector<1x16xf32>
      tpu.vector_store %arg12[%swap3A_63, %swap3A_64], %swap3A_67 {strides = array<i32>} : memref<64x128xf32, #tpu.memory_space<vmem>>, vector<1x16xf32>,
      %broadcast_in_dim3A_68 = arith.constant 0.000000e+00 : f32
      %broadcast_in_dim3A_69 = vector.broadcast %broadcast_in_dim3A_68 : f32 to vector<16xf32>
      %swap3A_70 = arith.index_cast %scan3A_26 : i32 to index
      %swap3A_71 = arith.constant 48 : index
      %swap3A_72 = tpu.vector_load %arg11[%swap3A_70, %swap3A_71] {strides = array<i32>} : memref<64x128xf32, #tpu.memory_space<vmem>>, vector<1x16xf32>,
      %swap3A_73 = vector.shape_cast %swap3A_72 : vector<1x16xf32> to vector<16xf32>
      %swap3A_74 = vector.shape_cast %broadcast_in_dim3A_69 : vector<16xf32> to vector<1x16xf32>
      tpu.vector_store %arg11[%swap3A_70, %swap3A_71], %swap3A_74 {strides = array<i32>} : memref<64x128xf32, #tpu.memory_space<vmem>>, vector<1x16xf32>,
      %broadcast_in_dim3A_75 = arith.constant 0.000000e+00 : f32
      %broadcast_in_dim3A_76 = vector.broadcast %broadcast_in_dim3A_75 : f32 to vector<16xf32>
      %swap3A_77 = arith.index_cast %scan3A_26 : i32 to index
      %swap3A_78 = arith.constant 48 : index
      %swap3A_79 = tpu.vector_load %arg12[%swap3A_77, %swap3A_78] {strides = array<i32>} : memref<64x128xf32, #tpu.memory_space<vmem>>, vector<1x16xf32>,
      %swap3A_80 = vector.shape_cast %swap3A_79 : vector<1x16xf32> to vector<16xf32>
      %swap3A_81 = vector.shape_cast %broadcast_in_dim3A_76 : vector<16xf32> to vector<1x16xf32>
      tpu.vector_store %arg12[%swap3A_77, %swap3A_78], %swap3A_81 {strides = array<i32>} : memref<64x128xf32, #tpu.memory_space<vmem>>, vector<1x16xf32>,
      %broadcast_in_dim3A_82 = arith.constant 0.000000e+00 : f32
      %broadcast_in_dim3A_83 = vector.broadcast %broadcast_in_dim3A_82 : f32 to vector<16xf32>
      %swap3A_84 = arith.index_cast %scan3A_26 : i32 to index
      %swap3A_85 = arith.constant 64 : index
      %swap3A_86 = tpu.vector_load %arg11[%swap3A_84, %swap3A_85] {strides = array<i32>} : memref<64x128xf32, #tpu.memory_space<vmem>>, vector<1x16xf32>,
      %swap3A_87 = vector.shape_cast %swap3A_86 : vector<1x16xf32> to vector<16xf32>
      %swap3A_88 = vector.shape_cast %broadcast_in_dim3A_83 : vector<16xf32> to vector<1x16xf32>
      tpu.vector_store %arg11[%swap3A_84, %swap3A_85], %swap3A_88 {strides = array<i32>} : memref<64x128xf32, #tpu.memory_space<vmem>>, vector<1x16xf32>,
      %broadcast_in_dim3A_89 = arith.constant 0.000000e+00 : f32
      %broadcast_in_dim3A_90 = vector.broadcast %broadcast_in_dim3A_89 : f32 to vector<16xf32>
      %swap3A_91 = arith.index_cast %scan3A_26 : i32 to index
      %swap3A_92 = arith.constant 64 : index
      %swap3A_93 = tpu.vector_load %arg12[%swap3A_91, %swap3A_92] {strides = array<i32>} : memref<64x128xf32, #tpu.memory_space<vmem>>, vector<1x16xf32>,
      %swap3A_94 = vector.shape_cast %swap3A_93 : vector<1x16xf32> to vector<16xf32>
      %swap3A_95 = vector.shape_cast %broadcast_in_dim3A_90 : vector<16xf32> to vector<1x16xf32>
      tpu.vector_store %arg12[%swap3A_91, %swap3A_92], %swap3A_95 {strides = array<i32>} : memref<64x128xf32, #tpu.memory_space<vmem>>, vector<1x16xf32>,
      %broadcast_in_dim3A_96 = arith.constant 0.000000e+00 : f32
      %broadcast_in_dim3A_97 = vector.broadcast %broadcast_in_dim3A_96 : f32 to vector<16xf32>
      %swap3A_98 = arith.index_cast %scan3A_26 : i32 to index
      %swap3A_99 = arith.constant 80 : index
      %swap3A_100 = tpu.vector_load %arg11[%swap3A_98, %swap3A_99] {strides = array<i32>} : memref<64x128xf32, #tpu.memory_space<vmem>>, vector<1x16xf32>,
      %swap3A_101 = vector.shape_cast %swap3A_100 : vector<1x16xf32> to vector<16xf32>
      %swap3A_102 = vector.shape_cast %broadcast_in_dim3A_97 : vector<16xf32> to vector<1x16xf32>
      tpu.vector_store %arg11[%swap3A_98, %swap3A_99], %swap3A_102 {strides = array<i32>} : memref<64x128xf32, #tpu.memory_space<vmem>>, vector<1x16xf32>,
      %broadcast_in_dim3A_103 = arith.constant 0.000000e+00 : f32
      %broadcast_in_dim3A_104 = vector.broadcast %broadcast_in_dim3A_103 : f32 to vector<16xf32>
      %swap3A_105 = arith.index_cast %scan3A_26 : i32 to index
      %swap3A_106 = arith.constant 80 : index
      %swap3A_107 = tpu.vector_load %arg12[%swap3A_105, %swap3A_106] {strides = array<i32>} : memref<64x128xf32, #tpu.memory_space<vmem>>, vector<1x16xf32>,
      %swap3A_108 = vector.shape_cast %swap3A_107 : vector<1x16xf32> to vector<16xf32>
      %swap3A_109 = vector.shape_cast %broadcast_in_dim3A_104 : vector<16xf32> to vector<1x16xf32>
      tpu.vector_store %arg12[%swap3A_105, %swap3A_106], %swap3A_109 {strides = array<i32>} : memref<64x128xf32, #tpu.memory_space<vmem>>, vector<1x16xf32>,
      %broadcast_in_dim3A_110 = arith.constant 0.000000e+00 : f32
      %broadcast_in_dim3A_111 = vector.broadcast %broadcast_in_dim3A_110 : f32 to vector<16xf32>
      %swap3A_112 = arith.index_cast %scan3A_26 : i32 to index
      %swap3A_113 = arith.constant 96 : index
      %swap3A_114 = tpu.vector_load %arg11[%swap3A_112, %swap3A_113] {strides = array<i32>} : memref<64x128xf32, #tpu.memory_space<vmem>>, vector<1x16xf32>,
      %swap3A_115 = vector.shape_cast %swap3A_114 : vector<1x16xf32> to vector<16xf32>
      %swap3A_116 = vector.shape_cast %broadcast_in_dim3A_111 : vector<16xf32> to vector<1x16xf32>
      tpu.vector_store %arg11[%swap3A_112, %swap3A_113], %swap3A_116 {strides = array<i32>} : memref<64x128xf32, #tpu.memory_space<vmem>>, vector<1x16xf32>,
      %broadcast_in_dim3A_117 = arith.constant 0.000000e+00 : f32
      %broadcast_in_dim3A_118 = vector.broadcast %broadcast_in_dim3A_117 : f32 to vector<16xf32>
      %swap3A_119 = arith.index_cast %scan3A_26 : i32 to index
      %swap3A_120 = arith.constant 96 : index
      %swap3A_121 = tpu.vector_load %arg12[%swap3A_119, %swap3A_120] {strides = array<i32>} : memref<64x128xf32, #tpu.memory_space<vmem>>, vector<1x16xf32>,
      %swap3A_122 = vector.shape_cast %swap3A_121 : vector<1x16xf32> to vector<16xf32>
      %swap3A_123 = vector.shape_cast %broadcast_in_dim3A_118 : vector<16xf32> to vector<1x16xf32>
      tpu.vector_store %arg12[%swap3A_119, %swap3A_120], %swap3A_123 {strides = array<i32>} : memref<64x128xf32, #tpu.memory_space<vmem>>, vector<1x16xf32>,
      %broadcast_in_dim3A_124 = arith.constant 0.000000e+00 : f32
      %broadcast_in_dim3A_125 = vector.broadcast %broadcast_in_dim3A_124 : f32 to vector<16xf32>
      %swap3A_126 = arith.index_cast %scan3A_26 : i32 to index
      %swap3A_127 = arith.constant 112 : index
      %swap3A_128 = tpu.vector_load %arg11[%swap3A_126, %swap3A_127] {strides = array<i32>} : memref<64x128xf32, #tpu.memory_space<vmem>>, vector<1x16xf32>,
      %swap3A_129 = vector.shape_cast %swap3A_128 : vector<1x16xf32> to vector<16xf32>
      %swap3A_130 = vector.shape_cast %broadcast_in_dim3A_125 : vector<16xf32> to vector<1x16xf32>
      tpu.vector_store %arg11[%swap3A_126, %swap3A_127], %swap3A_130 {strides = array<i32>} : memref<64x128xf32, #tpu.memory_space<vmem>>, vector<1x16xf32>,
      %broadcast_in_dim3A_131 = arith.constant 0.000000e+00 : f32
      %broadcast_in_dim3A_132 = vector.broadcast %broadcast_in_dim3A_131 : f32 to vector<16xf32>
      %swap3A_133 = arith.index_cast %scan3A_26 : i32 to index
      %swap3A_134 = arith.constant 112 : index
      %swap3A_135 = tpu.vector_load %arg12[%swap3A_133, %swap3A_134] {strides = array<i32>} : memref<64x128xf32, #tpu.memory_space<vmem>>, vector<1x16xf32>,
      %swap3A_136 = vector.shape_cast %swap3A_135 : vector<1x16xf32> to vector<16xf32>
      %swap3A_137 = vector.shape_cast %broadcast_in_dim3A_132 : vector<16xf32> to vector<1x16xf32>
      tpu.vector_store %arg12[%swap3A_133, %swap3A_134], %swap3A_137 {strides = array<i32>} : memref<64x128xf32, #tpu.memory_space<vmem>>, vector<1x16xf32>,
      %scan3A_138 = arith.constant 0 : i32
      scf.yield %scan3A_138 : i32
    }
    %scan3A_6 = arith.constant 64 : i32
    %scan3A_7 = arith.constant 0 : i32
    %scan3A_8 = arith.constant 0 : i32
    %scan3A_9 = arith.constant 5 : i32
    %scan3A_10 = arith.addi %scan3A_8, %scan3A_9 : i32
    %scan3A_11 = arith.constant 1 : i32
    %scan3A_12 = scf.for %scan3A_26 = %scan3A_8 to %scan3A_10 step %scan3A_11 iter_args(%scan3A_27 = %scan3A_7) -> (i32)  : i32 {
      %mul3A_28 = arith.constant 320 : i32
      %mul3A_29 = arith.muli %arg1, %mul3A_28 : i32
      %mul3A_30 = arith.constant 64 : i32
      %mul3A_31 = arith.muli %scan3A_26, %mul3A_30 : i32
      %add3A_32 = arith.addi %mul3A_29, %mul3A_31 : i32
      "tpu.region"() ({
        %run_scoped3A = tpu.sem_alloc : memref<!tpu.dma_semaphore, #tpu.memory_space<semaphore_mem>>
        %dma_start3A = arith.constant 0 : i32
        %dma_start3A_34 = tpu.memref_slice %arg15[%add3A_32, %dma_start3A] : memref<5120x128xf32, #tpu.memory_space<vmem_shared>> -> memref<64x128xf32, #tpu.memory_space<vmem_shared>>
        %dma_start3A_35 = arith.constant 0 : i32
        %dma_start3A_36 = tpu.memref_slice %arg15[%add3A_32, %dma_start3A_35] : memref<5120x128xf32, #tpu.memory_space<vmem_shared>> -> memref<64x128xf32, #tpu.memory_space<vmem_shared>>
        tpu.enqueue_dma source(%arg11 : memref<64x128xf32, #tpu.memory_space<vmem>>) target(%dma_start3A_36 : memref<64x128xf32, #tpu.memory_space<vmem_shared>>) target_semaphore(%run_scoped3A : memref<!tpu.dma_semaphore, #tpu.memory_space<semaphore_mem>>)
        %dma_wait3A = arith.constant 0 : i32
        %dma_wait3A_37 = tpu.memref_slice %arg15[%add3A_32, %dma_wait3A] : memref<5120x128xf32, #tpu.memory_space<vmem_shared>> -> memref<64x128xf32, #tpu.memory_space<vmem_shared>>
        %dma_wait3A_38 = arith.constant 0 : i32
        %dma_wait3A_39 = tpu.memref_slice %arg15[%add3A_32, %dma_wait3A_38] : memref<5120x128xf32, #tpu.memory_space<vmem_shared>> -> memref<64x128xf32, #tpu.memory_space<vmem_shared>>
        tpu.wait_dma2 semaphore(%run_scoped3A : memref<!tpu.dma_semaphore, #tpu.memory_space<semaphore_mem>>) src(%arg11 : memref<64x128xf32, #tpu.memory_space<vmem>>) dst(%dma_wait3A_39 : memref<64x128xf32, #tpu.memory_space<vmem_shared>>)
        tpu.yield
      }) : () -> ()
      %scan3A_33 = arith.constant 0 : i32
      scf.yield %scan3A_33 : i32
    }
    %scan3A_13 = arith.constant 5 : i32
    %barrier3A = arith.constant 0 : index
    tpu.barrier barrier_id(%barrier3A)
    %scan3A_14 = arith.constant 0 : i32
    %scan3A_15 = arith.constant 0 : i32
    %scan3A_16 = arith.constant 157 : i32
    %scan3A_17 = arith.addi %scan3A_15, %scan3A_16 : i32
    %scan3A_18 = arith.constant 1 : i32
    %scan3A_19 = scf.for %scan3A_26 = %scan3A_15 to %scan3A_17 step %scan3A_18 iter_args(%scan3A_27 = %scan3A_14) -> (i32)  : i32 {
      %mul3A_28 = arith.constant 10048 : i32
      %mul3A_29 = arith.muli %add3A, %mul3A_28 : i32
      %mul3A_30 = arith.constant 64 : i32
      %mul3A_31 = arith.muli %scan3A_26, %mul3A_30 : i32
      %add3A_32 = arith.addi %mul3A_29, %mul3A_31 : i32
      %multiple_of3A = tpu.assume_multiple %add3A_32, 8 : i32
      "tpu.region"() ({
        %run_scoped3A = tpu.sem_alloc : memref<!tpu.dma_semaphore, #tpu.memory_space<semaphore_mem>>
        %dma_start3A_52 = tpu.memref_slice %arg3[%multiple_of3A] : memref<321536xi32, #tpu.memory_space<hbm>> -> memref<64xi32, #tpu.memory_space<hbm>>
        %dma_start3A_53 = tpu.memref_slice %arg3[%multiple_of3A] : memref<321536xi32, #tpu.memory_space<hbm>> -> memref<64xi32, #tpu.memory_space<hbm>>
        tpu.enqueue_dma source(%dma_start3A_53 : memref<64xi32, #tpu.memory_space<hbm>>) target(%arg7 : memref<64xi32, #tpu.memory_space<vmem>>) target_semaphore(%run_scoped3A : memref<!tpu.dma_semaphore, #tpu.memory_space<semaphore_mem>>)
        %dma_wait3A_54 = tpu.memref_slice %arg3[%multiple_of3A] : memref<321536xi32, #tpu.memory_space<hbm>> -> memref<64xi32, #tpu.memory_space<hbm>>
        %dma_wait3A_55 = tpu.memref_slice %arg3[%multiple_of3A] : memref<321536xi32, #tpu.memory_space<hbm>> -> memref<64xi32, #tpu.memory_space<hbm>>
        tpu.wait_dma2 semaphore(%run_scoped3A : memref<!tpu.dma_semaphore, #tpu.memory_space<semaphore_mem>>) src(%dma_wait3A_55 : memref<64xi32, #tpu.memory_space<hbm>>) dst(%arg7 : memref<64xi32, #tpu.memory_space<vmem>>)
        tpu.yield
      }) : () -> ()
      "tpu.region"() ({
        %run_scoped3A = tpu.sem_alloc : memref<!tpu.dma_semaphore, #tpu.memory_space<semaphore_mem>>
        %dma_start3A_52 = tpu.memref_slice %arg4[%multiple_of3A] : memref<321536xi32, #tpu.memory_space<hbm>> -> memref<64xi32, #tpu.memory_space<hbm>>
        %dma_start3A_53 = tpu.memref_slice %arg4[%multiple_of3A] : memref<321536xi32, #tpu.memory_space<hbm>> -> memref<64xi32, #tpu.memory_space<hbm>>
        tpu.enqueue_dma source(%dma_start3A_53 : memref<64xi32, #tpu.memory_space<hbm>>) target(%arg8 : memref<64xi32, #tpu.memory_space<vmem>>) target_semaphore(%run_scoped3A : memref<!tpu.dma_semaphore, #tpu.memory_space<semaphore_mem>>)
        %dma_wait3A_54 = tpu.memref_slice %arg4[%multiple_of3A] : memref<321536xi32, #tpu.memory_space<hbm>> -> memref<64xi32, #tpu.memory_space<hbm>>
        %dma_wait3A_55 = tpu.memref_slice %arg4[%multiple_of3A] : memref<321536xi32, #tpu.memory_space<hbm>> -> memref<64xi32, #tpu.memory_space<hbm>>
        tpu.wait_dma2 semaphore(%run_scoped3A : memref<!tpu.dma_semaphore, #tpu.memory_space<semaphore_mem>>) src(%dma_wait3A_55 : memref<64xi32, #tpu.memory_space<hbm>>) dst(%arg8 : memref<64xi32, #tpu.memory_space<vmem>>)
        tpu.yield
      }) : () -> ()
      "tpu.region"() ({
        %run_scoped3A = tpu.sem_alloc : memref<!tpu.dma_semaphore, #tpu.memory_space<semaphore_mem>>
        %dma_start3A_52 = arith.constant 0 : i32
        %dma_start3A_53 = tpu.memref_slice %arg5[%multiple_of3A, %dma_start3A_52] : memref<321536x16xf32, #tpu.memory_space<hbm>> -> memref<64x16xf32, #tpu.memory_space<hbm>>
        %dma_start3A_54 = arith.constant 0 : i32
        %dma_start3A_55 = tpu.memref_slice %arg5[%multiple_of3A, %dma_start3A_54] : memref<321536x16xf32, #tpu.memory_space<hbm>> -> memref<64x16xf32, #tpu.memory_space<hbm>>
        tpu.enqueue_dma source(%dma_start3A_55 : memref<64x16xf32, #tpu.memory_space<hbm>>) target(%arg9 : memref<64x16xf32, #tpu.memory_space<vmem>>) target_semaphore(%run_scoped3A : memref<!tpu.dma_semaphore, #tpu.memory_space<semaphore_mem>>)
        %dma_wait3A_56 = arith.constant 0 : i32
        %dma_wait3A_57 = tpu.memref_slice %arg5[%multiple_of3A, %dma_wait3A_56] : memref<321536x16xf32, #tpu.memory_space<hbm>> -> memref<64x16xf32, #tpu.memory_space<hbm>>
        %dma_wait3A_58 = arith.constant 0 : i32
        %dma_wait3A_59 = tpu.memref_slice %arg5[%multiple_of3A, %dma_wait3A_58] : memref<321536x16xf32, #tpu.memory_space<hbm>> -> memref<64x16xf32, #tpu.memory_space<hbm>>
        tpu.wait_dma2 semaphore(%run_scoped3A : memref<!tpu.dma_semaphore, #tpu.memory_space<semaphore_mem>>) src(%dma_wait3A_59 : memref<64x16xf32, #tpu.memory_space<hbm>>) dst(%arg9 : memref<64x16xf32, #tpu.memory_space<vmem>>)
        tpu.yield
      }) : () -> ()
      %dma_start3A = arith.constant 0 : i32
      %dma_start3A_33 = arith.constant 0 : i32
      %dma_start3A_34 = tpu.memref_slice %arg2[%dma_start3A, %dma_start3A_33] : memref<10000x768xf32, #tpu.memory_space<hbm>> -> memref<10000x768xf32, #tpu.memory_space<hbm>>
      tpu.enqueue_indirect_dma source(%dma_start3A_34 : memref<10000x768xf32, #tpu.memory_space<hbm>>) target(%arg10 : memref<64x768xf32, #tpu.memory_space<vmem>>) offsets(%arg7 : memref<64xi32, #tpu.memory_space<vmem>>) semaphore(%arg16 : memref<!tpu.dma_semaphore, #tpu.memory_space<semaphore_mem>>)
      %dma_wait3A = arith.constant 0 : i32
      %dma_wait3A_35 = arith.constant 0 : i32
      %dma_wait3A_36 = tpu.memref_slice %arg2[%dma_wait3A, %dma_wait3A_35] : memref<10000x768xf32, #tpu.memory_space<hbm>> -> memref<10000x768xf32, #tpu.memory_space<hbm>>
      tpu.wait_indirect_dma semaphore(%arg16 : memref<!tpu.dma_semaphore, #tpu.memory_space<semaphore_mem>>) src(%dma_wait3A_36 : memref<10000x768xf32, #tpu.memory_space<hbm>>) dst(%arg10 : memref<64x768xf32, #tpu.memory_space<vmem>>)
      %scan3A_37 = arith.constant 0 : i32
      %scan3A_38 = arith.constant 0 : i32
      %scan3A_39 = arith.constant 4 : i32
      %scan3A_40 = arith.addi %scan3A_38, %scan3A_39 : i32
      %scan3A_41 = arith.constant 1 : i32
      %scan3A_42 = scf.for %scan3A_52 = %scan3A_38 to %scan3A_40 step %scan3A_41 iter_args(%scan3A_53 = %scan3A_37) -> (i32)  : i32 {
        %mul3A_54 = arith.constant 16 : i32
        %mul3A_55 = arith.muli %scan3A_52, %mul3A_54 : i32
        %get3A = arith.index_cast %mul3A_55 : i32 to index
        %get3A_56 = tpu.vector_load %arg8[%get3A] {strides = array<i32>} : memref<64xi32, #tpu.memory_space<vmem>>, vector<16xi32>,
        %get3A_57 = vector.shape_cast %get3A_56 : vector<16xi32> to vector<16xi32>
        %shift_right_logical3A = arith.constant 1 : i32
        %shift_right_logical3A_58 = vector.broadcast %shift_right_logical3A : i32 to vector<16xi32>
        %shift_right_logical3A_59 = arith.shrui %get3A_57, %shift_right_logical3A_58 : vector<16xi32>
        %rem3A = arith.constant 2 : i32
        %rem3A_60 = vector.broadcast %rem3A : i32 to vector<16xi32>
        %rem3A_61 = arith.remsi %get3A_57, %rem3A_60 : vector<16xi32>
        %eq3A = arith.constant 1 : i32
        %eq3A_62 = vector.broadcast %eq3A : i32 to vector<16xi32>
        %eq3A_63 = arith.cmpi eq, %rem3A_61, %eq3A_62 : vector<16xi32>
        %jit3A = arith.constant 5100 : i32
        %broadcast_in_dim3A = vector.broadcast %jit3A : i32 to vector<16xi32>
        %select_n3A = arith.select %eq3A_63, %broadcast_in_dim3A, %shift_right_logical3A_59 : vector<16xi1>, vector<16xi32>
        %mul3A_64 = arith.constant 16 : i32
        %mul3A_65 = arith.muli %scan3A_52, %mul3A_64 : i32
        %swap3A = arith.index_cast %mul3A_65 : i32 to index
        %swap3A_66 = tpu.vector_load %arg13[%swap3A] {strides = array<i32>} : memref<64xi32, #tpu.memory_space<vmem>>, vector<16xi32>,
        %swap3A_67 = vector.shape_cast %swap3A_66 : vector<16xi32> to vector<16xi32>
        %swap3A_68 = vector.shape_cast %select_n3A : vector<16xi32> to vector<16xi32>
        tpu.vector_store %arg13[%swap3A], %swap3A_68 {strides = array<i32>} : memref<64xi32, #tpu.memory_space<vmem>>, vector<16xi32>,
        %jit3A_69 = arith.constant 5100 : i32
        %broadcast_in_dim3A_70 = vector.broadcast %jit3A_69 : i32 to vector<16xi32>
        %select_n3A_71 = arith.select %eq3A_63, %shift_right_logical3A_59, %broadcast_in_dim3A_70 : vector<16xi1>, vector<16xi32>
        %mul3A_72 = arith.constant 16 : i32
        %mul3A_73 = arith.muli %scan3A_52, %mul3A_72 : i32
        %swap3A_74 = arith.index_cast %mul3A_73 : i32 to index
        %swap3A_75 = tpu.vector_load %arg14[%swap3A_74] {strides = array<i32>} : memref<64xi32, #tpu.memory_space<vmem>>, vector<16xi32>,
        %swap3A_76 = vector.shape_cast %swap3A_75 : vector<16xi32> to vector<16xi32>
        %swap3A_77 = vector.shape_cast %select_n3A_71 : vector<16xi32> to vector<16xi32>
        tpu.vector_store %arg14[%swap3A_74], %swap3A_77 {strides = array<i32>} : memref<64xi32, #tpu.memory_space<vmem>>, vector<16xi32>,
        %scan3A_78 = arith.constant 0 : i32
        scf.yield %scan3A_78 : i32
      }
      %scan3A_43 = arith.constant 4 : i32
      %scan3A_44 = arith.constant 0 : i32
      %scan3A_45 = arith.constant 0 : i32
      %scan3A_46 = arith.constant 64 : i32
      %scan3A_47 = arith.addi %scan3A_45, %scan3A_46 : i32
      %scan3A_48 = arith.constant 1 : i32
      %scan3A_49 = scf.for %scan3A_52 = %scan3A_45 to %scan3A_47 step %scan3A_48 iter_args(%scan3A_53 = %scan3A_44) -> (i32)  : i32 {
        %get3A = arith.index_cast %scan3A_52 : i32 to index
        %get3A_54 = arith.constant 0 : index
        %get3A_55 = tpu.vector_load %arg9[%get3A, %get3A_54] {strides = array<i32>} : memref<64x16xf32, #tpu.memory_space<vmem>>, vector<1x16xf32>,
        %get3A_56 = vector.shape_cast %get3A_55 : vector<1x16xf32> to vector<16xf32>
        %slice3A = vector.extract_strided_slice %get3A_56 {offsets = [0], sizes = [1], strides = [1]} : vector<16xf32> to vector<1xf32>
        %squeeze3A = vector.extract %slice3A[0] : f32 from vector<1xf32>
        %get3A_57 = arith.index_cast %scan3A_52 : i32 to index
        %get3A_58 = arith.constant 0 : index
        %get3A_59 = tpu.vector_load %arg10[%get3A_57, %get3A_58] {strides = array<i32>} : memref<64x768xf32, #tpu.memory_space<vmem>>, vector<1x16xf32>,
        %get3A_60 = vector.shape_cast %get3A_59 : vector<1x16xf32> to vector<16xf32>
        %mul3A_61 = vector.broadcast %squeeze3A : f32 to vector<16xf32>
        %mul3A_62 = arith.mulf %mul3A_61, %get3A_60 : vector<16xf32>
        %slice3A_63 = vector.extract_strided_slice %get3A_56 {offsets = [1], sizes = [1], strides = [1]} : vector<16xf32> to vector<1xf32>
        %squeeze3A_64 = vector.extract %slice3A_63[0] : f32 from vector<1xf32>
        %get3A_65 = arith.index_cast %scan3A_52 : i32 to index
        %get3A_66 = arith.constant 64 : index
        %get3A_67 = tpu.vector_load %arg10[%get3A_65, %get3A_66] {strides = array<i32>} : memref<64x768xf32, #tpu.memory_space<vmem>>, vector<1x16xf32>,
        %get3A_68 = vector.shape_cast %get3A_67 : vector<1x16xf32> to vector<16xf32>
        %mul3A_69 = vector.broadcast %squeeze3A_64 : f32 to vector<16xf32>
        %mul3A_70 = arith.mulf %mul3A_69, %get3A_68 : vector<16xf32>
        %add3A_71 = arith.addf %mul3A_62, %mul3A_70 : vector<16xf32>
        %slice3A_72 = vector.extract_strided_slice %get3A_56 {offsets = [2], sizes = [1], strides = [1]} : vector<16xf32> to vector<1xf32>
        %squeeze3A_73 = vector.extract %slice3A_72[0] : f32 from vector<1xf32>
        %get3A_74 = arith.index_cast %scan3A_52 : i32 to index
        %get3A_75 = arith.constant 128 : index
        %get3A_76 = tpu.vector_load %arg10[%get3A_74, %get3A_75] {strides = array<i32>} : memref<64x768xf32, #tpu.memory_space<vmem>>, vector<1x16xf32>,
        %get3A_77 = vector.shape_cast %get3A_76 : vector<1x16xf32> to vector<16xf32>
        %mul3A_78 = vector.broadcast %squeeze3A_73 : f32 to vector<16xf32>
        %mul3A_79 = arith.mulf %mul3A_78, %get3A_77 : vector<16xf32>
        %add3A_80 = arith.addf %add3A_71, %mul3A_79 : vector<16xf32>
        %slice3A_81 = vector.extract_strided_slice %get3A_56 {offsets = [3], sizes = [1], strides = [1]} : vector<16xf32> to vector<1xf32>
        %squeeze3A_82 = vector.extract %slice3A_81[0] : f32 from vector<1xf32>
        %get3A_83 = arith.index_cast %scan3A_52 : i32 to index
        %get3A_84 = arith.constant 192 : index
        %get3A_85 = tpu.vector_load %arg10[%get3A_83, %get3A_84] {strides = array<i32>} : memref<64x768xf32, #tpu.memory_space<vmem>>, vector<1x16xf32>,
        %get3A_86 = vector.shape_cast %get3A_85 : vector<1x16xf32> to vector<16xf32>
        %mul3A_87 = vector.broadcast %squeeze3A_82 : f32 to vector<16xf32>
        %mul3A_88 = arith.mulf %mul3A_87, %get3A_86 : vector<16xf32>
        %add3A_89 = arith.addf %add3A_80, %mul3A_88 : vector<16xf32>
        %slice3A_90 = vector.extract_strided_slice %get3A_56 {offsets = [4], sizes = [1], strides = [1]} : vector<16xf32> to vector<1xf32>
        %squeeze3A_91 = vector.extract %slice3A_90[0] : f32 from vector<1xf32>
        %get3A_92 = arith.index_cast %scan3A_52 : i32 to index
        %get3A_93 = arith.constant 256 : index
        %get3A_94 = tpu.vector_load %arg10[%get3A_92, %get3A_93] {strides = array<i32>} : memref<64x768xf32, #tpu.memory_space<vmem>>, vector<1x16xf32>,
        %get3A_95 = vector.shape_cast %get3A_94 : vector<1x16xf32> to vector<16xf32>
        %mul3A_96 = vector.broadcast %squeeze3A_91 : f32 to vector<16xf32>
        %mul3A_97 = arith.mulf %mul3A_96, %get3A_95 : vector<16xf32>
        %add3A_98 = arith.addf %add3A_89, %mul3A_97 : vector<16xf32>
        %slice3A_99 = vector.extract_strided_slice %get3A_56 {offsets = [5], sizes = [1], strides = [1]} : vector<16xf32> to vector<1xf32>
        %squeeze3A_100 = vector.extract %slice3A_99[0] : f32 from vector<1xf32>
        %get3A_101 = arith.index_cast %scan3A_52 : i32 to index
        %get3A_102 = arith.constant 320 : index
        %get3A_103 = tpu.vector_load %arg10[%get3A_101, %get3A_102] {strides = array<i32>} : memref<64x768xf32, #tpu.memory_space<vmem>>, vector<1x16xf32>,
        %get3A_104 = vector.shape_cast %get3A_103 : vector<1x16xf32> to vector<16xf32>
        %mul3A_105 = vector.broadcast %squeeze3A_100 : f32 to vector<16xf32>
        %mul3A_106 = arith.mulf %mul3A_105, %get3A_104 : vector<16xf32>
        %add3A_107 = arith.addf %add3A_98, %mul3A_106 : vector<16xf32>
        %slice3A_108 = vector.extract_strided_slice %get3A_56 {offsets = [6], sizes = [1], strides = [1]} : vector<16xf32> to vector<1xf32>
        %squeeze3A_109 = vector.extract %slice3A_108[0] : f32 from vector<1xf32>
        %get3A_110 = arith.index_cast %scan3A_52 : i32 to index
        %get3A_111 = arith.constant 384 : index
        %get3A_112 = tpu.vector_load %arg10[%get3A_110, %get3A_111] {strides = array<i32>} : memref<64x768xf32, #tpu.memory_space<vmem>>, vector<1x16xf32>,
        %get3A_113 = vector.shape_cast %get3A_112 : vector<1x16xf32> to vector<16xf32>
        %mul3A_114 = vector.broadcast %squeeze3A_109 : f32 to vector<16xf32>
        %mul3A_115 = arith.mulf %mul3A_114, %get3A_113 : vector<16xf32>
        %add3A_116 = arith.addf %add3A_107, %mul3A_115 : vector<16xf32>
        %slice3A_117 = vector.extract_strided_slice %get3A_56 {offsets = [7], sizes = [1], strides = [1]} : vector<16xf32> to vector<1xf32>
        %squeeze3A_118 = vector.extract %slice3A_117[0] : f32 from vector<1xf32>
        %get3A_119 = arith.index_cast %scan3A_52 : i32 to index
        %get3A_120 = arith.constant 448 : index
        %get3A_121 = tpu.vector_load %arg10[%get3A_119, %get3A_120] {strides = array<i32>} : memref<64x768xf32, #tpu.memory_space<vmem>>, vector<1x16xf32>,
        %get3A_122 = vector.shape_cast %get3A_121 : vector<1x16xf32> to vector<16xf32>
        %mul3A_123 = vector.broadcast %squeeze3A_118 : f32 to vector<16xf32>
        %mul3A_124 = arith.mulf %mul3A_123, %get3A_122 : vector<16xf32>
        %add3A_125 = arith.addf %add3A_116, %mul3A_124 : vector<16xf32>
        %slice3A_126 = vector.extract_strided_slice %get3A_56 {offsets = [8], sizes = [1], strides = [1]} : vector<16xf32> to vector<1xf32>
        %squeeze3A_127 = vector.extract %slice3A_126[0] : f32 from vector<1xf32>
        %get3A_128 = arith.index_cast %scan3A_52 : i32 to index
        %get3A_129 = arith.constant 512 : index
        %get3A_130 = tpu.vector_load %arg10[%get3A_128, %get3A_129] {strides = array<i32>} : memref<64x768xf32, #tpu.memory_space<vmem>>, vector<1x16xf32>,
        %get3A_131 = vector.shape_cast %get3A_130 : vector<1x16xf32> to vector<16xf32>
        %mul3A_132 = vector.broadcast %squeeze3A_127 : f32 to vector<16xf32>
        %mul3A_133 = arith.mulf %mul3A_132, %get3A_131 : vector<16xf32>
        %add3A_134 = arith.addf %add3A_125, %mul3A_133 : vector<16xf32>
        %slice3A_135 = vector.extract_strided_slice %get3A_56 {offsets = [9], sizes = [1], strides = [1]} : vector<16xf32> to vector<1xf32>
        %squeeze3A_136 = vector.extract %slice3A_135[0] : f32 from vector<1xf32>
        %get3A_137 = arith.index_cast %scan3A_52 : i32 to index
        %get3A_138 = arith.constant 576 : index
        %get3A_139 = tpu.vector_load %arg10[%get3A_137, %get3A_138] {strides = array<i32>} : memref<64x768xf32, #tpu.memory_space<vmem>>, vector<1x16xf32>,
        %get3A_140 = vector.shape_cast %get3A_139 : vector<1x16xf32> to vector<16xf32>
        %mul3A_141 = vector.broadcast %squeeze3A_136 : f32 to vector<16xf32>
        %mul3A_142 = arith.mulf %mul3A_141, %get3A_140 : vector<16xf32>
        %add3A_143 = arith.addf %add3A_134, %mul3A_142 : vector<16xf32>
        %slice3A_144 = vector.extract_strided_slice %get3A_56 {offsets = [10], sizes = [1], strides = [1]} : vector<16xf32> to vector<1xf32>
        %squeeze3A_145 = vector.extract %slice3A_144[0] : f32 from vector<1xf32>
        %get3A_146 = arith.index_cast %scan3A_52 : i32 to index
        %get3A_147 = arith.constant 640 : index
        %get3A_148 = tpu.vector_load %arg10[%get3A_146, %get3A_147] {strides = array<i32>} : memref<64x768xf32, #tpu.memory_space<vmem>>, vector<1x16xf32>,
        %get3A_149 = vector.shape_cast %get3A_148 : vector<1x16xf32> to vector<16xf32>
        %mul3A_150 = vector.broadcast %squeeze3A_145 : f32 to vector<16xf32>
        %mul3A_151 = arith.mulf %mul3A_150, %get3A_149 : vector<16xf32>
        %add3A_152 = arith.addf %add3A_143, %mul3A_151 : vector<16xf32>
        %swap3A = arith.index_cast %scan3A_52 : i32 to index
        %swap3A_153 = arith.constant 0 : index
        %swap3A_154 = tpu.vector_load %arg11[%swap3A, %swap3A_153] {strides = array<i32>} : memref<64x128xf32, #tpu.memory_space<vmem>>, vector<1x16xf32>,
        %swap3A_155 = vector.shape_cast %swap3A_154 : vector<1x16xf32> to vector<16xf32>
        %swap3A_156 = vector.shape_cast %add3A_152 : vector<16xf32> to vector<1x16xf32>
        tpu.vector_store %arg11[%swap3A, %swap3A_153], %swap3A_156 {strides = array<i32>} : memref<64x128xf32, #tpu.memory_space<vmem>>, vector<1x16xf32>,
        %swap3A_157 = arith.index_cast %scan3A_52 : i32 to index
        %swap3A_158 = arith.constant 64 : index
        %swap3A_159 = tpu.vector_load %arg12[%swap3A_157, %swap3A_158] {strides = array<i32>} : memref<64x128xf32, #tpu.memory_space<vmem>>, vector<1x16xf32>,
        %swap3A_160 = vector.shape_cast %swap3A_159 : vector<1x16xf32> to vector<16xf32>
        %swap3A_161 = vector.shape_cast %add3A_152 : vector<16xf32> to vector<1x16xf32>
        tpu.vector_store %arg12[%swap3A_157, %swap3A_158], %swap3A_161 {strides = array<i32>} : memref<64x128xf32, #tpu.memory_space<vmem>>, vector<1x16xf32>,
        %slice3A_162 = vector.extract_strided_slice %get3A_56 {offsets = [0], sizes = [1], strides = [1]} : vector<16xf32> to vector<1xf32>
        %squeeze3A_163 = vector.extract %slice3A_162[0] : f32 from vector<1xf32>
        %get3A_164 = arith.index_cast %scan3A_52 : i32 to index
        %get3A_165 = arith.constant 16 : index
        %get3A_166 = tpu.vector_load %arg10[%get3A_164, %get3A_165] {strides = array<i32>} : memref<64x768xf32, #tpu.memory_space<vmem>>, vector<1x16xf32>,
        %get3A_167 = vector.shape_cast %get3A_166 : vector<1x16xf32> to vector<16xf32>
        %mul3A_168 = vector.broadcast %squeeze3A_163 : f32 to vector<16xf32>
        %mul3A_169 = arith.mulf %mul3A_168, %get3A_167 : vector<16xf32>
        %slice3A_170 = vector.extract_strided_slice %get3A_56 {offsets = [1], sizes = [1], strides = [1]} : vector<16xf32> to vector<1xf32>
        %squeeze3A_171 = vector.extract %slice3A_170[0] : f32 from vector<1xf32>
        %get3A_172 = arith.index_cast %scan3A_52 : i32 to index
        %get3A_173 = arith.constant 80 : index
        %get3A_174 = tpu.vector_load %arg10[%get3A_172, %get3A_173] {strides = array<i32>} : memref<64x768xf32, #tpu.memory_space<vmem>>, vector<1x16xf32>,
        %get3A_175 = vector.shape_cast %get3A_174 : vector<1x16xf32> to vector<16xf32>
        %mul3A_176 = vector.broadcast %squeeze3A_171 : f32 to vector<16xf32>
        %mul3A_177 = arith.mulf %mul3A_176, %get3A_175 : vector<16xf32>
        %add3A_178 = arith.addf %mul3A_169, %mul3A_177 : vector<16xf32>
        %slice3A_179 = vector.extract_strided_slice %get3A_56 {offsets = [2], sizes = [1], strides = [1]} : vector<16xf32> to vector<1xf32>
        %squeeze3A_180 = vector.extract %slice3A_179[0] : f32 from vector<1xf32>
        %get3A_181 = arith.index_cast %scan3A_52 : i32 to index
        %get3A_182 = arith.constant 144 : index
        %get3A_183 = tpu.vector_load %arg10[%get3A_181, %get3A_182] {strides = array<i32>} : memref<64x768xf32, #tpu.memory_space<vmem>>, vector<1x16xf32>,
        %get3A_184 = vector.shape_cast %get3A_183 : vector<1x16xf32> to vector<16xf32>
        %mul3A_185 = vector.broadcast %squeeze3A_180 : f32 to vector<16xf32>
        %mul3A_186 = arith.mulf %mul3A_185, %get3A_184 : vector<16xf32>
        %add3A_187 = arith.addf %add3A_178, %mul3A_186 : vector<16xf32>
        %slice3A_188 = vector.extract_strided_slice %get3A_56 {offsets = [3], sizes = [1], strides = [1]} : vector<16xf32> to vector<1xf32>
        %squeeze3A_189 = vector.extract %slice3A_188[0] : f32 from vector<1xf32>
        %get3A_190 = arith.index_cast %scan3A_52 : i32 to index
        %get3A_191 = arith.constant 208 : index
        %get3A_192 = tpu.vector_load %arg10[%get3A_190, %get3A_191] {strides = array<i32>} : memref<64x768xf32, #tpu.memory_space<vmem>>, vector<1x16xf32>,
        %get3A_193 = vector.shape_cast %get3A_192 : vector<1x16xf32> to vector<16xf32>
        %mul3A_194 = vector.broadcast %squeeze3A_189 : f32 to vector<16xf32>
        %mul3A_195 = arith.mulf %mul3A_194, %get3A_193 : vector<16xf32>
        %add3A_196 = arith.addf %add3A_187, %mul3A_195 : vector<16xf32>
        %slice3A_197 = vector.extract_strided_slice %get3A_56 {offsets = [4], sizes = [1], strides = [1]} : vector<16xf32> to vector<1xf32>
        %squeeze3A_198 = vector.extract %slice3A_197[0] : f32 from vector<1xf32>
        %get3A_199 = arith.index_cast %scan3A_52 : i32 to index
        %get3A_200 = arith.constant 272 : index
        %get3A_201 = tpu.vector_load %arg10[%get3A_199, %get3A_200] {strides = array<i32>} : memref<64x768xf32, #tpu.memory_space<vmem>>, vector<1x16xf32>,
        %get3A_202 = vector.shape_cast %get3A_201 : vector<1x16xf32> to vector<16xf32>
        %mul3A_203 = vector.broadcast %squeeze3A_198 : f32 to vector<16xf32>
        %mul3A_204 = arith.mulf %mul3A_203, %get3A_202 : vector<16xf32>
        %add3A_205 = arith.addf %add3A_196, %mul3A_204 : vector<16xf32>
        %slice3A_206 = vector.extract_strided_slice %get3A_56 {offsets = [5], sizes = [1], strides = [1]} : vector<16xf32> to vector<1xf32>
        %squeeze3A_207 = vector.extract %slice3A_206[0] : f32 from vector<1xf32>
        %get3A_208 = arith.index_cast %scan3A_52 : i32 to index
        %get3A_209 = arith.constant 336 : index
        %get3A_210 = tpu.vector_load %arg10[%get3A_208, %get3A_209] {strides = array<i32>} : memref<64x768xf32, #tpu.memory_space<vmem>>, vector<1x16xf32>,
        %get3A_211 = vector.shape_cast %get3A_210 : vector<1x16xf32> to vector<16xf32>
        %mul3A_212 = vector.broadcast %squeeze3A_207 : f32 to vector<16xf32>
        %mul3A_213 = arith.mulf %mul3A_212, %get3A_211 : vector<16xf32>
        %add3A_214 = arith.addf %add3A_205, %mul3A_213 : vector<16xf32>
        %slice3A_215 = vector.extract_strided_slice %get3A_56 {offsets = [6], sizes = [1], strides = [1]} : vector<16xf32> to vector<1xf32>
        %squeeze3A_216 = vector.extract %slice3A_215[0] : f32 from vector<1xf32>
        %get3A_217 = arith.index_cast %scan3A_52 : i32 to index
        %get3A_218 = arith.constant 400 : index
        %get3A_219 = tpu.vector_load %arg10[%get3A_217, %get3A_218] {strides = array<i32>} : memref<64x768xf32, #tpu.memory_space<vmem>>, vector<1x16xf32>,
        %get3A_220 = vector.shape_cast %get3A_219 : vector<1x16xf32> to vector<16xf32>
        %mul3A_221 = vector.broadcast %squeeze3A_216 : f32 to vector<16xf32>
        %mul3A_222 = arith.mulf %mul3A_221, %get3A_220 : vector<16xf32>
        %add3A_223 = arith.addf %add3A_214, %mul3A_222 : vector<16xf32>
        %slice3A_224 = vector.extract_strided_slice %get3A_56 {offsets = [7], sizes = [1], strides = [1]} : vector<16xf32> to vector<1xf32>
        %squeeze3A_225 = vector.extract %slice3A_224[0] : f32 from vector<1xf32>
        %get3A_226 = arith.index_cast %scan3A_52 : i32 to index
        %get3A_227 = arith.constant 464 : index
        %get3A_228 = tpu.vector_load %arg10[%get3A_226, %get3A_227] {strides = array<i32>} : memref<64x768xf32, #tpu.memory_space<vmem>>, vector<1x16xf32>,
        %get3A_229 = vector.shape_cast %get3A_228 : vector<1x16xf32> to vector<16xf32>
        %mul3A_230 = vector.broadcast %squeeze3A_225 : f32 to vector<16xf32>
        %mul3A_231 = arith.mulf %mul3A_230, %get3A_229 : vector<16xf32>
        %add3A_232 = arith.addf %add3A_223, %mul3A_231 : vector<16xf32>
        %slice3A_233 = vector.extract_strided_slice %get3A_56 {offsets = [8], sizes = [1], strides = [1]} : vector<16xf32> to vector<1xf32>
        %squeeze3A_234 = vector.extract %slice3A_233[0] : f32 from vector<1xf32>
        %get3A_235 = arith.index_cast %scan3A_52 : i32 to index
        %get3A_236 = arith.constant 528 : index
        %get3A_237 = tpu.vector_load %arg10[%get3A_235, %get3A_236] {strides = array<i32>} : memref<64x768xf32, #tpu.memory_space<vmem>>, vector<1x16xf32>,
        %get3A_238 = vector.shape_cast %get3A_237 : vector<1x16xf32> to vector<16xf32>
        %mul3A_239 = vector.broadcast %squeeze3A_234 : f32 to vector<16xf32>
        %mul3A_240 = arith.mulf %mul3A_239, %get3A_238 : vector<16xf32>
        %add3A_241 = arith.addf %add3A_232, %mul3A_240 : vector<16xf32>
        %slice3A_242 = vector.extract_strided_slice %get3A_56 {offsets = [9], sizes = [1], strides = [1]} : vector<16xf32> to vector<1xf32>
        %squeeze3A_243 = vector.extract %slice3A_242[0] : f32 from vector<1xf32>
        %get3A_244 = arith.index_cast %scan3A_52 : i32 to index
        %get3A_245 = arith.constant 592 : index
        %get3A_246 = tpu.vector_load %arg10[%get3A_244, %get3A_245] {strides = array<i32>} : memref<64x768xf32, #tpu.memory_space<vmem>>, vector<1x16xf32>,
        %get3A_247 = vector.shape_cast %get3A_246 : vector<1x16xf32> to vector<16xf32>
        %mul3A_248 = vector.broadcast %squeeze3A_243 : f32 to vector<16xf32>
        %mul3A_249 = arith.mulf %mul3A_248, %get3A_247 : vector<16xf32>
        %add3A_250 = arith.addf %add3A_241, %mul3A_249 : vector<16xf32>
        %slice3A_251 = vector.extract_strided_slice %get3A_56 {offsets = [10], sizes = [1], strides = [1]} : vector<16xf32> to vector<1xf32>
        %squeeze3A_252 = vector.extract %slice3A_251[0] : f32 from vector<1xf32>
        %get3A_253 = arith.index_cast %scan3A_52 : i32 to index
        %get3A_254 = arith.constant 656 : index
        %get3A_255 = tpu.vector_load %arg10[%get3A_253, %get3A_254] {strides = array<i32>} : memref<64x768xf32, #tpu.memory_space<vmem>>, vector<1x16xf32>,
        %get3A_256 = vector.shape_cast %get3A_255 : vector<1x16xf32> to vector<16xf32>
        %mul3A_257 = vector.broadcast %squeeze3A_252 : f32 to vector<16xf32>
        %mul3A_258 = arith.mulf %mul3A_257, %get3A_256 : vector<16xf32>
        %add3A_259 = arith.addf %add3A_250, %mul3A_258 : vector<16xf32>
        %swap3A_260 = arith.index_cast %scan3A_52 : i32 to index
        %swap3A_261 = arith.constant 16 : index
        %swap3A_262 = tpu.vector_load %arg11[%swap3A_260, %swap3A_261] {strides = array<i32>} : memref<64x128xf32, #tpu.memory_space<vmem>>, vector<1x16xf32>,
        %swap3A_263 = vector.shape_cast %swap3A_262 : vector<1x16xf32> to vector<16xf32>
        %swap3A_264 = vector.shape_cast %add3A_259 : vector<16xf32> to vector<1x16xf32>
        tpu.vector_store %arg11[%swap3A_260, %swap3A_261], %swap3A_264 {strides = array<i32>} : memref<64x128xf32, #tpu.memory_space<vmem>>, vector<1x16xf32>,
        %swap3A_265 = arith.index_cast %scan3A_52 : i32 to index
        %swap3A_266 = arith.constant 80 : index
        %swap3A_267 = tpu.vector_load %arg12[%swap3A_265, %swap3A_266] {strides = array<i32>} : memref<64x128xf32, #tpu.memory_space<vmem>>, vector<1x16xf32>,
        %swap3A_268 = vector.shape_cast %swap3A_267 : vector<1x16xf32> to vector<16xf32>
        %swap3A_269 = vector.shape_cast %add3A_259 : vector<16xf32> to vector<1x16xf32>
        tpu.vector_store %arg12[%swap3A_265, %swap3A_266], %swap3A_269 {strides = array<i32>} : memref<64x128xf32, #tpu.memory_space<vmem>>, vector<1x16xf32>,
        %slice3A_270 = vector.extract_strided_slice %get3A_56 {offsets = [0], sizes = [1], strides = [1]} : vector<16xf32> to vector<1xf32>
        %squeeze3A_271 = vector.extract %slice3A_270[0] : f32 from vector<1xf32>
        %get3A_272 = arith.index_cast %scan3A_52 : i32 to index
        %get3A_273 = arith.constant 32 : index
        %get3A_274 = tpu.vector_load %arg10[%get3A_272, %get3A_273] {strides = array<i32>} : memref<64x768xf32, #tpu.memory_space<vmem>>, vector<1x16xf32>,
        %get3A_275 = vector.shape_cast %get3A_274 : vector<1x16xf32> to vector<16xf32>
        %mul3A_276 = vector.broadcast %squeeze3A_271 : f32 to vector<16xf32>
        %mul3A_277 = arith.mulf %mul3A_276, %get3A_275 : vector<16xf32>
        %slice3A_278 = vector.extract_strided_slice %get3A_56 {offsets = [1], sizes = [1], strides = [1]} : vector<16xf32> to vector<1xf32>
        %squeeze3A_279 = vector.extract %slice3A_278[0] : f32 from vector<1xf32>
        %get3A_280 = arith.index_cast %scan3A_52 : i32 to index
        %get3A_281 = arith.constant 96 : index
        %get3A_282 = tpu.vector_load %arg10[%get3A_280, %get3A_281] {strides = array<i32>} : memref<64x768xf32, #tpu.memory_space<vmem>>, vector<1x16xf32>,
        %get3A_283 = vector.shape_cast %get3A_282 : vector<1x16xf32> to vector<16xf32>
        %mul3A_284 = vector.broadcast %squeeze3A_279 : f32 to vector<16xf32>
        %mul3A_285 = arith.mulf %mul3A_284, %get3A_283 : vector<16xf32>
        %add3A_286 = arith.addf %mul3A_277, %mul3A_285 : vector<16xf32>
        %slice3A_287 = vector.extract_strided_slice %get3A_56 {offsets = [2], sizes = [1], strides = [1]} : vector<16xf32> to vector<1xf32>
        %squeeze3A_288 = vector.extract %slice3A_287[0] : f32 from vector<1xf32>
        %get3A_289 = arith.index_cast %scan3A_52 : i32 to index
        %get3A_290 = arith.constant 160 : index
        %get3A_291 = tpu.vector_load %arg10[%get3A_289, %get3A_290] {strides = array<i32>} : memref<64x768xf32, #tpu.memory_space<vmem>>, vector<1x16xf32>,
        %get3A_292 = vector.shape_cast %get3A_291 : vector<1x16xf32> to vector<16xf32>
        %mul3A_293 = vector.broadcast %squeeze3A_288 : f32 to vector<16xf32>
        %mul3A_294 = arith.mulf %mul3A_293, %get3A_292 : vector<16xf32>
        %add3A_295 = arith.addf %add3A_286, %mul3A_294 : vector<16xf32>
        %slice3A_296 = vector.extract_strided_slice %get3A_56 {offsets = [3], sizes = [1], strides = [1]} : vector<16xf32> to vector<1xf32>
        %squeeze3A_297 = vector.extract %slice3A_296[0] : f32 from vector<1xf32>
        %get3A_298 = arith.index_cast %scan3A_52 : i32 to index
        %get3A_299 = arith.constant 224 : index
        %get3A_300 = tpu.vector_load %arg10[%get3A_298, %get3A_299] {strides = array<i32>} : memref<64x768xf32, #tpu.memory_space<vmem>>, vector<1x16xf32>,
        %get3A_301 = vector.shape_cast %get3A_300 : vector<1x16xf32> to vector<16xf32>
        %mul3A_302 = vector.broadcast %squeeze3A_297 : f32 to vector<16xf32>
        %mul3A_303 = arith.mulf %mul3A_302, %get3A_301 : vector<16xf32>
        %add3A_304 = arith.addf %add3A_295, %mul3A_303 : vector<16xf32>
        %slice3A_305 = vector.extract_strided_slice %get3A_56 {offsets = [4], sizes = [1], strides = [1]} : vector<16xf32> to vector<1xf32>
        %squeeze3A_306 = vector.extract %slice3A_305[0] : f32 from vector<1xf32>
        %get3A_307 = arith.index_cast %scan3A_52 : i32 to index
        %get3A_308 = arith.constant 288 : index
        %get3A_309 = tpu.vector_load %arg10[%get3A_307, %get3A_308] {strides = array<i32>} : memref<64x768xf32, #tpu.memory_space<vmem>>, vector<1x16xf32>,
        %get3A_310 = vector.shape_cast %get3A_309 : vector<1x16xf32> to vector<16xf32>
        %mul3A_311 = vector.broadcast %squeeze3A_306 : f32 to vector<16xf32>
        %mul3A_312 = arith.mulf %mul3A_311, %get3A_310 : vector<16xf32>
        %add3A_313 = arith.addf %add3A_304, %mul3A_312 : vector<16xf32>
        %slice3A_314 = vector.extract_strided_slice %get3A_56 {offsets = [5], sizes = [1], strides = [1]} : vector<16xf32> to vector<1xf32>
        %squeeze3A_315 = vector.extract %slice3A_314[0] : f32 from vector<1xf32>
        %get3A_316 = arith.index_cast %scan3A_52 : i32 to index
        %get3A_317 = arith.constant 352 : index
        %get3A_318 = tpu.vector_load %arg10[%get3A_316, %get3A_317] {strides = array<i32>} : memref<64x768xf32, #tpu.memory_space<vmem>>, vector<1x16xf32>,
        %get3A_319 = vector.shape_cast %get3A_318 : vector<1x16xf32> to vector<16xf32>
        %mul3A_320 = vector.broadcast %squeeze3A_315 : f32 to vector<16xf32>
        %mul3A_321 = arith.mulf %mul3A_320, %get3A_319 : vector<16xf32>
        %add3A_322 = arith.addf %add3A_313, %mul3A_321 : vector<16xf32>
        %slice3A_323 = vector.extract_strided_slice %get3A_56 {offsets = [6], sizes = [1], strides = [1]} : vector<16xf32> to vector<1xf32>
        %squeeze3A_324 = vector.extract %slice3A_323[0] : f32 from vector<1xf32>
        %get3A_325 = arith.index_cast %scan3A_52 : i32 to index
        %get3A_326 = arith.constant 416 : index
        %get3A_327 = tpu.vector_load %arg10[%get3A_325, %get3A_326] {strides = array<i32>} : memref<64x768xf32, #tpu.memory_space<vmem>>, vector<1x16xf32>,
        %get3A_328 = vector.shape_cast %get3A_327 : vector<1x16xf32> to vector<16xf32>
        %mul3A_329 = vector.broadcast %squeeze3A_324 : f32 to vector<16xf32>
        %mul3A_330 = arith.mulf %mul3A_329, %get3A_328 : vector<16xf32>
        %add3A_331 = arith.addf %add3A_322, %mul3A_330 : vector<16xf32>
        %slice3A_332 = vector.extract_strided_slice %get3A_56 {offsets = [7], sizes = [1], strides = [1]} : vector<16xf32> to vector<1xf32>
        %squeeze3A_333 = vector.extract %slice3A_332[0] : f32 from vector<1xf32>
        %get3A_334 = arith.index_cast %scan3A_52 : i32 to index
        %get3A_335 = arith.constant 480 : index
        %get3A_336 = tpu.vector_load %arg10[%get3A_334, %get3A_335] {strides = array<i32>} : memref<64x768xf32, #tpu.memory_space<vmem>>, vector<1x16xf32>,
        %get3A_337 = vector.shape_cast %get3A_336 : vector<1x16xf32> to vector<16xf32>
        %mul3A_338 = vector.broadcast %squeeze3A_333 : f32 to vector<16xf32>
        %mul3A_339 = arith.mulf %mul3A_338, %get3A_337 : vector<16xf32>
        %add3A_340 = arith.addf %add3A_331, %mul3A_339 : vector<16xf32>
        %slice3A_341 = vector.extract_strided_slice %get3A_56 {offsets = [8], sizes = [1], strides = [1]} : vector<16xf32> to vector<1xf32>
        %squeeze3A_342 = vector.extract %slice3A_341[0] : f32 from vector<1xf32>
        %get3A_343 = arith.index_cast %scan3A_52 : i32 to index
        %get3A_344 = arith.constant 544 : index
        %get3A_345 = tpu.vector_load %arg10[%get3A_343, %get3A_344] {strides = array<i32>} : memref<64x768xf32, #tpu.memory_space<vmem>>, vector<1x16xf32>,
        %get3A_346 = vector.shape_cast %get3A_345 : vector<1x16xf32> to vector<16xf32>
        %mul3A_347 = vector.broadcast %squeeze3A_342 : f32 to vector<16xf32>
        %mul3A_348 = arith.mulf %mul3A_347, %get3A_346 : vector<16xf32>
        %add3A_349 = arith.addf %add3A_340, %mul3A_348 : vector<16xf32>
        %slice3A_350 = vector.extract_strided_slice %get3A_56 {offsets = [9], sizes = [1], strides = [1]} : vector<16xf32> to vector<1xf32>
        %squeeze3A_351 = vector.extract %slice3A_350[0] : f32 from vector<1xf32>
        %get3A_352 = arith.index_cast %scan3A_52 : i32 to index
        %get3A_353 = arith.constant 608 : index
        %get3A_354 = tpu.vector_load %arg10[%get3A_352, %get3A_353] {strides = array<i32>} : memref<64x768xf32, #tpu.memory_space<vmem>>, vector<1x16xf32>,
        %get3A_355 = vector.shape_cast %get3A_354 : vector<1x16xf32> to vector<16xf32>
        %mul3A_356 = vector.broadcast %squeeze3A_351 : f32 to vector<16xf32>
        %mul3A_357 = arith.mulf %mul3A_356, %get3A_355 : vector<16xf32>
        %add3A_358 = arith.addf %add3A_349, %mul3A_357 : vector<16xf32>
        %slice3A_359 = vector.extract_strided_slice %get3A_56 {offsets = [10], sizes = [1], strides = [1]} : vector<16xf32> to vector<1xf32>
        %squeeze3A_360 = vector.extract %slice3A_359[0] : f32 from vector<1xf32>
        %get3A_361 = arith.index_cast %scan3A_52 : i32 to index
        %get3A_362 = arith.constant 672 : index
        %get3A_363 = tpu.vector_load %arg10[%get3A_361, %get3A_362] {strides = array<i32>} : memref<64x768xf32, #tpu.memory_space<vmem>>, vector<1x16xf32>,
        %get3A_364 = vector.shape_cast %get3A_363 : vector<1x16xf32> to vector<16xf32>
        %mul3A_365 = vector.broadcast %squeeze3A_360 : f32 to vector<16xf32>
        %mul3A_366 = arith.mulf %mul3A_365, %get3A_364 : vector<16xf32>
        %add3A_367 = arith.addf %add3A_358, %mul3A_366 : vector<16xf32>
        %swap3A_368 = arith.index_cast %scan3A_52 : i32 to index
        %swap3A_369 = arith.constant 32 : index
        %swap3A_370 = tpu.vector_load %arg11[%swap3A_368, %swap3A_369] {strides = array<i32>} : memref<64x128xf32, #tpu.memory_space<vmem>>, vector<1x16xf32>,
        %swap3A_371 = vector.shape_cast %swap3A_370 : vector<1x16xf32> to vector<16xf32>
        %swap3A_372 = vector.shape_cast %add3A_367 : vector<16xf32> to vector<1x16xf32>
        tpu.vector_store %arg11[%swap3A_368, %swap3A_369], %swap3A_372 {strides = array<i32>} : memref<64x128xf32, #tpu.memory_space<vmem>>, vector<1x16xf32>,
        %swap3A_373 = arith.index_cast %scan3A_52 : i32 to index
        %swap3A_374 = arith.constant 96 : index
        %swap3A_375 = tpu.vector_load %arg12[%swap3A_373, %swap3A_374] {strides = array<i32>} : memref<64x128xf32, #tpu.memory_space<vmem>>, vector<1x16xf32>,
        %swap3A_376 = vector.shape_cast %swap3A_375 : vector<1x16xf32> to vector<16xf32>
        %swap3A_377 = vector.shape_cast %add3A_367 : vector<16xf32> to vector<1x16xf32>
        tpu.vector_store %arg12[%swap3A_373, %swap3A_374], %swap3A_377 {strides = array<i32>} : memref<64x128xf32, #tpu.memory_space<vmem>>, vector<1x16xf32>,
        %slice3A_378 = vector.extract_strided_slice %get3A_56 {offsets = [0], sizes = [1], strides = [1]} : vector<16xf32> to vector<1xf32>
        %squeeze3A_379 = vector.extract %slice3A_378[0] : f32 from vector<1xf32>
        %get3A_380 = arith.index_cast %scan3A_52 : i32 to index
        %get3A_381 = arith.constant 48 : index
        %get3A_382 = tpu.vector_load %arg10[%get3A_380, %get3A_381] {strides = array<i32>} : memref<64x768xf32, #tpu.memory_space<vmem>>, vector<1x16xf32>,
        %get3A_383 = vector.shape_cast %get3A_382 : vector<1x16xf32> to vector<16xf32>
        %mul3A_384 = vector.broadcast %squeeze3A_379 : f32 to vector<16xf32>
        %mul3A_385 = arith.mulf %mul3A_384, %get3A_383 : vector<16xf32>
        %slice3A_386 = vector.extract_strided_slice %get3A_56 {offsets = [1], sizes = [1], strides = [1]} : vector<16xf32> to vector<1xf32>
        %squeeze3A_387 = vector.extract %slice3A_386[0] : f32 from vector<1xf32>
        %get3A_388 = arith.index_cast %scan3A_52 : i32 to index
        %get3A_389 = arith.constant 112 : index
        %get3A_390 = tpu.vector_load %arg10[%get3A_388, %get3A_389] {strides = array<i32>} : memref<64x768xf32, #tpu.memory_space<vmem>>, vector<1x16xf32>,
        %get3A_391 = vector.shape_cast %get3A_390 : vector<1x16xf32> to vector<16xf32>
        %mul3A_392 = vector.broadcast %squeeze3A_387 : f32 to vector<16xf32>
        %mul3A_393 = arith.mulf %mul3A_392, %get3A_391 : vector<16xf32>
        %add3A_394 = arith.addf %mul3A_385, %mul3A_393 : vector<16xf32>
        %slice3A_395 = vector.extract_strided_slice %get3A_56 {offsets = [2], sizes = [1], strides = [1]} : vector<16xf32> to vector<1xf32>
        %squeeze3A_396 = vector.extract %slice3A_395[0] : f32 from vector<1xf32>
        %get3A_397 = arith.index_cast %scan3A_52 : i32 to index
        %get3A_398 = arith.constant 176 : index
        %get3A_399 = tpu.vector_load %arg10[%get3A_397, %get3A_398] {strides = array<i32>} : memref<64x768xf32, #tpu.memory_space<vmem>>, vector<1x16xf32>,
        %get3A_400 = vector.shape_cast %get3A_399 : vector<1x16xf32> to vector<16xf32>
        %mul3A_401 = vector.broadcast %squeeze3A_396 : f32 to vector<16xf32>
        %mul3A_402 = arith.mulf %mul3A_401, %get3A_400 : vector<16xf32>
        %add3A_403 = arith.addf %add3A_394, %mul3A_402 : vector<16xf32>
        %slice3A_404 = vector.extract_strided_slice %get3A_56 {offsets = [3], sizes = [1], strides = [1]} : vector<16xf32> to vector<1xf32>
        %squeeze3A_405 = vector.extract %slice3A_404[0] : f32 from vector<1xf32>
        %get3A_406 = arith.index_cast %scan3A_52 : i32 to index
        %get3A_407 = arith.constant 240 : index
        %get3A_408 = tpu.vector_load %arg10[%get3A_406, %get3A_407] {strides = array<i32>} : memref<64x768xf32, #tpu.memory_space<vmem>>, vector<1x16xf32>,
        %get3A_409 = vector.shape_cast %get3A_408 : vector<1x16xf32> to vector<16xf32>
        %mul3A_410 = vector.broadcast %squeeze3A_405 : f32 to vector<16xf32>
        %mul3A_411 = arith.mulf %mul3A_410, %get3A_409 : vector<16xf32>
        %add3A_412 = arith.addf %add3A_403, %mul3A_411 : vector<16xf32>
        %slice3A_413 = vector.extract_strided_slice %get3A_56 {offsets = [4], sizes = [1], strides = [1]} : vector<16xf32> to vector<1xf32>
        %squeeze3A_414 = vector.extract %slice3A_413[0] : f32 from vector<1xf32>
        %get3A_415 = arith.index_cast %scan3A_52 : i32 to index
        %get3A_416 = arith.constant 304 : index
        %get3A_417 = tpu.vector_load %arg10[%get3A_415, %get3A_416] {strides = array<i32>} : memref<64x768xf32, #tpu.memory_space<vmem>>, vector<1x16xf32>,
        %get3A_418 = vector.shape_cast %get3A_417 : vector<1x16xf32> to vector<16xf32>
        %mul3A_419 = vector.broadcast %squeeze3A_414 : f32 to vector<16xf32>
        %mul3A_420 = arith.mulf %mul3A_419, %get3A_418 : vector<16xf32>
        %add3A_421 = arith.addf %add3A_412, %mul3A_420 : vector<16xf32>
        %slice3A_422 = vector.extract_strided_slice %get3A_56 {offsets = [5], sizes = [1], strides = [1]} : vector<16xf32> to vector<1xf32>
        %squeeze3A_423 = vector.extract %slice3A_422[0] : f32 from vector<1xf32>
        %get3A_424 = arith.index_cast %scan3A_52 : i32 to index
        %get3A_425 = arith.constant 368 : index
        %get3A_426 = tpu.vector_load %arg10[%get3A_424, %get3A_425] {strides = array<i32>} : memref<64x768xf32, #tpu.memory_space<vmem>>, vector<1x16xf32>,
        %get3A_427 = vector.shape_cast %get3A_426 : vector<1x16xf32> to vector<16xf32>
        %mul3A_428 = vector.broadcast %squeeze3A_423 : f32 to vector<16xf32>
        %mul3A_429 = arith.mulf %mul3A_428, %get3A_427 : vector<16xf32>
        %add3A_430 = arith.addf %add3A_421, %mul3A_429 : vector<16xf32>
        %slice3A_431 = vector.extract_strided_slice %get3A_56 {offsets = [6], sizes = [1], strides = [1]} : vector<16xf32> to vector<1xf32>
        %squeeze3A_432 = vector.extract %slice3A_431[0] : f32 from vector<1xf32>
        %get3A_433 = arith.index_cast %scan3A_52 : i32 to index
        %get3A_434 = arith.constant 432 : index
        %get3A_435 = tpu.vector_load %arg10[%get3A_433, %get3A_434] {strides = array<i32>} : memref<64x768xf32, #tpu.memory_space<vmem>>, vector<1x16xf32>,
        %get3A_436 = vector.shape_cast %get3A_435 : vector<1x16xf32> to vector<16xf32>
        %mul3A_437 = vector.broadcast %squeeze3A_432 : f32 to vector<16xf32>
        %mul3A_438 = arith.mulf %mul3A_437, %get3A_436 : vector<16xf32>
        %add3A_439 = arith.addf %add3A_430, %mul3A_438 : vector<16xf32>
        %slice3A_440 = vector.extract_strided_slice %get3A_56 {offsets = [7], sizes = [1], strides = [1]} : vector<16xf32> to vector<1xf32>
        %squeeze3A_441 = vector.extract %slice3A_440[0] : f32 from vector<1xf32>
        %get3A_442 = arith.index_cast %scan3A_52 : i32 to index
        %get3A_443 = arith.constant 496 : index
        %get3A_444 = tpu.vector_load %arg10[%get3A_442, %get3A_443] {strides = array<i32>} : memref<64x768xf32, #tpu.memory_space<vmem>>, vector<1x16xf32>,
        %get3A_445 = vector.shape_cast %get3A_444 : vector<1x16xf32> to vector<16xf32>
        %mul3A_446 = vector.broadcast %squeeze3A_441 : f32 to vector<16xf32>
        %mul3A_447 = arith.mulf %mul3A_446, %get3A_445 : vector<16xf32>
        %add3A_448 = arith.addf %add3A_439, %mul3A_447 : vector<16xf32>
        %slice3A_449 = vector.extract_strided_slice %get3A_56 {offsets = [8], sizes = [1], strides = [1]} : vector<16xf32> to vector<1xf32>
        %squeeze3A_450 = vector.extract %slice3A_449[0] : f32 from vector<1xf32>
        %get3A_451 = arith.index_cast %scan3A_52 : i32 to index
        %get3A_452 = arith.constant 560 : index
        %get3A_453 = tpu.vector_load %arg10[%get3A_451, %get3A_452] {strides = array<i32>} : memref<64x768xf32, #tpu.memory_space<vmem>>, vector<1x16xf32>,
        %get3A_454 = vector.shape_cast %get3A_453 : vector<1x16xf32> to vector<16xf32>
        %mul3A_455 = vector.broadcast %squeeze3A_450 : f32 to vector<16xf32>
        %mul3A_456 = arith.mulf %mul3A_455, %get3A_454 : vector<16xf32>
        %add3A_457 = arith.addf %add3A_448, %mul3A_456 : vector<16xf32>
        %slice3A_458 = vector.extract_strided_slice %get3A_56 {offsets = [9], sizes = [1], strides = [1]} : vector<16xf32> to vector<1xf32>
        %squeeze3A_459 = vector.extract %slice3A_458[0] : f32 from vector<1xf32>
        %get3A_460 = arith.index_cast %scan3A_52 : i32 to index
        %get3A_461 = arith.constant 624 : index
        %get3A_462 = tpu.vector_load %arg10[%get3A_460, %get3A_461] {strides = array<i32>} : memref<64x768xf32, #tpu.memory_space<vmem>>, vector<1x16xf32>,
        %get3A_463 = vector.shape_cast %get3A_462 : vector<1x16xf32> to vector<16xf32>
        %mul3A_464 = vector.broadcast %squeeze3A_459 : f32 to vector<16xf32>
        %mul3A_465 = arith.mulf %mul3A_464, %get3A_463 : vector<16xf32>
        %add3A_466 = arith.addf %add3A_457, %mul3A_465 : vector<16xf32>
        %slice3A_467 = vector.extract_strided_slice %get3A_56 {offsets = [10], sizes = [1], strides = [1]} : vector<16xf32> to vector<1xf32>
        %squeeze3A_468 = vector.extract %slice3A_467[0] : f32 from vector<1xf32>
        %get3A_469 = arith.index_cast %scan3A_52 : i32 to index
        %get3A_470 = arith.constant 688 : index
        %get3A_471 = tpu.vector_load %arg10[%get3A_469, %get3A_470] {strides = array<i32>} : memref<64x768xf32, #tpu.memory_space<vmem>>, vector<1x16xf32>,
        %get3A_472 = vector.shape_cast %get3A_471 : vector<1x16xf32> to vector<16xf32>
        %mul3A_473 = vector.broadcast %squeeze3A_468 : f32 to vector<16xf32>
        %mul3A_474 = arith.mulf %mul3A_473, %get3A_472 : vector<16xf32>
        %add3A_475 = arith.addf %add3A_466, %mul3A_474 : vector<16xf32>
        %swap3A_476 = arith.index_cast %scan3A_52 : i32 to index
        %swap3A_477 = arith.constant 48 : index
        %swap3A_478 = tpu.vector_load %arg11[%swap3A_476, %swap3A_477] {strides = array<i32>} : memref<64x128xf32, #tpu.memory_space<vmem>>, vector<1x16xf32>,
        %swap3A_479 = vector.shape_cast %swap3A_478 : vector<1x16xf32> to vector<16xf32>
        %swap3A_480 = vector.shape_cast %add3A_475 : vector<16xf32> to vector<1x16xf32>
        tpu.vector_store %arg11[%swap3A_476, %swap3A_477], %swap3A_480 {strides = array<i32>} : memref<64x128xf32, #tpu.memory_space<vmem>>, vector<1x16xf32>,
        %swap3A_481 = arith.index_cast %scan3A_52 : i32 to index
        %swap3A_482 = arith.constant 112 : index
        %swap3A_483 = tpu.vector_load %arg12[%swap3A_481, %swap3A_482] {strides = array<i32>} : memref<64x128xf32, #tpu.memory_space<vmem>>, vector<1x16xf32>,
        %swap3A_484 = vector.shape_cast %swap3A_483 : vector<1x16xf32> to vector<16xf32>
        %swap3A_485 = vector.shape_cast %add3A_475 : vector<16xf32> to vector<1x16xf32>
        tpu.vector_store %arg12[%swap3A_481, %swap3A_482], %swap3A_485 {strides = array<i32>} : memref<64x128xf32, #tpu.memory_space<vmem>>, vector<1x16xf32>,
        %scan3A_486 = arith.constant 0 : i32
        scf.yield %scan3A_486 : i32
      }
      %scan3A_50 = arith.constant 64 : i32
      "tpu.region"() ({
        %run_scoped3A = tpu.sem_alloc : memref<!tpu.dma_semaphore, #tpu.memory_space<semaphore_mem>>
        %dma_start3A_52 = arith.constant 0 : i32
        %dma_start3A_53 = arith.constant 0 : i32
        %dma_start3A_54 = tpu.memref_slice %arg15[%dma_start3A_52, %dma_start3A_53] : memref<5120x128xf32, #tpu.memory_space<vmem_shared>> -> memref<5120x128xf32, #tpu.memory_space<vmem_shared>>
        tpu.enqueue_indirect_dma source(%arg11 : memref<64x128xf32, #tpu.memory_space<vmem>>) target(%dma_start3A_54 : memref<5120x128xf32, #tpu.memory_space<vmem_shared>>) offsets(%arg13 : memref<64xi32, #tpu.memory_space<vmem>>) semaphore(%run_scoped3A : memref<!tpu.dma_semaphore, #tpu.memory_space<semaphore_mem>>) {add = true}
        %dma_wait3A_55 = arith.constant 0 : i32
        %dma_wait3A_56 = arith.constant 0 : i32
        %dma_wait3A_57 = tpu.memref_slice %arg15[%dma_wait3A_55, %dma_wait3A_56] : memref<5120x128xf32, #tpu.memory_space<vmem_shared>> -> memref<5120x128xf32, #tpu.memory_space<vmem_shared>>
        tpu.wait_indirect_dma semaphore(%run_scoped3A : memref<!tpu.dma_semaphore, #tpu.memory_space<semaphore_mem>>) src(%arg11 : memref<64x128xf32, #tpu.memory_space<vmem>>) dst(%dma_wait3A_57 : memref<5120x128xf32, #tpu.memory_space<vmem_shared>>)
        tpu.yield
      }) : () -> ()
      "tpu.region"() ({
        %run_scoped3A = tpu.sem_alloc : memref<!tpu.dma_semaphore, #tpu.memory_space<semaphore_mem>>
        %dma_start3A_52 = arith.constant 0 : i32
        %dma_start3A_53 = arith.constant 0 : i32
        %dma_start3A_54 = tpu.memref_slice %arg15[%dma_start3A_52, %dma_start3A_53] : memref<5120x128xf32, #tpu.memory_space<vmem_shared>> -> memref<5120x128xf32, #tpu.memory_space<vmem_shared>>
        tpu.enqueue_indirect_dma source(%arg12 : memref<64x128xf32, #tpu.memory_space<vmem>>) target(%dma_start3A_54 : memref<5120x128xf32, #tpu.memory_space<vmem_shared>>) offsets(%arg14 : memref<64xi32, #tpu.memory_space<vmem>>) semaphore(%run_scoped3A : memref<!tpu.dma_semaphore, #tpu.memory_space<semaphore_mem>>) {add = true}
        %dma_wait3A_55 = arith.constant 0 : i32
        %dma_wait3A_56 = arith.constant 0 : i32
        %dma_wait3A_57 = tpu.memref_slice %arg15[%dma_wait3A_55, %dma_wait3A_56] : memref<5120x128xf32, #tpu.memory_space<vmem_shared>> -> memref<5120x128xf32, #tpu.memory_space<vmem_shared>>
        tpu.wait_indirect_dma semaphore(%run_scoped3A : memref<!tpu.dma_semaphore, #tpu.memory_space<semaphore_mem>>) src(%arg12 : memref<64x128xf32, #tpu.memory_space<vmem>>) dst(%dma_wait3A_57 : memref<5120x128xf32, #tpu.memory_space<vmem_shared>>)
        tpu.yield
      }) : () -> ()
      %scan3A_51 = arith.constant 0 : i32
      scf.yield %scan3A_51 : i32
    }
    %scan3A_20 = arith.constant 157 : i32
    %barrier3A_21 = arith.constant 0 : index
    tpu.barrier barrier_id(%barrier3A_21)
    %mul3A_22 = arith.constant 320 : i32
    %mul3A_23 = arith.muli %arg1, %mul3A_22 : i32
    %mul3A_24 = arith.constant 320 : i32
    %mul3A_25 = arith.muli %arg1, %mul3A_24 : i32
    "tpu.region"() ({
      %run_scoped3A = tpu.sem_alloc : memref<!tpu.dma_semaphore, #tpu.memory_space<semaphore_mem>>
      %dma_start3A = arith.constant 0 : i32
      %dma_start3A_26 = tpu.memref_slice %arg6[%arg0, %mul3A_25, %dma_start3A] : memref<2x5120x128xf32, #tpu.memory_space<hbm>> -> memref<1x320x128xf32, #tpu.memory_space<hbm>>
      %dma_start3A_27 = tpu.memref_squeeze %dma_start3A_26 : memref<1x320x128xf32, #tpu.memory_space<hbm>> -> memref<320x128xf32, #tpu.memory_space<hbm>>
      %dma_start3A_28 = arith.constant 0 : i32
      %dma_start3A_29 = tpu.memref_slice %arg15[%mul3A_23, %dma_start3A_28] : memref<5120x128xf32, #tpu.memory_space<vmem_shared>> -> memref<320x128xf32, #tpu.memory_space<vmem_shared>>
      tpu.enqueue_dma source(%dma_start3A_29 : memref<320x128xf32, #tpu.memory_space<vmem_shared>>) target(%dma_start3A_27 : memref<320x128xf32, #tpu.memory_space<hbm>>) target_semaphore(%run_scoped3A : memref<!tpu.dma_semaphore, #tpu.memory_space<semaphore_mem>>)
      %dma_wait3A = arith.constant 0 : i32
      %dma_wait3A_30 = tpu.memref_slice %arg6[%arg0, %mul3A_25, %dma_wait3A] : memref<2x5120x128xf32, #tpu.memory_space<hbm>> -> memref<1x320x128xf32, #tpu.memory_space<hbm>>
      %dma_wait3A_31 = tpu.memref_squeeze %dma_wait3A_30 : memref<1x320x128xf32, #tpu.memory_space<hbm>> -> memref<320x128xf32, #tpu.memory_space<hbm>>
      %dma_wait3A_32 = arith.constant 0 : i32
      %dma_wait3A_33 = tpu.memref_slice %arg15[%mul3A_23, %dma_wait3A_32] : memref<5120x128xf32, #tpu.memory_space<vmem_shared>> -> memref<320x128xf32, #tpu.memory_space<vmem_shared>>
      tpu.wait_dma2 semaphore(%run_scoped3A : memref<!tpu.dma_semaphore, #tpu.memory_space<semaphore_mem>>) src(%dma_wait3A_33 : memref<320x128xf32, #tpu.memory_space<vmem_shared>>) dst(%dma_wait3A_31 : memref<320x128xf32, #tpu.memory_space<hbm>>)
      tpu.yield
    }) : () -> ()
    return
  }
}

#map = affine_map<(d0, d1) -> (0, 0)>
#map1 = affine_map<(d0, d1) -> (0)>
#map2 = affine_map<(d0, d1) -> (0, 0, 0)>
module attributes {stable_mosaic.version = 14 : i64} {
  func.func @_sc_body(%arg0: i32, %arg1: i32, %arg2: memref<10000x768xf32, #tpu.memory_space<hbm>>, %arg3: memref<321536xi32, #tpu.memory_space<hbm>>, %arg4: memref<321536xi32, #tpu.memory_space<hbm>>, %arg5: memref<321536x16xf32, #tpu.memory_space<hbm>>, %arg6: memref<2x5120x128xf32, #tpu.memory_space<hbm>>, %arg7: memref<64xi32, #tpu.memory_space<vmem>>, %arg8: memref<64xi32, #tpu.memory_space<vmem>>, %arg9: memref<64x16xf32, #tpu.memory_space<vmem>>, %arg10: memref<64x768xf32, #tpu.memory_space<vmem>>, %arg11: memref<64x128xf32, #tpu.memory_space<vmem>>, %arg12: memref<64x128xf32, #tpu.memory_space<vmem>>, %arg13: memref<64xi32, #tpu.memory_space<vmem>>, %arg14: memref<64xi32, #tpu.memory_space<vmem>>, %arg15: memref<5120x128xf32, #tpu.memory_space<vmem_shared>>, %arg16: memref<!tpu.dma_semaphore, #tpu.memory_space<semaphore_mem>>) attributes {dimension_semantics = [#tpu.dimension_semantics<core_parallel>, #tpu.dimension_semantics<subcore_parallel>], iteration_bounds = array<i64: 2, 16>, scalar_prefetch = 0 : i64, scratch_operands = 10 : i64, tpu.core_type = #tpu.core_type<sc_vector_subcore>, window_params = [{transform_indices = #map}, {transform_indices = #map1}, {transform_indices = #map1}, {transform_indices = #map}, {transform_indices = #map2}]} {
    %mul3A = arith.constant 16 : i32
    %mul3A_0 = arith.muli %arg0, %mul3A : i32
    %add3A = arith.addi %mul3A_0, %arg1 : i32
    %scan3A = arith.constant 0 : i32
    %scan3A_1 = arith.constant 0 : i32
    %scan3A_2 = arith.constant 64 : i32
    %scan3A_3 = arith.addi %scan3A_1, %scan3A_2 : i32
    %scan3A_4 = arith.constant 1 : i32
    %scan3A_5 = scf.for %scan3A_26 = %scan3A_1 to %scan3A_3 step %scan3A_4 iter_args(%scan3A_27 = %scan3A) -> (i32)  : i32 {
      %broadcast_in_dim3A = arith.constant 0.000000e+00 : f32
      %broadcast_in_dim3A_28 = vector.broadcast %broadcast_in_dim3A : f32 to vector<16xf32>
      %swap3A = arith.index_cast %scan3A_26 : i32 to index
      %swap3A_29 = arith.constant 0 : index
      %swap3A_30 = tpu.vector_load %arg11[%swap3A, %swap3A_29] {strides = array<i32>} : memref<64x128xf32, #tpu.memory_space<vmem>>, vector<1x16xf32>,
      %swap3A_31 = vector.shape_cast %swap3A_30 : vector<1x16xf32> to vector<16xf32>
      %swap3A_32 = vector.shape_cast %broadcast_in_dim3A_28 : vector<16xf32> to vector<1x16xf32>
      tpu.vector_store %arg11[%swap3A, %swap3A_29], %swap3A_32 {strides = array<i32>} : memref<64x128xf32, #tpu.memory_space<vmem>>, vector<1x16xf32>,
      %broadcast_in_dim3A_33 = arith.constant 0.000000e+00 : f32
      %broadcast_in_dim3A_34 = vector.broadcast %broadcast_in_dim3A_33 : f32 to vector<16xf32>
      %swap3A_35 = arith.index_cast %scan3A_26 : i32 to index
      %swap3A_36 = arith.constant 0 : index
      %swap3A_37 = tpu.vector_load %arg12[%swap3A_35, %swap3A_36] {strides = array<i32>} : memref<64x128xf32, #tpu.memory_space<vmem>>, vector<1x16xf32>,
      %swap3A_38 = vector.shape_cast %swap3A_37 : vector<1x16xf32> to vector<16xf32>
      %swap3A_39 = vector.shape_cast %broadcast_in_dim3A_34 : vector<16xf32> to vector<1x16xf32>
      tpu.vector_store %arg12[%swap3A_35, %swap3A_36], %swap3A_39 {strides = array<i32>} : memref<64x128xf32, #tpu.memory_space<vmem>>, vector<1x16xf32>,
      %broadcast_in_dim3A_40 = arith.constant 0.000000e+00 : f32
      %broadcast_in_dim3A_41 = vector.broadcast %broadcast_in_dim3A_40 : f32 to vector<16xf32>
      %swap3A_42 = arith.index_cast %scan3A_26 : i32 to index
      %swap3A_43 = arith.constant 16 : index
      %swap3A_44 = tpu.vector_load %arg11[%swap3A_42, %swap3A_43] {strides = array<i32>} : memref<64x128xf32, #tpu.memory_space<vmem>>, vector<1x16xf32>,
      %swap3A_45 = vector.shape_cast %swap3A_44 : vector<1x16xf32> to vector<16xf32>
      %swap3A_46 = vector.shape_cast %broadcast_in_dim3A_41 : vector<16xf32> to vector<1x16xf32>
      tpu.vector_store %arg11[%swap3A_42, %swap3A_43], %swap3A_46 {strides = array<i32>} : memref<64x128xf32, #tpu.memory_space<vmem>>, vector<1x16xf32>,
      %broadcast_in_dim3A_47 = arith.constant 0.000000e+00 : f32
      %broadcast_in_dim3A_48 = vector.broadcast %broadcast_in_dim3A_47 : f32 to vector<16xf32>
      %swap3A_49 = arith.index_cast %scan3A_26 : i32 to index
      %swap3A_50 = arith.constant 16 : index
      %swap3A_51 = tpu.vector_load %arg12[%swap3A_49, %swap3A_50] {strides = array<i32>} : memref<64x128xf32, #tpu.memory_space<vmem>>, vector<1x16xf32>,
      %swap3A_52 = vector.shape_cast %swap3A_51 : vector<1x16xf32> to vector<16xf32>
      %swap3A_53 = vector.shape_cast %broadcast_in_dim3A_48 : vector<16xf32> to vector<1x16xf32>
      tpu.vector_store %arg12[%swap3A_49, %swap3A_50], %swap3A_53 {strides = array<i32>} : memref<64x128xf32, #tpu.memory_space<vmem>>, vector<1x16xf32>,
      %broadcast_in_dim3A_54 = arith.constant 0.000000e+00 : f32
      %broadcast_in_dim3A_55 = vector.broadcast %broadcast_in_dim3A_54 : f32 to vector<16xf32>
      %swap3A_56 = arith.index_cast %scan3A_26 : i32 to index
      %swap3A_57 = arith.constant 32 : index
      %swap3A_58 = tpu.vector_load %arg11[%swap3A_56, %swap3A_57] {strides = array<i32>} : memref<64x128xf32, #tpu.memory_space<vmem>>, vector<1x16xf32>,
      %swap3A_59 = vector.shape_cast %swap3A_58 : vector<1x16xf32> to vector<16xf32>
      %swap3A_60 = vector.shape_cast %broadcast_in_dim3A_55 : vector<16xf32> to vector<1x16xf32>
      tpu.vector_store %arg11[%swap3A_56, %swap3A_57], %swap3A_60 {strides = array<i32>} : memref<64x128xf32, #tpu.memory_space<vmem>>, vector<1x16xf32>,
      %broadcast_in_dim3A_61 = arith.constant 0.000000e+00 : f32
      %broadcast_in_dim3A_62 = vector.broadcast %broadcast_in_dim3A_61 : f32 to vector<16xf32>
      %swap3A_63 = arith.index_cast %scan3A_26 : i32 to index
      %swap3A_64 = arith.constant 32 : index
      %swap3A_65 = tpu.vector_load %arg12[%swap3A_63, %swap3A_64] {strides = array<i32>} : memref<64x128xf32, #tpu.memory_space<vmem>>, vector<1x16xf32>,
      %swap3A_66 = vector.shape_cast %swap3A_65 : vector<1x16xf32> to vector<16xf32>
      %swap3A_67 = vector.shape_cast %broadcast_in_dim3A_62 : vector<16xf32> to vector<1x16xf32>
      tpu.vector_store %arg12[%swap3A_63, %swap3A_64], %swap3A_67 {strides = array<i32>} : memref<64x128xf32, #tpu.memory_space<vmem>>, vector<1x16xf32>,
      %broadcast_in_dim3A_68 = arith.constant 0.000000e+00 : f32
      %broadcast_in_dim3A_69 = vector.broadcast %broadcast_in_dim3A_68 : f32 to vector<16xf32>
      %swap3A_70 = arith.index_cast %scan3A_26 : i32 to index
      %swap3A_71 = arith.constant 48 : index
      %swap3A_72 = tpu.vector_load %arg11[%swap3A_70, %swap3A_71] {strides = array<i32>} : memref<64x128xf32, #tpu.memory_space<vmem>>, vector<1x16xf32>,
      %swap3A_73 = vector.shape_cast %swap3A_72 : vector<1x16xf32> to vector<16xf32>
      %swap3A_74 = vector.shape_cast %broadcast_in_dim3A_69 : vector<16xf32> to vector<1x16xf32>
      tpu.vector_store %arg11[%swap3A_70, %swap3A_71], %swap3A_74 {strides = array<i32>} : memref<64x128xf32, #tpu.memory_space<vmem>>, vector<1x16xf32>,
      %broadcast_in_dim3A_75 = arith.constant 0.000000e+00 : f32
      %broadcast_in_dim3A_76 = vector.broadcast %broadcast_in_dim3A_75 : f32 to vector<16xf32>
      %swap3A_77 = arith.index_cast %scan3A_26 : i32 to index
      %swap3A_78 = arith.constant 48 : index
      %swap3A_79 = tpu.vector_load %arg12[%swap3A_77, %swap3A_78] {strides = array<i32>} : memref<64x128xf32, #tpu.memory_space<vmem>>, vector<1x16xf32>,
      %swap3A_80 = vector.shape_cast %swap3A_79 : vector<1x16xf32> to vector<16xf32>
      %swap3A_81 = vector.shape_cast %broadcast_in_dim3A_76 : vector<16xf32> to vector<1x16xf32>
      tpu.vector_store %arg12[%swap3A_77, %swap3A_78], %swap3A_81 {strides = array<i32>} : memref<64x128xf32, #tpu.memory_space<vmem>>, vector<1x16xf32>,
      %broadcast_in_dim3A_82 = arith.constant 0.000000e+00 : f32
      %broadcast_in_dim3A_83 = vector.broadcast %broadcast_in_dim3A_82 : f32 to vector<16xf32>
      %swap3A_84 = arith.index_cast %scan3A_26 : i32 to index
      %swap3A_85 = arith.constant 64 : index
      %swap3A_86 = tpu.vector_load %arg11[%swap3A_84, %swap3A_85] {strides = array<i32>} : memref<64x128xf32, #tpu.memory_space<vmem>>, vector<1x16xf32>,
      %swap3A_87 = vector.shape_cast %swap3A_86 : vector<1x16xf32> to vector<16xf32>
      %swap3A_88 = vector.shape_cast %broadcast_in_dim3A_83 : vector<16xf32> to vector<1x16xf32>
      tpu.vector_store %arg11[%swap3A_84, %swap3A_85], %swap3A_88 {strides = array<i32>} : memref<64x128xf32, #tpu.memory_space<vmem>>, vector<1x16xf32>,
      %broadcast_in_dim3A_89 = arith.constant 0.000000e+00 : f32
      %broadcast_in_dim3A_90 = vector.broadcast %broadcast_in_dim3A_89 : f32 to vector<16xf32>
      %swap3A_91 = arith.index_cast %scan3A_26 : i32 to index
      %swap3A_92 = arith.constant 64 : index
      %swap3A_93 = tpu.vector_load %arg12[%swap3A_91, %swap3A_92] {strides = array<i32>} : memref<64x128xf32, #tpu.memory_space<vmem>>, vector<1x16xf32>,
      %swap3A_94 = vector.shape_cast %swap3A_93 : vector<1x16xf32> to vector<16xf32>
      %swap3A_95 = vector.shape_cast %broadcast_in_dim3A_90 : vector<16xf32> to vector<1x16xf32>
      tpu.vector_store %arg12[%swap3A_91, %swap3A_92], %swap3A_95 {strides = array<i32>} : memref<64x128xf32, #tpu.memory_space<vmem>>, vector<1x16xf32>,
      %broadcast_in_dim3A_96 = arith.constant 0.000000e+00 : f32
      %broadcast_in_dim3A_97 = vector.broadcast %broadcast_in_dim3A_96 : f32 to vector<16xf32>
      %swap3A_98 = arith.index_cast %scan3A_26 : i32 to index
      %swap3A_99 = arith.constant 80 : index
      %swap3A_100 = tpu.vector_load %arg11[%swap3A_98, %swap3A_99] {strides = array<i32>} : memref<64x128xf32, #tpu.memory_space<vmem>>, vector<1x16xf32>,
      %swap3A_101 = vector.shape_cast %swap3A_100 : vector<1x16xf32> to vector<16xf32>
      %swap3A_102 = vector.shape_cast %broadcast_in_dim3A_97 : vector<16xf32> to vector<1x16xf32>
      tpu.vector_store %arg11[%swap3A_98, %swap3A_99], %swap3A_102 {strides = array<i32>} : memref<64x128xf32, #tpu.memory_space<vmem>>, vector<1x16xf32>,
      %broadcast_in_dim3A_103 = arith.constant 0.000000e+00 : f32
      %broadcast_in_dim3A_104 = vector.broadcast %broadcast_in_dim3A_103 : f32 to vector<16xf32>
      %swap3A_105 = arith.index_cast %scan3A_26 : i32 to index
      %swap3A_106 = arith.constant 80 : index
      %swap3A_107 = tpu.vector_load %arg12[%swap3A_105, %swap3A_106] {strides = array<i32>} : memref<64x128xf32, #tpu.memory_space<vmem>>, vector<1x16xf32>,
      %swap3A_108 = vector.shape_cast %swap3A_107 : vector<1x16xf32> to vector<16xf32>
      %swap3A_109 = vector.shape_cast %broadcast_in_dim3A_104 : vector<16xf32> to vector<1x16xf32>
      tpu.vector_store %arg12[%swap3A_105, %swap3A_106], %swap3A_109 {strides = array<i32>} : memref<64x128xf32, #tpu.memory_space<vmem>>, vector<1x16xf32>,
      %broadcast_in_dim3A_110 = arith.constant 0.000000e+00 : f32
      %broadcast_in_dim3A_111 = vector.broadcast %broadcast_in_dim3A_110 : f32 to vector<16xf32>
      %swap3A_112 = arith.index_cast %scan3A_26 : i32 to index
      %swap3A_113 = arith.constant 96 : index
      %swap3A_114 = tpu.vector_load %arg11[%swap3A_112, %swap3A_113] {strides = array<i32>} : memref<64x128xf32, #tpu.memory_space<vmem>>, vector<1x16xf32>,
      %swap3A_115 = vector.shape_cast %swap3A_114 : vector<1x16xf32> to vector<16xf32>
      %swap3A_116 = vector.shape_cast %broadcast_in_dim3A_111 : vector<16xf32> to vector<1x16xf32>
      tpu.vector_store %arg11[%swap3A_112, %swap3A_113], %swap3A_116 {strides = array<i32>} : memref<64x128xf32, #tpu.memory_space<vmem>>, vector<1x16xf32>,
      %broadcast_in_dim3A_117 = arith.constant 0.000000e+00 : f32
      %broadcast_in_dim3A_118 = vector.broadcast %broadcast_in_dim3A_117 : f32 to vector<16xf32>
      %swap3A_119 = arith.index_cast %scan3A_26 : i32 to index
      %swap3A_120 = arith.constant 96 : index
      %swap3A_121 = tpu.vector_load %arg12[%swap3A_119, %swap3A_120] {strides = array<i32>} : memref<64x128xf32, #tpu.memory_space<vmem>>, vector<1x16xf32>,
      %swap3A_122 = vector.shape_cast %swap3A_121 : vector<1x16xf32> to vector<16xf32>
      %swap3A_123 = vector.shape_cast %broadcast_in_dim3A_118 : vector<16xf32> to vector<1x16xf32>
      tpu.vector_store %arg12[%swap3A_119, %swap3A_120], %swap3A_123 {strides = array<i32>} : memref<64x128xf32, #tpu.memory_space<vmem>>, vector<1x16xf32>,
      %broadcast_in_dim3A_124 = arith.constant 0.000000e+00 : f32
      %broadcast_in_dim3A_125 = vector.broadcast %broadcast_in_dim3A_124 : f32 to vector<16xf32>
      %swap3A_126 = arith.index_cast %scan3A_26 : i32 to index
      %swap3A_127 = arith.constant 112 : index
      %swap3A_128 = tpu.vector_load %arg11[%swap3A_126, %swap3A_127] {strides = array<i32>} : memref<64x128xf32, #tpu.memory_space<vmem>>, vector<1x16xf32>,
      %swap3A_129 = vector.shape_cast %swap3A_128 : vector<1x16xf32> to vector<16xf32>
      %swap3A_130 = vector.shape_cast %broadcast_in_dim3A_125 : vector<16xf32> to vector<1x16xf32>
      tpu.vector_store %arg11[%swap3A_126, %swap3A_127], %swap3A_130 {strides = array<i32>} : memref<64x128xf32, #tpu.memory_space<vmem>>, vector<1x16xf32>,
      %broadcast_in_dim3A_131 = arith.constant 0.000000e+00 : f32
      %broadcast_in_dim3A_132 = vector.broadcast %broadcast_in_dim3A_131 : f32 to vector<16xf32>
      %swap3A_133 = arith.index_cast %scan3A_26 : i32 to index
      %swap3A_134 = arith.constant 112 : index
      %swap3A_135 = tpu.vector_load %arg12[%swap3A_133, %swap3A_134] {strides = array<i32>} : memref<64x128xf32, #tpu.memory_space<vmem>>, vector<1x16xf32>,
      %swap3A_136 = vector.shape_cast %swap3A_135 : vector<1x16xf32> to vector<16xf32>
      %swap3A_137 = vector.shape_cast %broadcast_in_dim3A_132 : vector<16xf32> to vector<1x16xf32>
      tpu.vector_store %arg12[%swap3A_133, %swap3A_134], %swap3A_137 {strides = array<i32>} : memref<64x128xf32, #tpu.memory_space<vmem>>, vector<1x16xf32>,
      %scan3A_138 = arith.constant 0 : i32
      scf.yield %scan3A_138 : i32
    }
    %scan3A_6 = arith.constant 64 : i32
    %scan3A_7 = arith.constant 0 : i32
    %scan3A_8 = arith.constant 0 : i32
    %scan3A_9 = arith.constant 5 : i32
    %scan3A_10 = arith.addi %scan3A_8, %scan3A_9 : i32
    %scan3A_11 = arith.constant 1 : i32
    %scan3A_12 = scf.for %scan3A_26 = %scan3A_8 to %scan3A_10 step %scan3A_11 iter_args(%scan3A_27 = %scan3A_7) -> (i32)  : i32 {
      %mul3A_28 = arith.constant 320 : i32
      %mul3A_29 = arith.muli %arg1, %mul3A_28 : i32
      %mul3A_30 = arith.constant 64 : i32
      %mul3A_31 = arith.muli %scan3A_26, %mul3A_30 : i32
      %add3A_32 = arith.addi %mul3A_29, %mul3A_31 : i32
      "tpu.region"() ({
        %run_scoped3A = tpu.sem_alloc : memref<!tpu.dma_semaphore, #tpu.memory_space<semaphore_mem>>
        %dma_start3A = arith.constant 0 : i32
        %dma_start3A_34 = tpu.memref_slice %arg15[%add3A_32, %dma_start3A] : memref<5120x128xf32, #tpu.memory_space<vmem_shared>> -> memref<64x128xf32, #tpu.memory_space<vmem_shared>>
        %dma_start3A_35 = arith.constant 0 : i32
        %dma_start3A_36 = tpu.memref_slice %arg15[%add3A_32, %dma_start3A_35] : memref<5120x128xf32, #tpu.memory_space<vmem_shared>> -> memref<64x128xf32, #tpu.memory_space<vmem_shared>>
        tpu.enqueue_dma source(%arg11 : memref<64x128xf32, #tpu.memory_space<vmem>>) target(%dma_start3A_36 : memref<64x128xf32, #tpu.memory_space<vmem_shared>>) target_semaphore(%run_scoped3A : memref<!tpu.dma_semaphore, #tpu.memory_space<semaphore_mem>>)
        %dma_wait3A = arith.constant 0 : i32
        %dma_wait3A_37 = tpu.memref_slice %arg15[%add3A_32, %dma_wait3A] : memref<5120x128xf32, #tpu.memory_space<vmem_shared>> -> memref<64x128xf32, #tpu.memory_space<vmem_shared>>
        %dma_wait3A_38 = arith.constant 0 : i32
        %dma_wait3A_39 = tpu.memref_slice %arg15[%add3A_32, %dma_wait3A_38] : memref<5120x128xf32, #tpu.memory_space<vmem_shared>> -> memref<64x128xf32, #tpu.memory_space<vmem_shared>>
        tpu.wait_dma2 semaphore(%run_scoped3A : memref<!tpu.dma_semaphore, #tpu.memory_space<semaphore_mem>>) src(%arg11 : memref<64x128xf32, #tpu.memory_space<vmem>>) dst(%dma_wait3A_39 : memref<64x128xf32, #tpu.memory_space<vmem_shared>>)
        tpu.yield
      }) : () -> ()
      %scan3A_33 = arith.constant 0 : i32
      scf.yield %scan3A_33 : i32
    }
    %scan3A_13 = arith.constant 5 : i32
    %barrier3A = arith.constant 0 : index
    tpu.barrier barrier_id(%barrier3A)
    %scan3A_14 = arith.constant 0 : i32
    %scan3A_15 = arith.constant 0 : i32
    %scan3A_16 = arith.constant 157 : i32
    %scan3A_17 = arith.addi %scan3A_15, %scan3A_16 : i32
    %scan3A_18 = arith.constant 1 : i32
    %scan3A_19 = scf.for %scan3A_26 = %scan3A_15 to %scan3A_17 step %scan3A_18 iter_args(%scan3A_27 = %scan3A_14) -> (i32)  : i32 {
      %mul3A_28 = arith.constant 10048 : i32
      %mul3A_29 = arith.muli %add3A, %mul3A_28 : i32
      %mul3A_30 = arith.constant 64 : i32
      %mul3A_31 = arith.muli %scan3A_26, %mul3A_30 : i32
      %add3A_32 = arith.addi %mul3A_29, %mul3A_31 : i32
      %multiple_of3A = tpu.assume_multiple %add3A_32, 8 : i32
      "tpu.region"() ({
        %run_scoped3A = tpu.sem_alloc : memref<!tpu.dma_semaphore, #tpu.memory_space<semaphore_mem>>
        %dma_start3A_52 = tpu.memref_slice %arg3[%multiple_of3A] : memref<321536xi32, #tpu.memory_space<hbm>> -> memref<64xi32, #tpu.memory_space<hbm>>
        %dma_start3A_53 = tpu.memref_slice %arg3[%multiple_of3A] : memref<321536xi32, #tpu.memory_space<hbm>> -> memref<64xi32, #tpu.memory_space<hbm>>
        tpu.enqueue_dma source(%dma_start3A_53 : memref<64xi32, #tpu.memory_space<hbm>>) target(%arg7 : memref<64xi32, #tpu.memory_space<vmem>>) target_semaphore(%run_scoped3A : memref<!tpu.dma_semaphore, #tpu.memory_space<semaphore_mem>>)
        %dma_wait3A_54 = tpu.memref_slice %arg3[%multiple_of3A] : memref<321536xi32, #tpu.memory_space<hbm>> -> memref<64xi32, #tpu.memory_space<hbm>>
        %dma_wait3A_55 = tpu.memref_slice %arg3[%multiple_of3A] : memref<321536xi32, #tpu.memory_space<hbm>> -> memref<64xi32, #tpu.memory_space<hbm>>
        tpu.wait_dma2 semaphore(%run_scoped3A : memref<!tpu.dma_semaphore, #tpu.memory_space<semaphore_mem>>) src(%dma_wait3A_55 : memref<64xi32, #tpu.memory_space<hbm>>) dst(%arg7 : memref<64xi32, #tpu.memory_space<vmem>>)
        tpu.yield
      }) : () -> ()
      "tpu.region"() ({
        %run_scoped3A = tpu.sem_alloc : memref<!tpu.dma_semaphore, #tpu.memory_space<semaphore_mem>>
        %dma_start3A_52 = tpu.memref_slice %arg4[%multiple_of3A] : memref<321536xi32, #tpu.memory_space<hbm>> -> memref<64xi32, #tpu.memory_space<hbm>>
        %dma_start3A_53 = tpu.memref_slice %arg4[%multiple_of3A] : memref<321536xi32, #tpu.memory_space<hbm>> -> memref<64xi32, #tpu.memory_space<hbm>>
        tpu.enqueue_dma source(%dma_start3A_53 : memref<64xi32, #tpu.memory_space<hbm>>) target(%arg8 : memref<64xi32, #tpu.memory_space<vmem>>) target_semaphore(%run_scoped3A : memref<!tpu.dma_semaphore, #tpu.memory_space<semaphore_mem>>)
        %dma_wait3A_54 = tpu.memref_slice %arg4[%multiple_of3A] : memref<321536xi32, #tpu.memory_space<hbm>> -> memref<64xi32, #tpu.memory_space<hbm>>
        %dma_wait3A_55 = tpu.memref_slice %arg4[%multiple_of3A] : memref<321536xi32, #tpu.memory_space<hbm>> -> memref<64xi32, #tpu.memory_space<hbm>>
        tpu.wait_dma2 semaphore(%run_scoped3A : memref<!tpu.dma_semaphore, #tpu.memory_space<semaphore_mem>>) src(%dma_wait3A_55 : memref<64xi32, #tpu.memory_space<hbm>>) dst(%arg8 : memref<64xi32, #tpu.memory_space<vmem>>)
        tpu.yield
      }) : () -> ()
      "tpu.region"() ({
        %run_scoped3A = tpu.sem_alloc : memref<!tpu.dma_semaphore, #tpu.memory_space<semaphore_mem>>
        %dma_start3A_52 = arith.constant 0 : i32
        %dma_start3A_53 = tpu.memref_slice %arg5[%multiple_of3A, %dma_start3A_52] : memref<321536x16xf32, #tpu.memory_space<hbm>> -> memref<64x16xf32, #tpu.memory_space<hbm>>
        %dma_start3A_54 = arith.constant 0 : i32
        %dma_start3A_55 = tpu.memref_slice %arg5[%multiple_of3A, %dma_start3A_54] : memref<321536x16xf32, #tpu.memory_space<hbm>> -> memref<64x16xf32, #tpu.memory_space<hbm>>
        tpu.enqueue_dma source(%dma_start3A_55 : memref<64x16xf32, #tpu.memory_space<hbm>>) target(%arg9 : memref<64x16xf32, #tpu.memory_space<vmem>>) target_semaphore(%run_scoped3A : memref<!tpu.dma_semaphore, #tpu.memory_space<semaphore_mem>>)
        %dma_wait3A_56 = arith.constant 0 : i32
        %dma_wait3A_57 = tpu.memref_slice %arg5[%multiple_of3A, %dma_wait3A_56] : memref<321536x16xf32, #tpu.memory_space<hbm>> -> memref<64x16xf32, #tpu.memory_space<hbm>>
        %dma_wait3A_58 = arith.constant 0 : i32
        %dma_wait3A_59 = tpu.memref_slice %arg5[%multiple_of3A, %dma_wait3A_58] : memref<321536x16xf32, #tpu.memory_space<hbm>> -> memref<64x16xf32, #tpu.memory_space<hbm>>
        tpu.wait_dma2 semaphore(%run_scoped3A : memref<!tpu.dma_semaphore, #tpu.memory_space<semaphore_mem>>) src(%dma_wait3A_59 : memref<64x16xf32, #tpu.memory_space<hbm>>) dst(%arg9 : memref<64x16xf32, #tpu.memory_space<vmem>>)
        tpu.yield
      }) : () -> ()
      %dma_start3A = arith.constant 0 : i32
      %dma_start3A_33 = arith.constant 0 : i32
      %dma_start3A_34 = tpu.memref_slice %arg2[%dma_start3A, %dma_start3A_33] : memref<10000x768xf32, #tpu.memory_space<hbm>> -> memref<10000x768xf32, #tpu.memory_space<hbm>>
      tpu.enqueue_indirect_dma source(%dma_start3A_34 : memref<10000x768xf32, #tpu.memory_space<hbm>>) target(%arg10 : memref<64x768xf32, #tpu.memory_space<vmem>>) offsets(%arg7 : memref<64xi32, #tpu.memory_space<vmem>>) semaphore(%arg16 : memref<!tpu.dma_semaphore, #tpu.memory_space<semaphore_mem>>)
      %dma_wait3A = arith.constant 0 : i32
      %dma_wait3A_35 = arith.constant 0 : i32
      %dma_wait3A_36 = tpu.memref_slice %arg2[%dma_wait3A, %dma_wait3A_35] : memref<10000x768xf32, #tpu.memory_space<hbm>> -> memref<10000x768xf32, #tpu.memory_space<hbm>>
      tpu.wait_indirect_dma semaphore(%arg16 : memref<!tpu.dma_semaphore, #tpu.memory_space<semaphore_mem>>) src(%dma_wait3A_36 : memref<10000x768xf32, #tpu.memory_space<hbm>>) dst(%arg10 : memref<64x768xf32, #tpu.memory_space<vmem>>)
      %scan3A_37 = arith.constant 0 : i32
      %scan3A_38 = arith.constant 0 : i32
      %scan3A_39 = arith.constant 4 : i32
      %scan3A_40 = arith.addi %scan3A_38, %scan3A_39 : i32
      %scan3A_41 = arith.constant 1 : i32
      %scan3A_42 = scf.for %scan3A_52 = %scan3A_38 to %scan3A_40 step %scan3A_41 iter_args(%scan3A_53 = %scan3A_37) -> (i32)  : i32 {
        %mul3A_54 = arith.constant 16 : i32
        %mul3A_55 = arith.muli %scan3A_52, %mul3A_54 : i32
        %get3A = arith.index_cast %mul3A_55 : i32 to index
        %get3A_56 = tpu.vector_load %arg8[%get3A] {strides = array<i32>} : memref<64xi32, #tpu.memory_space<vmem>>, vector<16xi32>,
        %get3A_57 = vector.shape_cast %get3A_56 : vector<16xi32> to vector<16xi32>
        %shift_right_logical3A = arith.constant 1 : i32
        %shift_right_logical3A_58 = vector.broadcast %shift_right_logical3A : i32 to vector<16xi32>
        %shift_right_logical3A_59 = arith.shrui %get3A_57, %shift_right_logical3A_58 : vector<16xi32>
        %rem3A = arith.constant 2 : i32
        %rem3A_60 = vector.broadcast %rem3A : i32 to vector<16xi32>
        %rem3A_61 = arith.remsi %get3A_57, %rem3A_60 : vector<16xi32>
        %eq3A = arith.constant 1 : i32
        %eq3A_62 = vector.broadcast %eq3A : i32 to vector<16xi32>
        %eq3A_63 = arith.cmpi eq, %rem3A_61, %eq3A_62 : vector<16xi32>
        %jit3A = arith.constant 5100 : i32
        %broadcast_in_dim3A = vector.broadcast %jit3A : i32 to vector<16xi32>
        %select_n3A = arith.select %eq3A_63, %broadcast_in_dim3A, %shift_right_logical3A_59 : vector<16xi1>, vector<16xi32>
        %mul3A_64 = arith.constant 16 : i32
        %mul3A_65 = arith.muli %scan3A_52, %mul3A_64 : i32
        %swap3A = arith.index_cast %mul3A_65 : i32 to index
        %swap3A_66 = tpu.vector_load %arg13[%swap3A] {strides = array<i32>} : memref<64xi32, #tpu.memory_space<vmem>>, vector<16xi32>,
        %swap3A_67 = vector.shape_cast %swap3A_66 : vector<16xi32> to vector<16xi32>
        %swap3A_68 = vector.shape_cast %select_n3A : vector<16xi32> to vector<16xi32>
        tpu.vector_store %arg13[%swap3A], %swap3A_68 {strides = array<i32>} : memref<64xi32, #tpu.memory_space<vmem>>, vector<16xi32>,
        %jit3A_69 = arith.constant 5100 : i32
        %broadcast_in_dim3A_70 = vector.broadcast %jit3A_69 : i32 to vector<16xi32>
        %select_n3A_71 = arith.select %eq3A_63, %shift_right_logical3A_59, %broadcast_in_dim3A_70 : vector<16xi1>, vector<16xi32>
        %mul3A_72 = arith.constant 16 : i32
        %mul3A_73 = arith.muli %scan3A_52, %mul3A_72 : i32
        %swap3A_74 = arith.index_cast %mul3A_73 : i32 to index
        %swap3A_75 = tpu.vector_load %arg14[%swap3A_74] {strides = array<i32>} : memref<64xi32, #tpu.memory_space<vmem>>, vector<16xi32>,
        %swap3A_76 = vector.shape_cast %swap3A_75 : vector<16xi32> to vector<16xi32>
        %swap3A_77 = vector.shape_cast %select_n3A_71 : vector<16xi32> to vector<16xi32>
        tpu.vector_store %arg14[%swap3A_74], %swap3A_77 {strides = array<i32>} : memref<64xi32, #tpu.memory_space<vmem>>, vector<16xi32>,
        %scan3A_78 = arith.constant 0 : i32
        scf.yield %scan3A_78 : i32
      }
      %scan3A_43 = arith.constant 4 : i32
      %scan3A_44 = arith.constant 0 : i32
      %scan3A_45 = arith.constant 0 : i32
      %scan3A_46 = arith.constant 64 : i32
      %scan3A_47 = arith.addi %scan3A_45, %scan3A_46 : i32
      %scan3A_48 = arith.constant 1 : i32
      %scan3A_49 = scf.for %scan3A_52 = %scan3A_45 to %scan3A_47 step %scan3A_48 iter_args(%scan3A_53 = %scan3A_44) -> (i32)  : i32 {
        %get3A = arith.index_cast %scan3A_52 : i32 to index
        %get3A_54 = arith.constant 0 : index
        %get3A_55 = tpu.vector_load %arg9[%get3A, %get3A_54] {strides = array<i32>} : memref<64x16xf32, #tpu.memory_space<vmem>>, vector<1x16xf32>,
        %get3A_56 = vector.shape_cast %get3A_55 : vector<1x16xf32> to vector<16xf32>
        %slice3A = vector.extract_strided_slice %get3A_56 {offsets = [0], sizes = [1], strides = [1]} : vector<16xf32> to vector<1xf32>
        %squeeze3A = vector.extract %slice3A[0] : f32 from vector<1xf32>
        %get3A_57 = arith.index_cast %scan3A_52 : i32 to index
        %get3A_58 = arith.constant 0 : index
        %get3A_59 = tpu.vector_load %arg10[%get3A_57, %get3A_58] {strides = array<i32>} : memref<64x768xf32, #tpu.memory_space<vmem>>, vector<1x16xf32>,
        %get3A_60 = vector.shape_cast %get3A_59 : vector<1x16xf32> to vector<16xf32>
        %mul3A_61 = vector.broadcast %squeeze3A : f32 to vector<16xf32>
        %mul3A_62 = arith.mulf %mul3A_61, %get3A_60 : vector<16xf32>
        %slice3A_63 = vector.extract_strided_slice %get3A_56 {offsets = [1], sizes = [1], strides = [1]} : vector<16xf32> to vector<1xf32>
        %squeeze3A_64 = vector.extract %slice3A_63[0] : f32 from vector<1xf32>
        %get3A_65 = arith.index_cast %scan3A_52 : i32 to index
        %get3A_66 = arith.constant 64 : index
        %get3A_67 = tpu.vector_load %arg10[%get3A_65, %get3A_66] {strides = array<i32>} : memref<64x768xf32, #tpu.memory_space<vmem>>, vector<1x16xf32>,
        %get3A_68 = vector.shape_cast %get3A_67 : vector<1x16xf32> to vector<16xf32>
        %mul3A_69 = vector.broadcast %squeeze3A_64 : f32 to vector<16xf32>
        %mul3A_70 = arith.mulf %mul3A_69, %get3A_68 : vector<16xf32>
        %add3A_71 = arith.addf %mul3A_62, %mul3A_70 : vector<16xf32>
        %slice3A_72 = vector.extract_strided_slice %get3A_56 {offsets = [2], sizes = [1], strides = [1]} : vector<16xf32> to vector<1xf32>
        %squeeze3A_73 = vector.extract %slice3A_72[0] : f32 from vector<1xf32>
        %get3A_74 = arith.index_cast %scan3A_52 : i32 to index
        %get3A_75 = arith.constant 128 : index
        %get3A_76 = tpu.vector_load %arg10[%get3A_74, %get3A_75] {strides = array<i32>} : memref<64x768xf32, #tpu.memory_space<vmem>>, vector<1x16xf32>,
        %get3A_77 = vector.shape_cast %get3A_76 : vector<1x16xf32> to vector<16xf32>
        %mul3A_78 = vector.broadcast %squeeze3A_73 : f32 to vector<16xf32>
        %mul3A_79 = arith.mulf %mul3A_78, %get3A_77 : vector<16xf32>
        %add3A_80 = arith.addf %add3A_71, %mul3A_79 : vector<16xf32>
        %slice3A_81 = vector.extract_strided_slice %get3A_56 {offsets = [3], sizes = [1], strides = [1]} : vector<16xf32> to vector<1xf32>
        %squeeze3A_82 = vector.extract %slice3A_81[0] : f32 from vector<1xf32>
        %get3A_83 = arith.index_cast %scan3A_52 : i32 to index
        %get3A_84 = arith.constant 192 : index
        %get3A_85 = tpu.vector_load %arg10[%get3A_83, %get3A_84] {strides = array<i32>} : memref<64x768xf32, #tpu.memory_space<vmem>>, vector<1x16xf32>,
        %get3A_86 = vector.shape_cast %get3A_85 : vector<1x16xf32> to vector<16xf32>
        %mul3A_87 = vector.broadcast %squeeze3A_82 : f32 to vector<16xf32>
        %mul3A_88 = arith.mulf %mul3A_87, %get3A_86 : vector<16xf32>
        %add3A_89 = arith.addf %add3A_80, %mul3A_88 : vector<16xf32>
        %slice3A_90 = vector.extract_strided_slice %get3A_56 {offsets = [4], sizes = [1], strides = [1]} : vector<16xf32> to vector<1xf32>
        %squeeze3A_91 = vector.extract %slice3A_90[0] : f32 from vector<1xf32>
        %get3A_92 = arith.index_cast %scan3A_52 : i32 to index
        %get3A_93 = arith.constant 256 : index
        %get3A_94 = tpu.vector_load %arg10[%get3A_92, %get3A_93] {strides = array<i32>} : memref<64x768xf32, #tpu.memory_space<vmem>>, vector<1x16xf32>,
        %get3A_95 = vector.shape_cast %get3A_94 : vector<1x16xf32> to vector<16xf32>
        %mul3A_96 = vector.broadcast %squeeze3A_91 : f32 to vector<16xf32>
        %mul3A_97 = arith.mulf %mul3A_96, %get3A_95 : vector<16xf32>
        %add3A_98 = arith.addf %add3A_89, %mul3A_97 : vector<16xf32>
        %slice3A_99 = vector.extract_strided_slice %get3A_56 {offsets = [5], sizes = [1], strides = [1]} : vector<16xf32> to vector<1xf32>
        %squeeze3A_100 = vector.extract %slice3A_99[0] : f32 from vector<1xf32>
        %get3A_101 = arith.index_cast %scan3A_52 : i32 to index
        %get3A_102 = arith.constant 320 : index
        %get3A_103 = tpu.vector_load %arg10[%get3A_101, %get3A_102] {strides = array<i32>} : memref<64x768xf32, #tpu.memory_space<vmem>>, vector<1x16xf32>,
        %get3A_104 = vector.shape_cast %get3A_103 : vector<1x16xf32> to vector<16xf32>
        %mul3A_105 = vector.broadcast %squeeze3A_100 : f32 to vector<16xf32>
        %mul3A_106 = arith.mulf %mul3A_105, %get3A_104 : vector<16xf32>
        %add3A_107 = arith.addf %add3A_98, %mul3A_106 : vector<16xf32>
        %slice3A_108 = vector.extract_strided_slice %get3A_56 {offsets = [6], sizes = [1], strides = [1]} : vector<16xf32> to vector<1xf32>
        %squeeze3A_109 = vector.extract %slice3A_108[0] : f32 from vector<1xf32>
        %get3A_110 = arith.index_cast %scan3A_52 : i32 to index
        %get3A_111 = arith.constant 384 : index
        %get3A_112 = tpu.vector_load %arg10[%get3A_110, %get3A_111] {strides = array<i32>} : memref<64x768xf32, #tpu.memory_space<vmem>>, vector<1x16xf32>,
        %get3A_113 = vector.shape_cast %get3A_112 : vector<1x16xf32> to vector<16xf32>
        %mul3A_114 = vector.broadcast %squeeze3A_109 : f32 to vector<16xf32>
        %mul3A_115 = arith.mulf %mul3A_114, %get3A_113 : vector<16xf32>
        %add3A_116 = arith.addf %add3A_107, %mul3A_115 : vector<16xf32>
        %slice3A_117 = vector.extract_strided_slice %get3A_56 {offsets = [7], sizes = [1], strides = [1]} : vector<16xf32> to vector<1xf32>
        %squeeze3A_118 = vector.extract %slice3A_117[0] : f32 from vector<1xf32>
        %get3A_119 = arith.index_cast %scan3A_52 : i32 to index
        %get3A_120 = arith.constant 448 : index
        %get3A_121 = tpu.vector_load %arg10[%get3A_119, %get3A_120] {strides = array<i32>} : memref<64x768xf32, #tpu.memory_space<vmem>>, vector<1x16xf32>,
        %get3A_122 = vector.shape_cast %get3A_121 : vector<1x16xf32> to vector<16xf32>
        %mul3A_123 = vector.broadcast %squeeze3A_118 : f32 to vector<16xf32>
        %mul3A_124 = arith.mulf %mul3A_123, %get3A_122 : vector<16xf32>
        %add3A_125 = arith.addf %add3A_116, %mul3A_124 : vector<16xf32>
        %slice3A_126 = vector.extract_strided_slice %get3A_56 {offsets = [8], sizes = [1], strides = [1]} : vector<16xf32> to vector<1xf32>
        %squeeze3A_127 = vector.extract %slice3A_126[0] : f32 from vector<1xf32>
        %get3A_128 = arith.index_cast %scan3A_52 : i32 to index
        %get3A_129 = arith.constant 512 : index
        %get3A_130 = tpu.vector_load %arg10[%get3A_128, %get3A_129] {strides = array<i32>} : memref<64x768xf32, #tpu.memory_space<vmem>>, vector<1x16xf32>,
        %get3A_131 = vector.shape_cast %get3A_130 : vector<1x16xf32> to vector<16xf32>
        %mul3A_132 = vector.broadcast %squeeze3A_127 : f32 to vector<16xf32>
        %mul3A_133 = arith.mulf %mul3A_132, %get3A_131 : vector<16xf32>
        %add3A_134 = arith.addf %add3A_125, %mul3A_133 : vector<16xf32>
        %slice3A_135 = vector.extract_strided_slice %get3A_56 {offsets = [9], sizes = [1], strides = [1]} : vector<16xf32> to vector<1xf32>
        %squeeze3A_136 = vector.extract %slice3A_135[0] : f32 from vector<1xf32>
        %get3A_137 = arith.index_cast %scan3A_52 : i32 to index
        %get3A_138 = arith.constant 576 : index
        %get3A_139 = tpu.vector_load %arg10[%get3A_137, %get3A_138] {strides = array<i32>} : memref<64x768xf32, #tpu.memory_space<vmem>>, vector<1x16xf32>,
        %get3A_140 = vector.shape_cast %get3A_139 : vector<1x16xf32> to vector<16xf32>
        %mul3A_141 = vector.broadcast %squeeze3A_136 : f32 to vector<16xf32>
        %mul3A_142 = arith.mulf %mul3A_141, %get3A_140 : vector<16xf32>
        %add3A_143 = arith.addf %add3A_134, %mul3A_142 : vector<16xf32>
        %slice3A_144 = vector.extract_strided_slice %get3A_56 {offsets = [10], sizes = [1], strides = [1]} : vector<16xf32> to vector<1xf32>
        %squeeze3A_145 = vector.extract %slice3A_144[0] : f32 from vector<1xf32>
        %get3A_146 = arith.index_cast %scan3A_52 : i32 to index
        %get3A_147 = arith.constant 640 : index
        %get3A_148 = tpu.vector_load %arg10[%get3A_146, %get3A_147] {strides = array<i32>} : memref<64x768xf32, #tpu.memory_space<vmem>>, vector<1x16xf32>,
        %get3A_149 = vector.shape_cast %get3A_148 : vector<1x16xf32> to vector<16xf32>
        %mul3A_150 = vector.broadcast %squeeze3A_145 : f32 to vector<16xf32>
        %mul3A_151 = arith.mulf %mul3A_150, %get3A_149 : vector<16xf32>
        %add3A_152 = arith.addf %add3A_143, %mul3A_151 : vector<16xf32>
        %swap3A = arith.index_cast %scan3A_52 : i32 to index
        %swap3A_153 = arith.constant 0 : index
        %swap3A_154 = tpu.vector_load %arg11[%swap3A, %swap3A_153] {strides = array<i32>} : memref<64x128xf32, #tpu.memory_space<vmem>>, vector<1x16xf32>,
        %swap3A_155 = vector.shape_cast %swap3A_154 : vector<1x16xf32> to vector<16xf32>
        %swap3A_156 = vector.shape_cast %add3A_152 : vector<16xf32> to vector<1x16xf32>
        tpu.vector_store %arg11[%swap3A, %swap3A_153], %swap3A_156 {strides = array<i32>} : memref<64x128xf32, #tpu.memory_space<vmem>>, vector<1x16xf32>,
        %swap3A_157 = arith.index_cast %scan3A_52 : i32 to index
        %swap3A_158 = arith.constant 64 : index
        %swap3A_159 = tpu.vector_load %arg12[%swap3A_157, %swap3A_158] {strides = array<i32>} : memref<64x128xf32, #tpu.memory_space<vmem>>, vector<1x16xf32>,
        %swap3A_160 = vector.shape_cast %swap3A_159 : vector<1x16xf32> to vector<16xf32>
        %swap3A_161 = vector.shape_cast %add3A_152 : vector<16xf32> to vector<1x16xf32>
        tpu.vector_store %arg12[%swap3A_157, %swap3A_158], %swap3A_161 {strides = array<i32>} : memref<64x128xf32, #tpu.memory_space<vmem>>, vector<1x16xf32>,
        %slice3A_162 = vector.extract_strided_slice %get3A_56 {offsets = [0], sizes = [1], strides = [1]} : vector<16xf32> to vector<1xf32>
        %squeeze3A_163 = vector.extract %slice3A_162[0] : f32 from vector<1xf32>
        %get3A_164 = arith.index_cast %scan3A_52 : i32 to index
        %get3A_165 = arith.constant 16 : index
        %get3A_166 = tpu.vector_load %arg10[%get3A_164, %get3A_165] {strides = array<i32>} : memref<64x768xf32, #tpu.memory_space<vmem>>, vector<1x16xf32>,
        %get3A_167 = vector.shape_cast %get3A_166 : vector<1x16xf32> to vector<16xf32>
        %mul3A_168 = vector.broadcast %squeeze3A_163 : f32 to vector<16xf32>
        %mul3A_169 = arith.mulf %mul3A_168, %get3A_167 : vector<16xf32>
        %slice3A_170 = vector.extract_strided_slice %get3A_56 {offsets = [1], sizes = [1], strides = [1]} : vector<16xf32> to vector<1xf32>
        %squeeze3A_171 = vector.extract %slice3A_170[0] : f32 from vector<1xf32>
        %get3A_172 = arith.index_cast %scan3A_52 : i32 to index
        %get3A_173 = arith.constant 80 : index
        %get3A_174 = tpu.vector_load %arg10[%get3A_172, %get3A_173] {strides = array<i32>} : memref<64x768xf32, #tpu.memory_space<vmem>>, vector<1x16xf32>,
        %get3A_175 = vector.shape_cast %get3A_174 : vector<1x16xf32> to vector<16xf32>
        %mul3A_176 = vector.broadcast %squeeze3A_171 : f32 to vector<16xf32>
        %mul3A_177 = arith.mulf %mul3A_176, %get3A_175 : vector<16xf32>
        %add3A_178 = arith.addf %mul3A_169, %mul3A_177 : vector<16xf32>
        %slice3A_179 = vector.extract_strided_slice %get3A_56 {offsets = [2], sizes = [1], strides = [1]} : vector<16xf32> to vector<1xf32>
        %squeeze3A_180 = vector.extract %slice3A_179[0] : f32 from vector<1xf32>
        %get3A_181 = arith.index_cast %scan3A_52 : i32 to index
        %get3A_182 = arith.constant 144 : index
        %get3A_183 = tpu.vector_load %arg10[%get3A_181, %get3A_182] {strides = array<i32>} : memref<64x768xf32, #tpu.memory_space<vmem>>, vector<1x16xf32>,
        %get3A_184 = vector.shape_cast %get3A_183 : vector<1x16xf32> to vector<16xf32>
        %mul3A_185 = vector.broadcast %squeeze3A_180 : f32 to vector<16xf32>
        %mul3A_186 = arith.mulf %mul3A_185, %get3A_184 : vector<16xf32>
        %add3A_187 = arith.addf %add3A_178, %mul3A_186 : vector<16xf32>
        %slice3A_188 = vector.extract_strided_slice %get3A_56 {offsets = [3], sizes = [1], strides = [1]} : vector<16xf32> to vector<1xf32>
        %squeeze3A_189 = vector.extract %slice3A_188[0] : f32 from vector<1xf32>
        %get3A_190 = arith.index_cast %scan3A_52 : i32 to index
        %get3A_191 = arith.constant 208 : index
        %get3A_192 = tpu.vector_load %arg10[%get3A_190, %get3A_191] {strides = array<i32>} : memref<64x768xf32, #tpu.memory_space<vmem>>, vector<1x16xf32>,
        %get3A_193 = vector.shape_cast %get3A_192 : vector<1x16xf32> to vector<16xf32>
        %mul3A_194 = vector.broadcast %squeeze3A_189 : f32 to vector<16xf32>
        %mul3A_195 = arith.mulf %mul3A_194, %get3A_193 : vector<16xf32>
        %add3A_196 = arith.addf %add3A_187, %mul3A_195 : vector<16xf32>
        %slice3A_197 = vector.extract_strided_slice %get3A_56 {offsets = [4], sizes = [1], strides = [1]} : vector<16xf32> to vector<1xf32>
        %squeeze3A_198 = vector.extract %slice3A_197[0] : f32 from vector<1xf32>
        %get3A_199 = arith.index_cast %scan3A_52 : i32 to index
        %get3A_200 = arith.constant 272 : index
        %get3A_201 = tpu.vector_load %arg10[%get3A_199, %get3A_200] {strides = array<i32>} : memref<64x768xf32, #tpu.memory_space<vmem>>, vector<1x16xf32>,
        %get3A_202 = vector.shape_cast %get3A_201 : vector<1x16xf32> to vector<16xf32>
        %mul3A_203 = vector.broadcast %squeeze3A_198 : f32 to vector<16xf32>
        %mul3A_204 = arith.mulf %mul3A_203, %get3A_202 : vector<16xf32>
        %add3A_205 = arith.addf %add3A_196, %mul3A_204 : vector<16xf32>
        %slice3A_206 = vector.extract_strided_slice %get3A_56 {offsets = [5], sizes = [1], strides = [1]} : vector<16xf32> to vector<1xf32>
        %squeeze3A_207 = vector.extract %slice3A_206[0] : f32 from vector<1xf32>
        %get3A_208 = arith.index_cast %scan3A_52 : i32 to index
        %get3A_209 = arith.constant 336 : index
        %get3A_210 = tpu.vector_load %arg10[%get3A_208, %get3A_209] {strides = array<i32>} : memref<64x768xf32, #tpu.memory_space<vmem>>, vector<1x16xf32>,
        %get3A_211 = vector.shape_cast %get3A_210 : vector<1x16xf32> to vector<16xf32>
        %mul3A_212 = vector.broadcast %squeeze3A_207 : f32 to vector<16xf32>
        %mul3A_213 = arith.mulf %mul3A_212, %get3A_211 : vector<16xf32>
        %add3A_214 = arith.addf %add3A_205, %mul3A_213 : vector<16xf32>
        %slice3A_215 = vector.extract_strided_slice %get3A_56 {offsets = [6], sizes = [1], strides = [1]} : vector<16xf32> to vector<1xf32>
        %squeeze3A_216 = vector.extract %slice3A_215[0] : f32 from vector<1xf32>
        %get3A_217 = arith.index_cast %scan3A_52 : i32 to index
        %get3A_218 = arith.constant 400 : index
        %get3A_219 = tpu.vector_load %arg10[%get3A_217, %get3A_218] {strides = array<i32>} : memref<64x768xf32, #tpu.memory_space<vmem>>, vector<1x16xf32>,
        %get3A_220 = vector.shape_cast %get3A_219 : vector<1x16xf32> to vector<16xf32>
        %mul3A_221 = vector.broadcast %squeeze3A_216 : f32 to vector<16xf32>
        %mul3A_222 = arith.mulf %mul3A_221, %get3A_220 : vector<16xf32>
        %add3A_223 = arith.addf %add3A_214, %mul3A_222 : vector<16xf32>
        %slice3A_224 = vector.extract_strided_slice %get3A_56 {offsets = [7], sizes = [1], strides = [1]} : vector<16xf32> to vector<1xf32>
        %squeeze3A_225 = vector.extract %slice3A_224[0] : f32 from vector<1xf32>
        %get3A_226 = arith.index_cast %scan3A_52 : i32 to index
        %get3A_227 = arith.constant 464 : index
        %get3A_228 = tpu.vector_load %arg10[%get3A_226, %get3A_227] {strides = array<i32>} : memref<64x768xf32, #tpu.memory_space<vmem>>, vector<1x16xf32>,
        %get3A_229 = vector.shape_cast %get3A_228 : vector<1x16xf32> to vector<16xf32>
        %mul3A_230 = vector.broadcast %squeeze3A_225 : f32 to vector<16xf32>
        %mul3A_231 = arith.mulf %mul3A_230, %get3A_229 : vector<16xf32>
        %add3A_232 = arith.addf %add3A_223, %mul3A_231 : vector<16xf32>
        %slice3A_233 = vector.extract_strided_slice %get3A_56 {offsets = [8], sizes = [1], strides = [1]} : vector<16xf32> to vector<1xf32>
        %squeeze3A_234 = vector.extract %slice3A_233[0] : f32 from vector<1xf32>
        %get3A_235 = arith.index_cast %scan3A_52 : i32 to index
        %get3A_236 = arith.constant 528 : index
        %get3A_237 = tpu.vector_load %arg10[%get3A_235, %get3A_236] {strides = array<i32>} : memref<64x768xf32, #tpu.memory_space<vmem>>, vector<1x16xf32>,
        %get3A_238 = vector.shape_cast %get3A_237 : vector<1x16xf32> to vector<16xf32>
        %mul3A_239 = vector.broadcast %squeeze3A_234 : f32 to vector<16xf32>
        %mul3A_240 = arith.mulf %mul3A_239, %get3A_238 : vector<16xf32>
        %add3A_241 = arith.addf %add3A_232, %mul3A_240 : vector<16xf32>
        %slice3A_242 = vector.extract_strided_slice %get3A_56 {offsets = [9], sizes = [1], strides = [1]} : vector<16xf32> to vector<1xf32>
        %squeeze3A_243 = vector.extract %slice3A_242[0] : f32 from vector<1xf32>
        %get3A_244 = arith.index_cast %scan3A_52 : i32 to index
        %get3A_245 = arith.constant 592 : index
        %get3A_246 = tpu.vector_load %arg10[%get3A_244, %get3A_245] {strides = array<i32>} : memref<64x768xf32, #tpu.memory_space<vmem>>, vector<1x16xf32>,
        %get3A_247 = vector.shape_cast %get3A_246 : vector<1x16xf32> to vector<16xf32>
        %mul3A_248 = vector.broadcast %squeeze3A_243 : f32 to vector<16xf32>
        %mul3A_249 = arith.mulf %mul3A_248, %get3A_247 : vector<16xf32>
        %add3A_250 = arith.addf %add3A_241, %mul3A_249 : vector<16xf32>
        %slice3A_251 = vector.extract_strided_slice %get3A_56 {offsets = [10], sizes = [1], strides = [1]} : vector<16xf32> to vector<1xf32>
        %squeeze3A_252 = vector.extract %slice3A_251[0] : f32 from vector<1xf32>
        %get3A_253 = arith.index_cast %scan3A_52 : i32 to index
        %get3A_254 = arith.constant 656 : index
        %get3A_255 = tpu.vector_load %arg10[%get3A_253, %get3A_254] {strides = array<i32>} : memref<64x768xf32, #tpu.memory_space<vmem>>, vector<1x16xf32>,
        %get3A_256 = vector.shape_cast %get3A_255 : vector<1x16xf32> to vector<16xf32>
        %mul3A_257 = vector.broadcast %squeeze3A_252 : f32 to vector<16xf32>
        %mul3A_258 = arith.mulf %mul3A_257, %get3A_256 : vector<16xf32>
        %add3A_259 = arith.addf %add3A_250, %mul3A_258 : vector<16xf32>
        %swap3A_260 = arith.index_cast %scan3A_52 : i32 to index
        %swap3A_261 = arith.constant 16 : index
        %swap3A_262 = tpu.vector_load %arg11[%swap3A_260, %swap3A_261] {strides = array<i32>} : memref<64x128xf32, #tpu.memory_space<vmem>>, vector<1x16xf32>,
        %swap3A_263 = vector.shape_cast %swap3A_262 : vector<1x16xf32> to vector<16xf32>
        %swap3A_264 = vector.shape_cast %add3A_259 : vector<16xf32> to vector<1x16xf32>
        tpu.vector_store %arg11[%swap3A_260, %swap3A_261], %swap3A_264 {strides = array<i32>} : memref<64x128xf32, #tpu.memory_space<vmem>>, vector<1x16xf32>,
        %swap3A_265 = arith.index_cast %scan3A_52 : i32 to index
        %swap3A_266 = arith.constant 80 : index
        %swap3A_267 = tpu.vector_load %arg12[%swap3A_265, %swap3A_266] {strides = array<i32>} : memref<64x128xf32, #tpu.memory_space<vmem>>, vector<1x16xf32>,
        %swap3A_268 = vector.shape_cast %swap3A_267 : vector<1x16xf32> to vector<16xf32>
        %swap3A_269 = vector.shape_cast %add3A_259 : vector<16xf32> to vector<1x16xf32>
        tpu.vector_store %arg12[%swap3A_265, %swap3A_266], %swap3A_269 {strides = array<i32>} : memref<64x128xf32, #tpu.memory_space<vmem>>, vector<1x16xf32>,
        %slice3A_270 = vector.extract_strided_slice %get3A_56 {offsets = [0], sizes = [1], strides = [1]} : vector<16xf32> to vector<1xf32>
        %squeeze3A_271 = vector.extract %slice3A_270[0] : f32 from vector<1xf32>
        %get3A_272 = arith.index_cast %scan3A_52 : i32 to index
        %get3A_273 = arith.constant 32 : index
        %get3A_274 = tpu.vector_load %arg10[%get3A_272, %get3A_273] {strides = array<i32>} : memref<64x768xf32, #tpu.memory_space<vmem>>, vector<1x16xf32>,
        %get3A_275 = vector.shape_cast %get3A_274 : vector<1x16xf32> to vector<16xf32>
        %mul3A_276 = vector.broadcast %squeeze3A_271 : f32 to vector<16xf32>
        %mul3A_277 = arith.mulf %mul3A_276, %get3A_275 : vector<16xf32>
        %slice3A_278 = vector.extract_strided_slice %get3A_56 {offsets = [1], sizes = [1], strides = [1]} : vector<16xf32> to vector<1xf32>
        %squeeze3A_279 = vector.extract %slice3A_278[0] : f32 from vector<1xf32>
        %get3A_280 = arith.index_cast %scan3A_52 : i32 to index
        %get3A_281 = arith.constant 96 : index
        %get3A_282 = tpu.vector_load %arg10[%get3A_280, %get3A_281] {strides = array<i32>} : memref<64x768xf32, #tpu.memory_space<vmem>>, vector<1x16xf32>,
        %get3A_283 = vector.shape_cast %get3A_282 : vector<1x16xf32> to vector<16xf32>
        %mul3A_284 = vector.broadcast %squeeze3A_279 : f32 to vector<16xf32>
        %mul3A_285 = arith.mulf %mul3A_284, %get3A_283 : vector<16xf32>
        %add3A_286 = arith.addf %mul3A_277, %mul3A_285 : vector<16xf32>
        %slice3A_287 = vector.extract_strided_slice %get3A_56 {offsets = [2], sizes = [1], strides = [1]} : vector<16xf32> to vector<1xf32>
        %squeeze3A_288 = vector.extract %slice3A_287[0] : f32 from vector<1xf32>
        %get3A_289 = arith.index_cast %scan3A_52 : i32 to index
        %get3A_290 = arith.constant 160 : index
        %get3A_291 = tpu.vector_load %arg10[%get3A_289, %get3A_290] {strides = array<i32>} : memref<64x768xf32, #tpu.memory_space<vmem>>, vector<1x16xf32>,
        %get3A_292 = vector.shape_cast %get3A_291 : vector<1x16xf32> to vector<16xf32>
        %mul3A_293 = vector.broadcast %squeeze3A_288 : f32 to vector<16xf32>
        %mul3A_294 = arith.mulf %mul3A_293, %get3A_292 : vector<16xf32>
        %add3A_295 = arith.addf %add3A_286, %mul3A_294 : vector<16xf32>
        %slice3A_296 = vector.extract_strided_slice %get3A_56 {offsets = [3], sizes = [1], strides = [1]} : vector<16xf32> to vector<1xf32>
        %squeeze3A_297 = vector.extract %slice3A_296[0] : f32 from vector<1xf32>
        %get3A_298 = arith.index_cast %scan3A_52 : i32 to index
        %get3A_299 = arith.constant 224 : index
        %get3A_300 = tpu.vector_load %arg10[%get3A_298, %get3A_299] {strides = array<i32>} : memref<64x768xf32, #tpu.memory_space<vmem>>, vector<1x16xf32>,
        %get3A_301 = vector.shape_cast %get3A_300 : vector<1x16xf32> to vector<16xf32>
        %mul3A_302 = vector.broadcast %squeeze3A_297 : f32 to vector<16xf32>
        %mul3A_303 = arith.mulf %mul3A_302, %get3A_301 : vector<16xf32>
        %add3A_304 = arith.addf %add3A_295, %mul3A_303 : vector<16xf32>
        %slice3A_305 = vector.extract_strided_slice %get3A_56 {offsets = [4], sizes = [1], strides = [1]} : vector<16xf32> to vector<1xf32>
        %squeeze3A_306 = vector.extract %slice3A_305[0] : f32 from vector<1xf32>
        %get3A_307 = arith.index_cast %scan3A_52 : i32 to index
        %get3A_308 = arith.constant 288 : index
        %get3A_309 = tpu.vector_load %arg10[%get3A_307, %get3A_308] {strides = array<i32>} : memref<64x768xf32, #tpu.memory_space<vmem>>, vector<1x16xf32>,
        %get3A_310 = vector.shape_cast %get3A_309 : vector<1x16xf32> to vector<16xf32>
        %mul3A_311 = vector.broadcast %squeeze3A_306 : f32 to vector<16xf32>
        %mul3A_312 = arith.mulf %mul3A_311, %get3A_310 : vector<16xf32>
        %add3A_313 = arith.addf %add3A_304, %mul3A_312 : vector<16xf32>
        %slice3A_314 = vector.extract_strided_slice %get3A_56 {offsets = [5], sizes = [1], strides = [1]} : vector<16xf32> to vector<1xf32>
        %squeeze3A_315 = vector.extract %slice3A_314[0] : f32 from vector<1xf32>
        %get3A_316 = arith.index_cast %scan3A_52 : i32 to index
        %get3A_317 = arith.constant 352 : index
        %get3A_318 = tpu.vector_load %arg10[%get3A_316, %get3A_317] {strides = array<i32>} : memref<64x768xf32, #tpu.memory_space<vmem>>, vector<1x16xf32>,
        %get3A_319 = vector.shape_cast %get3A_318 : vector<1x16xf32> to vector<16xf32>
        %mul3A_320 = vector.broadcast %squeeze3A_315 : f32 to vector<16xf32>
        %mul3A_321 = arith.mulf %mul3A_320, %get3A_319 : vector<16xf32>
        %add3A_322 = arith.addf %add3A_313, %mul3A_321 : vector<16xf32>
        %slice3A_323 = vector.extract_strided_slice %get3A_56 {offsets = [6], sizes = [1], strides = [1]} : vector<16xf32> to vector<1xf32>
        %squeeze3A_324 = vector.extract %slice3A_323[0] : f32 from vector<1xf32>
        %get3A_325 = arith.index_cast %scan3A_52 : i32 to index
        %get3A_326 = arith.constant 416 : index
        %get3A_327 = tpu.vector_load %arg10[%get3A_325, %get3A_326] {strides = array<i32>} : memref<64x768xf32, #tpu.memory_space<vmem>>, vector<1x16xf32>,
        %get3A_328 = vector.shape_cast %get3A_327 : vector<1x16xf32> to vector<16xf32>
        %mul3A_329 = vector.broadcast %squeeze3A_324 : f32 to vector<16xf32>
        %mul3A_330 = arith.mulf %mul3A_329, %get3A_328 : vector<16xf32>
        %add3A_331 = arith.addf %add3A_322, %mul3A_330 : vector<16xf32>
        %slice3A_332 = vector.extract_strided_slice %get3A_56 {offsets = [7], sizes = [1], strides = [1]} : vector<16xf32> to vector<1xf32>
        %squeeze3A_333 = vector.extract %slice3A_332[0] : f32 from vector<1xf32>
        %get3A_334 = arith.index_cast %scan3A_52 : i32 to index
        %get3A_335 = arith.constant 480 : index
        %get3A_336 = tpu.vector_load %arg10[%get3A_334, %get3A_335] {strides = array<i32>} : memref<64x768xf32, #tpu.memory_space<vmem>>, vector<1x16xf32>,
        %get3A_337 = vector.shape_cast %get3A_336 : vector<1x16xf32> to vector<16xf32>
        %mul3A_338 = vector.broadcast %squeeze3A_333 : f32 to vector<16xf32>
        %mul3A_339 = arith.mulf %mul3A_338, %get3A_337 : vector<16xf32>
        %add3A_340 = arith.addf %add3A_331, %mul3A_339 : vector<16xf32>
        %slice3A_341 = vector.extract_strided_slice %get3A_56 {offsets = [8], sizes = [1], strides = [1]} : vector<16xf32> to vector<1xf32>
        %squeeze3A_342 = vector.extract %slice3A_341[0] : f32 from vector<1xf32>
        %get3A_343 = arith.index_cast %scan3A_52 : i32 to index
        %get3A_344 = arith.constant 544 : index
        %get3A_345 = tpu.vector_load %arg10[%get3A_343, %get3A_344] {strides = array<i32>} : memref<64x768xf32, #tpu.memory_space<vmem>>, vector<1x16xf32>,
        %get3A_346 = vector.shape_cast %get3A_345 : vector<1x16xf32> to vector<16xf32>
        %mul3A_347 = vector.broadcast %squeeze3A_342 : f32 to vector<16xf32>
        %mul3A_348 = arith.mulf %mul3A_347, %get3A_346 : vector<16xf32>
        %add3A_349 = arith.addf %add3A_340, %mul3A_348 : vector<16xf32>
        %slice3A_350 = vector.extract_strided_slice %get3A_56 {offsets = [9], sizes = [1], strides = [1]} : vector<16xf32> to vector<1xf32>
        %squeeze3A_351 = vector.extract %slice3A_350[0] : f32 from vector<1xf32>
        %get3A_352 = arith.index_cast %scan3A_52 : i32 to index
        %get3A_353 = arith.constant 608 : index
        %get3A_354 = tpu.vector_load %arg10[%get3A_352, %get3A_353] {strides = array<i32>} : memref<64x768xf32, #tpu.memory_space<vmem>>, vector<1x16xf32>,
        %get3A_355 = vector.shape_cast %get3A_354 : vector<1x16xf32> to vector<16xf32>
        %mul3A_356 = vector.broadcast %squeeze3A_351 : f32 to vector<16xf32>
        %mul3A_357 = arith.mulf %mul3A_356, %get3A_355 : vector<16xf32>
        %add3A_358 = arith.addf %add3A_349, %mul3A_357 : vector<16xf32>
        %slice3A_359 = vector.extract_strided_slice %get3A_56 {offsets = [10], sizes = [1], strides = [1]} : vector<16xf32> to vector<1xf32>
        %squeeze3A_360 = vector.extract %slice3A_359[0] : f32 from vector<1xf32>
        %get3A_361 = arith.index_cast %scan3A_52 : i32 to index
        %get3A_362 = arith.constant 672 : index
        %get3A_363 = tpu.vector_load %arg10[%get3A_361, %get3A_362] {strides = array<i32>} : memref<64x768xf32, #tpu.memory_space<vmem>>, vector<1x16xf32>,
        %get3A_364 = vector.shape_cast %get3A_363 : vector<1x16xf32> to vector<16xf32>
        %mul3A_365 = vector.broadcast %squeeze3A_360 : f32 to vector<16xf32>
        %mul3A_366 = arith.mulf %mul3A_365, %get3A_364 : vector<16xf32>
        %add3A_367 = arith.addf %add3A_358, %mul3A_366 : vector<16xf32>
        %swap3A_368 = arith.index_cast %scan3A_52 : i32 to index
        %swap3A_369 = arith.constant 32 : index
        %swap3A_370 = tpu.vector_load %arg11[%swap3A_368, %swap3A_369] {strides = array<i32>} : memref<64x128xf32, #tpu.memory_space<vmem>>, vector<1x16xf32>,
        %swap3A_371 = vector.shape_cast %swap3A_370 : vector<1x16xf32> to vector<16xf32>
        %swap3A_372 = vector.shape_cast %add3A_367 : vector<16xf32> to vector<1x16xf32>
        tpu.vector_store %arg11[%swap3A_368, %swap3A_369], %swap3A_372 {strides = array<i32>} : memref<64x128xf32, #tpu.memory_space<vmem>>, vector<1x16xf32>,
        %swap3A_373 = arith.index_cast %scan3A_52 : i32 to index
        %swap3A_374 = arith.constant 96 : index
        %swap3A_375 = tpu.vector_load %arg12[%swap3A_373, %swap3A_374] {strides = array<i32>} : memref<64x128xf32, #tpu.memory_space<vmem>>, vector<1x16xf32>,
        %swap3A_376 = vector.shape_cast %swap3A_375 : vector<1x16xf32> to vector<16xf32>
        %swap3A_377 = vector.shape_cast %add3A_367 : vector<16xf32> to vector<1x16xf32>
        tpu.vector_store %arg12[%swap3A_373, %swap3A_374], %swap3A_377 {strides = array<i32>} : memref<64x128xf32, #tpu.memory_space<vmem>>, vector<1x16xf32>,
        %slice3A_378 = vector.extract_strided_slice %get3A_56 {offsets = [0], sizes = [1], strides = [1]} : vector<16xf32> to vector<1xf32>
        %squeeze3A_379 = vector.extract %slice3A_378[0] : f32 from vector<1xf32>
        %get3A_380 = arith.index_cast %scan3A_52 : i32 to index
        %get3A_381 = arith.constant 48 : index
        %get3A_382 = tpu.vector_load %arg10[%get3A_380, %get3A_381] {strides = array<i32>} : memref<64x768xf32, #tpu.memory_space<vmem>>, vector<1x16xf32>,
        %get3A_383 = vector.shape_cast %get3A_382 : vector<1x16xf32> to vector<16xf32>
        %mul3A_384 = vector.broadcast %squeeze3A_379 : f32 to vector<16xf32>
        %mul3A_385 = arith.mulf %mul3A_384, %get3A_383 : vector<16xf32>
        %slice3A_386 = vector.extract_strided_slice %get3A_56 {offsets = [1], sizes = [1], strides = [1]} : vector<16xf32> to vector<1xf32>
        %squeeze3A_387 = vector.extract %slice3A_386[0] : f32 from vector<1xf32>
        %get3A_388 = arith.index_cast %scan3A_52 : i32 to index
        %get3A_389 = arith.constant 112 : index
        %get3A_390 = tpu.vector_load %arg10[%get3A_388, %get3A_389] {strides = array<i32>} : memref<64x768xf32, #tpu.memory_space<vmem>>, vector<1x16xf32>,
        %get3A_391 = vector.shape_cast %get3A_390 : vector<1x16xf32> to vector<16xf32>
        %mul3A_392 = vector.broadcast %squeeze3A_387 : f32 to vector<16xf32>
        %mul3A_393 = arith.mulf %mul3A_392, %get3A_391 : vector<16xf32>
        %add3A_394 = arith.addf %mul3A_385, %mul3A_393 : vector<16xf32>
        %slice3A_395 = vector.extract_strided_slice %get3A_56 {offsets = [2], sizes = [1], strides = [1]} : vector<16xf32> to vector<1xf32>
        %squeeze3A_396 = vector.extract %slice3A_395[0] : f32 from vector<1xf32>
        %get3A_397 = arith.index_cast %scan3A_52 : i32 to index
        %get3A_398 = arith.constant 176 : index
        %get3A_399 = tpu.vector_load %arg10[%get3A_397, %get3A_398] {strides = array<i32>} : memref<64x768xf32, #tpu.memory_space<vmem>>, vector<1x16xf32>,
        %get3A_400 = vector.shape_cast %get3A_399 : vector<1x16xf32> to vector<16xf32>
        %mul3A_401 = vector.broadcast %squeeze3A_396 : f32 to vector<16xf32>
        %mul3A_402 = arith.mulf %mul3A_401, %get3A_400 : vector<16xf32>
        %add3A_403 = arith.addf %add3A_394, %mul3A_402 : vector<16xf32>
        %slice3A_404 = vector.extract_strided_slice %get3A_56 {offsets = [3], sizes = [1], strides = [1]} : vector<16xf32> to vector<1xf32>
        %squeeze3A_405 = vector.extract %slice3A_404[0] : f32 from vector<1xf32>
        %get3A_406 = arith.index_cast %scan3A_52 : i32 to index
        %get3A_407 = arith.constant 240 : index
        %get3A_408 = tpu.vector_load %arg10[%get3A_406, %get3A_407] {strides = array<i32>} : memref<64x768xf32, #tpu.memory_space<vmem>>, vector<1x16xf32>,
        %get3A_409 = vector.shape_cast %get3A_408 : vector<1x16xf32> to vector<16xf32>
        %mul3A_410 = vector.broadcast %squeeze3A_405 : f32 to vector<16xf32>
        %mul3A_411 = arith.mulf %mul3A_410, %get3A_409 : vector<16xf32>
        %add3A_412 = arith.addf %add3A_403, %mul3A_411 : vector<16xf32>
        %slice3A_413 = vector.extract_strided_slice %get3A_56 {offsets = [4], sizes = [1], strides = [1]} : vector<16xf32> to vector<1xf32>
        %squeeze3A_414 = vector.extract %slice3A_413[0] : f32 from vector<1xf32>
        %get3A_415 = arith.index_cast %scan3A_52 : i32 to index
        %get3A_416 = arith.constant 304 : index
        %get3A_417 = tpu.vector_load %arg10[%get3A_415, %get3A_416] {strides = array<i32>} : memref<64x768xf32, #tpu.memory_space<vmem>>, vector<1x16xf32>,
        %get3A_418 = vector.shape_cast %get3A_417 : vector<1x16xf32> to vector<16xf32>
        %mul3A_419 = vector.broadcast %squeeze3A_414 : f32 to vector<16xf32>
        %mul3A_420 = arith.mulf %mul3A_419, %get3A_418 : vector<16xf32>
        %add3A_421 = arith.addf %add3A_412, %mul3A_420 : vector<16xf32>
        %slice3A_422 = vector.extract_strided_slice %get3A_56 {offsets = [5], sizes = [1], strides = [1]} : vector<16xf32> to vector<1xf32>
        %squeeze3A_423 = vector.extract %slice3A_422[0] : f32 from vector<1xf32>
        %get3A_424 = arith.index_cast %scan3A_52 : i32 to index
        %get3A_425 = arith.constant 368 : index
        %get3A_426 = tpu.vector_load %arg10[%get3A_424, %get3A_425] {strides = array<i32>} : memref<64x768xf32, #tpu.memory_space<vmem>>, vector<1x16xf32>,
        %get3A_427 = vector.shape_cast %get3A_426 : vector<1x16xf32> to vector<16xf32>
        %mul3A_428 = vector.broadcast %squeeze3A_423 : f32 to vector<16xf32>
        %mul3A_429 = arith.mulf %mul3A_428, %get3A_427 : vector<16xf32>
        %add3A_430 = arith.addf %add3A_421, %mul3A_429 : vector<16xf32>
        %slice3A_431 = vector.extract_strided_slice %get3A_56 {offsets = [6], sizes = [1], strides = [1]} : vector<16xf32> to vector<1xf32>
        %squeeze3A_432 = vector.extract %slice3A_431[0] : f32 from vector<1xf32>
        %get3A_433 = arith.index_cast %scan3A_52 : i32 to index
        %get3A_434 = arith.constant 432 : index
        %get3A_435 = tpu.vector_load %arg10[%get3A_433, %get3A_434] {strides = array<i32>} : memref<64x768xf32, #tpu.memory_space<vmem>>, vector<1x16xf32>,
        %get3A_436 = vector.shape_cast %get3A_435 : vector<1x16xf32> to vector<16xf32>
        %mul3A_437 = vector.broadcast %squeeze3A_432 : f32 to vector<16xf32>
        %mul3A_438 = arith.mulf %mul3A_437, %get3A_436 : vector<16xf32>
        %add3A_439 = arith.addf %add3A_430, %mul3A_438 : vector<16xf32>
        %slice3A_440 = vector.extract_strided_slice %get3A_56 {offsets = [7], sizes = [1], strides = [1]} : vector<16xf32> to vector<1xf32>
        %squeeze3A_441 = vector.extract %slice3A_440[0] : f32 from vector<1xf32>
        %get3A_442 = arith.index_cast %scan3A_52 : i32 to index
        %get3A_443 = arith.constant 496 : index
        %get3A_444 = tpu.vector_load %arg10[%get3A_442, %get3A_443] {strides = array<i32>} : memref<64x768xf32, #tpu.memory_space<vmem>>, vector<1x16xf32>,
        %get3A_445 = vector.shape_cast %get3A_444 : vector<1x16xf32> to vector<16xf32>
        %mul3A_446 = vector.broadcast %squeeze3A_441 : f32 to vector<16xf32>
        %mul3A_447 = arith.mulf %mul3A_446, %get3A_445 : vector<16xf32>
        %add3A_448 = arith.addf %add3A_439, %mul3A_447 : vector<16xf32>
        %slice3A_449 = vector.extract_strided_slice %get3A_56 {offsets = [8], sizes = [1], strides = [1]} : vector<16xf32> to vector<1xf32>
        %squeeze3A_450 = vector.extract %slice3A_449[0] : f32 from vector<1xf32>
        %get3A_451 = arith.index_cast %scan3A_52 : i32 to index
        %get3A_452 = arith.constant 560 : index
        %get3A_453 = tpu.vector_load %arg10[%get3A_451, %get3A_452] {strides = array<i32>} : memref<64x768xf32, #tpu.memory_space<vmem>>, vector<1x16xf32>,
        %get3A_454 = vector.shape_cast %get3A_453 : vector<1x16xf32> to vector<16xf32>
        %mul3A_455 = vector.broadcast %squeeze3A_450 : f32 to vector<16xf32>
        %mul3A_456 = arith.mulf %mul3A_455, %get3A_454 : vector<16xf32>
        %add3A_457 = arith.addf %add3A_448, %mul3A_456 : vector<16xf32>
        %slice3A_458 = vector.extract_strided_slice %get3A_56 {offsets = [9], sizes = [1], strides = [1]} : vector<16xf32> to vector<1xf32>
        %squeeze3A_459 = vector.extract %slice3A_458[0] : f32 from vector<1xf32>
        %get3A_460 = arith.index_cast %scan3A_52 : i32 to index
        %get3A_461 = arith.constant 624 : index
        %get3A_462 = tpu.vector_load %arg10[%get3A_460, %get3A_461] {strides = array<i32>} : memref<64x768xf32, #tpu.memory_space<vmem>>, vector<1x16xf32>,
        %get3A_463 = vector.shape_cast %get3A_462 : vector<1x16xf32> to vector<16xf32>
        %mul3A_464 = vector.broadcast %squeeze3A_459 : f32 to vector<16xf32>
        %mul3A_465 = arith.mulf %mul3A_464, %get3A_463 : vector<16xf32>
        %add3A_466 = arith.addf %add3A_457, %mul3A_465 : vector<16xf32>
        %slice3A_467 = vector.extract_strided_slice %get3A_56 {offsets = [10], sizes = [1], strides = [1]} : vector<16xf32> to vector<1xf32>
        %squeeze3A_468 = vector.extract %slice3A_467[0] : f32 from vector<1xf32>
        %get3A_469 = arith.index_cast %scan3A_52 : i32 to index
        %get3A_470 = arith.constant 688 : index
        %get3A_471 = tpu.vector_load %arg10[%get3A_469, %get3A_470] {strides = array<i32>} : memref<64x768xf32, #tpu.memory_space<vmem>>, vector<1x16xf32>,
        %get3A_472 = vector.shape_cast %get3A_471 : vector<1x16xf32> to vector<16xf32>
        %mul3A_473 = vector.broadcast %squeeze3A_468 : f32 to vector<16xf32>
        %mul3A_474 = arith.mulf %mul3A_473, %get3A_472 : vector<16xf32>
        %add3A_475 = arith.addf %add3A_466, %mul3A_474 : vector<16xf32>
        %swap3A_476 = arith.index_cast %scan3A_52 : i32 to index
        %swap3A_477 = arith.constant 48 : index
        %swap3A_478 = tpu.vector_load %arg11[%swap3A_476, %swap3A_477] {strides = array<i32>} : memref<64x128xf32, #tpu.memory_space<vmem>>, vector<1x16xf32>,
        %swap3A_479 = vector.shape_cast %swap3A_478 : vector<1x16xf32> to vector<16xf32>
        %swap3A_480 = vector.shape_cast %add3A_475 : vector<16xf32> to vector<1x16xf32>
        tpu.vector_store %arg11[%swap3A_476, %swap3A_477], %swap3A_480 {strides = array<i32>} : memref<64x128xf32, #tpu.memory_space<vmem>>, vector<1x16xf32>,
        %swap3A_481 = arith.index_cast %scan3A_52 : i32 to index
        %swap3A_482 = arith.constant 112 : index
        %swap3A_483 = tpu.vector_load %arg12[%swap3A_481, %swap3A_482] {strides = array<i32>} : memref<64x128xf32, #tpu.memory_space<vmem>>, vector<1x16xf32>,
        %swap3A_484 = vector.shape_cast %swap3A_483 : vector<1x16xf32> to vector<16xf32>
        %swap3A_485 = vector.shape_cast %add3A_475 : vector<16xf32> to vector<1x16xf32>
        tpu.vector_store %arg12[%swap3A_481, %swap3A_482], %swap3A_485 {strides = array<i32>} : memref<64x128xf32, #tpu.memory_space<vmem>>, vector<1x16xf32>,
        %scan3A_486 = arith.constant 0 : i32
        scf.yield %scan3A_486 : i32
      }
      %scan3A_50 = arith.constant 64 : i32
      "tpu.region"() ({
        %run_scoped3A = tpu.sem_alloc : memref<!tpu.dma_semaphore, #tpu.memory_space<semaphore_mem>>
        %dma_start3A_52 = arith.constant 0 : i32
        %dma_start3A_53 = arith.constant 0 : i32
        %dma_start3A_54 = tpu.memref_slice %arg15[%dma_start3A_52, %dma_start3A_53] : memref<5120x128xf32, #tpu.memory_space<vmem_shared>> -> memref<5120x128xf32, #tpu.memory_space<vmem_shared>>
        tpu.enqueue_indirect_dma source(%arg11 : memref<64x128xf32, #tpu.memory_space<vmem>>) target(%dma_start3A_54 : memref<5120x128xf32, #tpu.memory_space<vmem_shared>>) offsets(%arg13 : memref<64xi32, #tpu.memory_space<vmem>>) semaphore(%run_scoped3A : memref<!tpu.dma_semaphore, #tpu.memory_space<semaphore_mem>>) {add = true}
        %dma_wait3A_55 = arith.constant 0 : i32
        %dma_wait3A_56 = arith.constant 0 : i32
        %dma_wait3A_57 = tpu.memref_slice %arg15[%dma_wait3A_55, %dma_wait3A_56] : memref<5120x128xf32, #tpu.memory_space<vmem_shared>> -> memref<5120x128xf32, #tpu.memory_space<vmem_shared>>
        tpu.wait_indirect_dma semaphore(%run_scoped3A : memref<!tpu.dma_semaphore, #tpu.memory_space<semaphore_mem>>) src(%arg11 : memref<64x128xf32, #tpu.memory_space<vmem>>) dst(%dma_wait3A_57 : memref<5120x128xf32, #tpu.memory_space<vmem_shared>>)
        tpu.yield
      }) : () -> ()
      "tpu.region"() ({
        %run_scoped3A = tpu.sem_alloc : memref<!tpu.dma_semaphore, #tpu.memory_space<semaphore_mem>>
        %dma_start3A_52 = arith.constant 0 : i32
        %dma_start3A_53 = arith.constant 0 : i32
        %dma_start3A_54 = tpu.memref_slice %arg15[%dma_start3A_52, %dma_start3A_53] : memref<5120x128xf32, #tpu.memory_space<vmem_shared>> -> memref<5120x128xf32, #tpu.memory_space<vmem_shared>>
        tpu.enqueue_indirect_dma source(%arg12 : memref<64x128xf32, #tpu.memory_space<vmem>>) target(%dma_start3A_54 : memref<5120x128xf32, #tpu.memory_space<vmem_shared>>) offsets(%arg14 : memref<64xi32, #tpu.memory_space<vmem>>) semaphore(%run_scoped3A : memref<!tpu.dma_semaphore, #tpu.memory_space<semaphore_mem>>) {add = true}
        %dma_wait3A_55 = arith.constant 0 : i32
        %dma_wait3A_56 = arith.constant 0 : i32
        %dma_wait3A_57 = tpu.memref_slice %arg15[%dma_wait3A_55, %dma_wait3A_56] : memref<5120x128xf32, #tpu.memory_space<vmem_shared>> -> memref<5120x128xf32, #tpu.memory_space<vmem_shared>>
        tpu.wait_indirect_dma semaphore(%run_scoped3A : memref<!tpu.dma_semaphore, #tpu.memory_space<semaphore_mem>>) src(%arg12 : memref<64x128xf32, #tpu.memory_space<vmem>>) dst(%dma_wait3A_57 : memref<5120x128xf32, #tpu.memory_space<vmem_shared>>)
        tpu.yield
      }) : () -> ()
      %scan3A_51 = arith.constant 0 : i32
      scf.yield %scan3A_51 : i32
    }
    %scan3A_20 = arith.constant 157 : i32
    %barrier3A_21 = arith.constant 0 : index
    tpu.barrier barrier_id(%barrier3A_21)
    %mul3A_22 = arith.constant 320 : i32
    %mul3A_23 = arith.muli %arg1, %mul3A_22 : i32
    %mul3A_24 = arith.constant 320 : i32
    %mul3A_25 = arith.muli %arg1, %mul3A_24 : i32
    "tpu.region"() ({
      %run_scoped3A = tpu.sem_alloc : memref<!tpu.dma_semaphore, #tpu.memory_space<semaphore_mem>>
      %dma_start3A = arith.constant 0 : i32
      %dma_start3A_26 = tpu.memref_slice %arg6[%arg0, %mul3A_25, %dma_start3A] : memref<2x5120x128xf32, #tpu.memory_space<hbm>> -> memref<1x320x128xf32, #tpu.memory_space<hbm>>
      %dma_start3A_27 = tpu.memref_squeeze %dma_start3A_26 : memref<1x320x128xf32, #tpu.memory_space<hbm>> -> memref<320x128xf32, #tpu.memory_space<hbm>>
      %dma_start3A_28 = arith.constant 0 : i32
      %dma_start3A_29 = tpu.memref_slice %arg15[%mul3A_23, %dma_start3A_28] : memref<5120x128xf32, #tpu.memory_space<vmem_shared>> -> memref<320x128xf32, #tpu.memory_space<vmem_shared>>
      tpu.enqueue_dma source(%dma_start3A_29 : memref<320x128xf32, #tpu.memory_space<vmem_shared>>) target(%dma_start3A_27 : memref<320x128xf32, #tpu.memory_space<hbm>>) target_semaphore(%run_scoped3A : memref<!tpu.dma_semaphore, #tpu.memory_space<semaphore_mem>>)
      %dma_wait3A = arith.constant 0 : i32
      %dma_wait3A_30 = tpu.memref_slice %arg6[%arg0, %mul3A_25, %dma_wait3A] : memref<2x5120x128xf32, #tpu.memory_space<hbm>> -> memref<1x320x128xf32, #tpu.memory_space<hbm>>
      %dma_wait3A_31 = tpu.memref_squeeze %dma_wait3A_30 : memref<1x320x128xf32, #tpu.memory_space<hbm>> -> memref<320x128xf32, #tpu.memory_space<hbm>>
      %dma_wait3A_32 = arith.constant 0 : i32
      %dma_wait3A_33 = tpu.memref_slice %arg15[%mul3A_23, %dma_wait3A_32] : memref<5120x128xf32, #tpu.memory_space<vmem_shared>> -> memref<320x128xf32, #tpu.memory_space<vmem_shared>>
      tpu.wait_dma2 semaphore(%run_scoped3A : memref<!tpu.dma_semaphore, #tpu.memory_space<semaphore_mem>>) src(%dma_wait3A_33 : memref<320x128xf32, #tpu.memory_space<vmem_shared>>) dst(%dma_wait3A_31 : memref<320x128xf32, #tpu.memory_space<hbm>>)
      tpu.yield
    }) : () -> ()
    return
  }
}

module attributes {stable_mosaic.version = 14 : i64} {
  func.func @_mm_body(%arg0: i32, %arg1: memref<1000x128xf32, #tpu.memory_space<vmem>>, %arg2: memref<128x768xf32, #tpu.memory_space<vmem>>, %arg3: memref<1000x768xf32, #tpu.memory_space<vmem>>) attributes {dimension_semantics = [#tpu.dimension_semantics<arbitrary>], iteration_bounds = array<i64: 10>, scalar_prefetch = 0 : i64, scratch_operands = 0 : i64, tpu.core_type = #tpu.core_type<tc>, window_params = [{transform_indices = @transform_0, window_bounds = array<i64: 1000, 128>}, {pipeline_mode = #tpu.pipeline_mode<synchronous>, transform_indices = @transform_1, window_bounds = array<i64: 128, 768>}, {transform_indices = @transform_2, window_bounds = array<i64: 1000, 768>}]} {
    %get3A = arith.constant 0 : index
    %get3A_0 = arith.constant 0 : index
    %get3A_1 = vector.load %arg1[%get3A, %get3A_0] : memref<1000x128xf32, #tpu.memory_space<vmem>>, vector<1000x128xf32>
    %get3A_2 = arith.constant 0 : index
    %get3A_3 = arith.constant 0 : index
    %get3A_4 = vector.load %arg2[%get3A_2, %get3A_3] : memref<128x768xf32, #tpu.memory_space<vmem>>, vector<128x768xf32>
    %dot_general3A = arith.constant dense<0.000000e+00> : vector<1000x768xf32>
    %dot_general3A_5 = tpu.matmul %get3A_1, %get3A_4, %dot_general3A {dimension_numbers = #tpu.dot_dimension_numbers<[1], [0], [0], [1], [0, 0, 1, 1], [], []>, transpose_lhs_hint = false} : vector<1000x128xf32>, vector<128x768xf32>, vector<1000x768xf32> -> vector<1000x768xf32>
    %swap3A = arith.constant 0 : index
    %swap3A_6 = arith.constant 0 : index
    %swap3A_7 = vector.load %arg3[%swap3A, %swap3A_6] : memref<1000x768xf32, #tpu.memory_space<vmem>>, vector<1000x768xf32>
    tpu.vector_store %arg3[%swap3A, %swap3A_6], %dot_general3A_5 {strides = array<i32>} : memref<1000x768xf32, #tpu.memory_space<vmem>>, vector<1000x768xf32>,
    return
  }
  func.func @transform_0(%arg0: i32) -> (i32, i32) {
    %c0_i32 = arith.constant 0 : i32
    %c0_i32_0 = arith.constant 0 : i32
    return %arg0, %c0_i32 : i32, i32
  }
  func.func @transform_1(%arg0: i32) -> (i32, i32) {
    %c0_i32 = arith.constant 0 : i32
    %c0_i32_0 = arith.constant 0 : i32
    %c0_i32_1 = arith.constant 0 : i32
    return %c0_i32, %c0_i32_0 : i32, i32
  }
  func.func @transform_2(%arg0: i32) -> (i32, i32) {
    %c0_i32 = arith.constant 0 : i32
    %c0_i32_0 = arith.constant 0 : i32
    return %arg0, %c0_i32 : i32, i32
  }
}

module attributes {stable_mosaic.version = 14 : i64} {
  func.func @_comb_body(%arg0: i32, %arg1: memref<2x1000x64xf32, #tpu.memory_space<vmem>>, %arg2: memref<1x64xf32, #tpu.memory_space<vmem>>, %arg3: memref<64x768xf32, #tpu.memory_space<vmem>>, %arg4: memref<1000x768xf32, #tpu.memory_space<vmem>>) attributes {dimension_semantics = [#tpu.dimension_semantics<arbitrary>], iteration_bounds = array<i64: 10>, scalar_prefetch = 0 : i64, scratch_operands = 0 : i64, tpu.core_type = #tpu.core_type<tc>, window_params = [{transform_indices = @transform_0, window_bounds = array<i64: 2, 1000, 64>}, {pipeline_mode = #tpu.pipeline_mode<synchronous>, transform_indices = @transform_1, window_bounds = array<i64: 1, 64>}, {pipeline_mode = #tpu.pipeline_mode<synchronous>, transform_indices = @transform_2, window_bounds = array<i64: 64, 768>}, {transform_indices = @transform_3, window_bounds = array<i64: 1000, 768>}]} {
    %get3A = arith.constant 0 : index
    %get3A_0 = arith.constant 0 : index
    %get3A_1 = arith.constant 0 : index
    %get3A_2 = vector.load %arg1[%get3A, %get3A_0, %get3A_1] : memref<2x1000x64xf32, #tpu.memory_space<vmem>>, vector<1x1000x64xf32>
    %get3A_3 = vector.shape_cast %get3A_2 : vector<1x1000x64xf32> to vector<1000x64xf32>
    %get3A_4 = arith.constant 1 : index
    %get3A_5 = arith.constant 0 : index
    %get3A_6 = arith.constant 0 : index
    %get3A_7 = vector.load %arg1[%get3A_4, %get3A_5, %get3A_6] : memref<2x1000x64xf32, #tpu.memory_space<vmem>>, vector<1x1000x64xf32>
    %get3A_8 = vector.shape_cast %get3A_7 : vector<1x1000x64xf32> to vector<1000x64xf32>
    %add3A = arith.addf %get3A_3, %get3A_8 : vector<1000x64xf32>
    %get3A_9 = arith.constant 0 : index
    %get3A_10 = arith.constant 0 : index
    %get3A_11 = vector.load %arg2[%get3A_9, %get3A_10] : memref<1x64xf32, #tpu.memory_space<vmem>>, vector<1x64xf32>
    %add3A_12 = vector.broadcast %get3A_11 : vector<1x64xf32> to vector<1000x64xf32>
    %add3A_13 = arith.addf %add3A, %add3A_12 : vector<1000x64xf32>
    %mul3A = arith.constant 0.0909090936 : f32
    %mul3A_14 = vector.broadcast %mul3A : f32 to vector<1000x64xf32>
    %mul3A_15 = arith.mulf %add3A_13, %mul3A_14 : vector<1000x64xf32>
    %max3A = arith.constant 0.000000e+00 : f32
    %max3A_16 = vector.broadcast %max3A : f32 to vector<1000x64xf32>
    %max3A_17 = arith.maximumf %mul3A_15, %max3A_16 : vector<1000x64xf32>
    %get3A_18 = arith.constant 0 : index
    %get3A_19 = arith.constant 0 : index
    %get3A_20 = vector.load %arg3[%get3A_18, %get3A_19] : memref<64x768xf32, #tpu.memory_space<vmem>>, vector<64x768xf32>
    %dot_general3A = arith.constant dense<0.000000e+00> : vector<1000x768xf32>
    %dot_general3A_21 = tpu.matmul %max3A_17, %get3A_20, %dot_general3A {dimension_numbers = #tpu.dot_dimension_numbers<[1], [0], [0], [1], [0, 0, 1, 1], [], []>, transpose_lhs_hint = false} : vector<1000x64xf32>, vector<64x768xf32>, vector<1000x768xf32> -> vector<1000x768xf32>
    %swap3A = arith.constant 0 : index
    %swap3A_22 = arith.constant 0 : index
    %swap3A_23 = vector.load %arg4[%swap3A, %swap3A_22] : memref<1000x768xf32, #tpu.memory_space<vmem>>, vector<1000x768xf32>
    tpu.vector_store %arg4[%swap3A, %swap3A_22], %dot_general3A_21 {strides = array<i32>} : memref<1000x768xf32, #tpu.memory_space<vmem>>, vector<1000x768xf32>,
    return
  }
  func.func @transform_0(%arg0: i32) -> (i32, i32, i32) {
    %c0_i32 = arith.constant 0 : i32
    %c0_i32_0 = arith.constant 0 : i32
    %c0_i32_1 = arith.constant 0 : i32
    return %c0_i32, %arg0, %c0_i32_0 : i32, i32, i32
  }
  func.func @transform_1(%arg0: i32) -> (i32, i32) {
    %c0_i32 = arith.constant 0 : i32
    %c0_i32_0 = arith.constant 0 : i32
    %c0_i32_1 = arith.constant 0 : i32
    return %c0_i32, %c0_i32_0 : i32, i32
  }
  func.func @transform_2(%arg0: i32) -> (i32, i32) {
    %c0_i32 = arith.constant 0 : i32
    %c0_i32_0 = arith.constant 0 : i32
    %c0_i32_1 = arith.constant 0 : i32
    return %c0_i32, %c0_i32_0 : i32, i32
  }
  func.func @transform_3(%arg0: i32) -> (i32, i32) {
    %c0_i32 = arith.constant 0 : i32
    %c0_i32_0 = arith.constant 0 : i32
    return %arg0, %c0_i32 : i32, i32
  }
}

module attributes {stable_mosaic.version = 14 : i64} {
  func.func @_head_body(%arg0: i32, %arg1: memref<2x1000x64xf32, #tpu.memory_space<vmem>>, %arg2: memref<1x64xf32, #tpu.memory_space<vmem>>, %arg3: memref<64x2xf32, #tpu.memory_space<vmem>>, %arg4: memref<1x2xf32, #tpu.memory_space<vmem>>, %arg5: memref<1000x2xf32, #tpu.memory_space<vmem>>) attributes {dimension_semantics = [#tpu.dimension_semantics<arbitrary>], iteration_bounds = array<i64: 10>, scalar_prefetch = 0 : i64, scratch_operands = 0 : i64, tpu.core_type = #tpu.core_type<tc>, window_params = [{transform_indices = @transform_0, window_bounds = array<i64: 2, 1000, 64>}, {pipeline_mode = #tpu.pipeline_mode<synchronous>, transform_indices = @transform_1, window_bounds = array<i64: 1, 64>}, {pipeline_mode = #tpu.pipeline_mode<synchronous>, transform_indices = @transform_2, window_bounds = array<i64: 64, 2>}, {pipeline_mode = #tpu.pipeline_mode<synchronous>, transform_indices = @transform_3, window_bounds = array<i64: 1, 2>}, {transform_indices = @transform_4, window_bounds = array<i64: 1000, 2>}]} {
    %get3A = arith.constant 0 : index
    %get3A_0 = arith.constant 0 : index
    %get3A_1 = arith.constant 0 : index
    %get3A_2 = vector.load %arg1[%get3A, %get3A_0, %get3A_1] : memref<2x1000x64xf32, #tpu.memory_space<vmem>>, vector<1x1000x64xf32>
    %get3A_3 = vector.shape_cast %get3A_2 : vector<1x1000x64xf32> to vector<1000x64xf32>
    %get3A_4 = arith.constant 1 : index
    %get3A_5 = arith.constant 0 : index
    %get3A_6 = arith.constant 0 : index
    %get3A_7 = vector.load %arg1[%get3A_4, %get3A_5, %get3A_6] : memref<2x1000x64xf32, #tpu.memory_space<vmem>>, vector<1x1000x64xf32>
    %get3A_8 = vector.shape_cast %get3A_7 : vector<1x1000x64xf32> to vector<1000x64xf32>
    %add3A = arith.addf %get3A_3, %get3A_8 : vector<1000x64xf32>
    %get3A_9 = arith.constant 0 : index
    %get3A_10 = arith.constant 0 : index
    %get3A_11 = vector.load %arg2[%get3A_9, %get3A_10] : memref<1x64xf32, #tpu.memory_space<vmem>>, vector<1x64xf32>
    %add3A_12 = vector.broadcast %get3A_11 : vector<1x64xf32> to vector<1000x64xf32>
    %add3A_13 = arith.addf %add3A, %add3A_12 : vector<1000x64xf32>
    %mul3A = arith.constant 0.0909090936 : f32
    %mul3A_14 = vector.broadcast %mul3A : f32 to vector<1000x64xf32>
    %mul3A_15 = arith.mulf %add3A_13, %mul3A_14 : vector<1000x64xf32>
    %max3A = arith.constant 0.000000e+00 : f32
    %max3A_16 = vector.broadcast %max3A : f32 to vector<1000x64xf32>
    %max3A_17 = arith.maximumf %mul3A_15, %max3A_16 : vector<1000x64xf32>
    %get3A_18 = arith.constant 0 : index
    %get3A_19 = arith.constant 0 : index
    %get3A_20 = vector.load %arg3[%get3A_18, %get3A_19] : memref<64x2xf32, #tpu.memory_space<vmem>>, vector<64x2xf32>
    %dot_general3A = arith.constant dense<0.000000e+00> : vector<1000x2xf32>
    %dot_general3A_21 = tpu.matmul %max3A_17, %get3A_20, %dot_general3A {dimension_numbers = #tpu.dot_dimension_numbers<[1], [0], [0], [1], [0, 0, 1, 1], [], []>, transpose_lhs_hint = false} : vector<1000x64xf32>, vector<64x2xf32>, vector<1000x2xf32> -> vector<1000x2xf32>
    %get3A_22 = arith.constant 0 : index
    %get3A_23 = arith.constant 0 : index
    %get3A_24 = vector.load %arg4[%get3A_22, %get3A_23] : memref<1x2xf32, #tpu.memory_space<vmem>>, vector<1x2xf32>
    %add3A_25 = vector.broadcast %get3A_24 : vector<1x2xf32> to vector<1000x2xf32>
    %add3A_26 = arith.addf %dot_general3A_21, %add3A_25 : vector<1000x2xf32>
    %reduce_max3A = arith.constant dense<0xFF800000> : vector<1000xf32>
    %reduce_max3A_27 = vector.multi_reduction <maximumf>, %add3A_26, %reduce_max3A [1] : vector<1000x2xf32> to vector<1000xf32>
    %broadcast_in_dim3A = vector.shape_cast %reduce_max3A_27 : vector<1000xf32> to vector<1000x1xf32>
    %sub3A = vector.broadcast %broadcast_in_dim3A : vector<1000x1xf32> to vector<1000x2xf32>
    %sub3A_28 = arith.subf %add3A_26, %sub3A : vector<1000x2xf32>
    %exp3A = math.exp %sub3A_28 : vector<1000x2xf32>
    %sub3A_29 = vector.broadcast %broadcast_in_dim3A : vector<1000x1xf32> to vector<1000x2xf32>
    %sub3A_30 = arith.subf %add3A_26, %sub3A_29 : vector<1000x2xf32>
    %reduce_sum3A = arith.constant dense<0.000000e+00> : vector<1000xf32>
    %reduce_sum3A_31 = vector.multi_reduction <add>, %exp3A, %reduce_sum3A [1] : vector<1000x2xf32> to vector<1000xf32>
    %broadcast_in_dim3A_32 = vector.shape_cast %reduce_sum3A_31 : vector<1000xf32> to vector<1000x1xf32>
    %log3A = math.log %broadcast_in_dim3A_32 : vector<1000x1xf32>
    %sub3A_33 = vector.broadcast %log3A : vector<1000x1xf32> to vector<1000x2xf32>
    %sub3A_34 = arith.subf %sub3A_30, %sub3A_33 : vector<1000x2xf32>
    %swap3A = arith.constant 0 : index
    %swap3A_35 = arith.constant 0 : index
    %swap3A_36 = vector.load %arg5[%swap3A, %swap3A_35] : memref<1000x2xf32, #tpu.memory_space<vmem>>, vector<1000x2xf32>
    tpu.vector_store %arg5[%swap3A, %swap3A_35], %sub3A_34 {strides = array<i32>} : memref<1000x2xf32, #tpu.memory_space<vmem>>, vector<1000x2xf32>,
    return
  }
  func.func @transform_0(%arg0: i32) -> (i32, i32, i32) {
    %c0_i32 = arith.constant 0 : i32
    %c0_i32_0 = arith.constant 0 : i32
    %c0_i32_1 = arith.constant 0 : i32
    return %c0_i32, %arg0, %c0_i32_0 : i32, i32, i32
  }
  func.func @transform_1(%arg0: i32) -> (i32, i32) {
    %c0_i32 = arith.constant 0 : i32
    %c0_i32_0 = arith.constant 0 : i32
    %c0_i32_1 = arith.constant 0 : i32
    return %c0_i32, %c0_i32_0 : i32, i32
  }
  func.func @transform_2(%arg0: i32) -> (i32, i32) {
    %c0_i32 = arith.constant 0 : i32
    %c0_i32_0 = arith.constant 0 : i32
    %c0_i32_1 = arith.constant 0 : i32
    return %c0_i32, %c0_i32_0 : i32, i32
  }
  func.func @transform_3(%arg0: i32) -> (i32, i32) {
    %c0_i32 = arith.constant 0 : i32
    %c0_i32_0 = arith.constant 0 : i32
    %c0_i32_1 = arith.constant 0 : i32
    return %c0_i32, %c0_i32_0 : i32, i32
  }
  func.func @transform_4(%arg0: i32) -> (i32, i32) {
    %c0_i32 = arith.constant 0 : i32
    %c0_i32_0 = arith.constant 0 : i32
    return %arg0, %c0_i32 : i32, i32
  }
}

</mosaic_0001>

<sc_bundles>
// kernel: kernel.10.cloned.1.call-start
scs
__scs_entry_jumppad:
0x0: {  	(pc) =	sbr.rel $0x88, $3  }
0x1: {  	(tag) =	ssettag $0x0;
	lr =	simm.s32 $0x1  }
0x2: {  	[smem:$0x3F98] =	sst lr;
	_ =	strace $0xD0000000  }
0x3: {  	_ = 	snop  }
0x4: {  	_ = 	snop  }
0x5: {  	_ = 	snop  }
0x6: {  	_ = 	snop  }
0x7: {  	_ = 	snop  }
__scs_overlays_trampoline_lowered:
0x8: {  	[smem:$0x3FA7] =	sst s0  }
0x9: {  	[smem:$0x3FA8] =	sst s1  }
0xa: {  	[smem:$0x3FA9] =	sst s2  }
0xb: {  	[smem:$0x3FAA] =	sst s3  }
0xc: {  	[smem:$0x3FAB] =	sst s4  }
0xd: {  	[smem:$0x3FAC] =	sst s5  }
0xe: {  	[smem:$0x3FAD] =	sst s6  }
0xf: {  	[smem:$0x3FAE] =	sst s7  }
0x10: {  	[smem:$0x3FAF] =	sst s8  }
0x11: {  	[smem:$0x3FB0] =	sst s9;
	s0 =	simm.s32 @!p0 $0x0  }
0x12: {  	s1 =	sld [smem:$0x3F96];
	s0 =	simm.s32 @p0 $0x1  }
0x13: {  	[smem:$0x3FB1] =	sst s0;
	s0 =	simm.s32 @!p1 $0x0  }
0x14: {  	s2 =	sld [smem:$0x3F95];
	s0 =	simm.s32 @p1 $0x1  }
0x15: {  	[smem:$0x3FB2] =	sst s0;
	s0 =	simm.s32 @!p2 $0x0  }
0x16: {  	s3 =	sld [smem:$0x3FDB];
	s0 =	simm.s32 @p2 $0x1  }
0x17: {  	s4 =	simm.s32 $0x1BF5;
	[smem:$0x3FB4] =	sst s0  }
0x18: {  	s0 =	sld [smem:$0x3F97];
	_ =	swait.ge [sflag:s4], $0x0  }
0x19: {  	s7 =	sld [smem:$0x3F98]  }
0x1a: {  	s8 =	sadd.s32 $0xFFFFE003, lr  }
0x1b: {  	s9 =	sadd.s32 $0xFFFFFEF7, lr;
	s5 =	simm.s32 $0xFFFFFFFF;
	p2 =	slt.u32 s8, $0xFFFFF086  }
0x1c: {  	p1 =	slt.u32 s9, $0xF7A;
	s5 =	simm.s32 @!p2 $0x0  }
0x1d: {  	s5 =	simm.s32 @p1 $0x1;
	p0 =	seq.s32 s7, s2  }
0x1e: {  	s7 =	smul.u32 @!p0 $0xF7A, s2;
	p2 =	seq.s32 @!p0 s5, $0x0  }
0x1f: {  	s9 =	smul.u32 $0xF7A, s1;
	s8 =	simm.s32 @!p0 $0x1BF5;
	p2 =	por !p2, p0  }
0x20: {  	[sflag:s8] =	ssyncset.s32 @!p0 $0xFFFFF086;
	s6 =	sadd.s32 @!p0 s3, s7;
	s7 =	simm.s32 @!p0 $0x108  }
0x21: {  	s3 =	sadd.s32 s3, s9;
	s6 =	sadd.s32 @!p0 $0x88, s6;
	s7 =	simm.s32 @p2 $0x1082  }
0x22: {  	[simem:s7], [sflag:s8] =	dma.local @!p0 [hbm:s6], $0xF7A  }
0x23: {  	s9 =	sor.u32 $0xD0000000, s2;
	s6 =	simm.s32 $0x108;
	_ =	swait.ge @!p0 [sflag:s8], $0x0  }
0x24: {  	s3 =	sadd.s32 $0x88, s3;
	s6 =	simm.s32 @!p1 $0x1082;
	[sflag:s4] =	ssyncset.s32 $0xFFFFF086  }
0x25: {  	[simem:s6], [sflag:s4] =	dma.local [hbm:s3], $0xF7A  }
0x26: {  	[smem:$0x3F98] =	sst s1;
	(tag) =	ssettag s2;
	_ =	strace s9  }
0x27: {  	s1 =	sld [smem:$0x3FA8]  }
0x28: {  	s2 =	sld [smem:$0x3FA9]  }
0x29: {  	s4 =	sld [smem:$0x3FAB]  }
0x2a: {  	p0 =	seq.s32 s5, $0x0;
	s5 =	sld [smem:$0x3FAC]  }
0x2b: {  	s6 =	sld [smem:$0x3FAD]  }
0x2c: {  	s7 =	sld [smem:$0x3FAE]  }
0x2d: {  	s3 =	simm.s32 $0x108;
	s8 =	sld [smem:$0x3FAF]  }
0x2e: {  	s3 =	simm.s32 @!p0 $0x1082;
	s9 =	sld [smem:$0x3FB0]  }
0x2f: {  	lr =	sadd.s32 s0, s3;
	s0 =	sld [smem:$0x3FA7]  }
0x30: {  	s3 =	sld [smem:$0x3FAA]  }
0x31: {  	[smem:$0x3FB3] =	sst s10  }
0x32: {  	s10 =	sld [smem:$0x3FB1];
	_ =	sdelay $0x3  }
0x33: {  	p0 =	seq.s32 s10, $0x1;
	s10 =	sld [smem:$0x3FB3];
	_ =	sdelay $0x3  }
0x34: {  	[smem:$0x3FB3] =	sst s10  }
0x35: {  	s10 =	sld [smem:$0x3FB2];
	_ =	sdelay $0x3  }
0x36: {  	p1 =	seq.s32 s10, $0x1;
	s10 =	sld [smem:$0x3FB3];
	_ =	sdelay $0x3  }
0x37: {  	[smem:$0x3FB3] =	sst s10  }
0x38: {  	s10 =	sld [smem:$0x3FB4]  }
0x39: {  	_ = 	snop;
	(pc) =	sbr.ind lr, $3  }
0x3a: {  	_ = 	snop  }
0x3b: {  	_ = 	snop  }
0x3c: {  	p2 =	seq.s32 s10, $0x1;
	s10 =	sld [smem:$0x3FB3]  }
0x3d: {  	_ =	shalt  }
0x3e: {  	_ =	shalt  }
0x3f: {  	_ =	shalt  }
0x40: {  	_ =	shalt  }
0x41: {  	_ =	shalt  }
0x42: {  	_ =	shalt  }
0x43: {  	_ =	shalt  }
0x44: {  	_ =	shalt  }
0x45: {  	_ =	shalt  }
0x46: {  	_ =	shalt  }
0x47: {  	_ =	shalt  }
0x48: {  	_ =	shalt  }
0x49: {  	_ =	shalt  }
0x4a: {  	_ =	shalt  }
0x4b: {  	_ =	shalt  }
0x4c: {  	_ =	shalt  }
0x4d: {  	_ =	shalt  }
0x4e: {  	_ =	shalt  }
0x4f: {  	_ =	shalt  }
0x50: {  	_ =	shalt  }
0x51: {  	_ =	shalt  }
0x52: {  	_ =	shalt  }
0x53: {  	_ =	shalt  }
0x54: {  	_ =	shalt  }
0x55: {  	_ =	shalt  }
0x56: {  	_ =	shalt  }
0x57: {  	_ =	shalt  }
0x58: {  	_ =	shalt  }
0x59: {  	_ =	shalt  }
0x5a: {  	_ =	shalt  }
0x5b: {  	_ =	shalt  }
0x5c: {  	_ =	shalt  }
0x5d: {  	_ =	shalt  }
0x5e: {  	_ =	shalt  }
0x5f: {  	_ =	shalt  }
0x60: {  	_ =	shalt  }
0x61: {  	_ =	shalt  }
0x62: {  	_ =	shalt  }
0x63: {  	_ =	shalt  }
0x64: {  	_ =	shalt  }
0x65: {  	_ =	shalt  }
0x66: {  	_ =	shalt  }
0x67: {  	_ =	shalt  }
0x68: {  	_ =	shalt  }
0x69: {  	_ =	shalt  }
0x6a: {  	_ =	shalt  }
0x6b: {  	_ =	shalt  }
0x6c: {  	_ =	shalt  }
0x6d: {  	_ =	shalt  }
0x6e: {  	_ =	shalt  }
0x6f: {  	_ =	shalt  }
0x70: {  	_ =	shalt  }
0x71: {  	_ =	shalt  }
0x72: {  	_ =	shalt  }
0x73: {  	_ =	shalt  }
0x74: {  	_ =	shalt  }
0x75: {  	_ =	shalt  }
0x76: {  	_ =	shalt  }
0x77: {  	_ =	shalt  }
0x78: {  	_ =	shalt  }
0x79: {  	_ =	shalt  }
0x7a: {  	_ =	shalt  }
0x7b: {  	_ =	shalt  }
0x7c: {  	_ =	shalt  }
0x7d: {  	_ =	shalt  }
0x7e: {  	_ =	shalt  }
0x7f: {  	_ =	shalt  }
0x80: {  	_ =	shalt  }
0x81: {  	_ =	shalt  }
0x82: {  	_ =	shalt  }
0x83: {  	_ =	shalt  }
0x84: {  	_ =	shalt  }
0x85: {  	_ =	shalt  }
0x86: {  	_ =	shalt  }
0x87: {  	_ =	shalt  }
.Lfunc_end0:
.L_simem_size_0:
called_computation.1_lowered:
.L_overlay_start_0:
0x88: {  	s2 =	sld [smem:$0x3FD9]  }
0x89: {  	s3 =	sld [smem:$0x3FFE];
	_ =	sdelay $0x1  }
0x8a: {  	s1 =	srdreg.scid  }
0x8b: {  	s0 =	sand.u32 $0x1, s1  }
0x8c: {  	s16 =	sshll.u32 s0, $0xA;
	s2 =	sadd.s32 s3, s2  }
0x8d: {  	s2 =	sadd.s32 s2, s16  }
0x8e: {  	[smem:$0x3FBF] =	sst s2  }
0x8f: {  	_ = 	snop  }
0x90: {  	(tm) =	ssettm $0x1  }
0x91: {  	s17 =	sld [smem:$0x3FFB];
	_ =	sdelay $0x3  }
0x92: {  	_ =	strace s17  }
0x93: {  	s2 =	sld [smem:$0x3FFC];
	_ =	sdelay $0x3  }
0x94: {  	_ =	strace s2  }
0x95: {  	s2 =	sld [smem:$0x3FFD];
	_ =	sdelay $0x3  }
0x96: {  	_ =	strace s2  }
0x97: {  	_ =	strace $0x8FFFFFFF  }
0x98: {  	s18 =	sld [smem:$0x3FDB];
	_ =	sdelay $0x1  }
0x99: {  	s19 =	simm.s32 $_scs_section_size  }
0x9a: {  	s4 =	simm.s32 $_size__tile_overlayer_lowered;
	s5 =	simm.s32 $_tile_overlayer_lowered  }
0x9b: {  	s22 =	simm.s32 $0x1BFF;
	s21 =	sshll.u32 s5, $0x1;
	s2 =	sadd.s32 s19, s18  }
0x9c: {  	s6 =	simm.s32 $0x0;
	s20 =	sshll.u32 s4, $0x1;
	s4 =	sadd.s32 s21, s2  }
0x9d: {  	[timem:s6], [sflag:s22] =	dma.local [hbm:s4], s20  }
0x9e: {  	_ =	swait.ge [sflag:s22], s20  }
0x9f: {  	s3 =	ssub.s32 $0x0, s20;
	[sflag:s22] =	ssyncset.done $0x0  }
0xa0: {  	[sflag:s22] =	ssyncadd.s32 s3;
	_ =	sdelay $0x1  }
0xa1: {  	s23 =	simm.s32 $0x1B8B  }
0xa2: {  	_ =	swait.ge [sflag:s23], $0x1  }
0xa3: {  	[sflag:s23] =	ssyncset.done $0x0  }
0xa4: {  	s25 =	simm.s32 $0x1B8E;
	s24 =	sld [smem:$0x3FFE];
	[sflag:s23] =	ssyncadd.s32 $0xFFFFFFFF  }
0xa5: {  	s26 =	simm.s32 $execute0_lowered;
	[smem:$0x3FD2] =	sst s25  }
0xa6: {  	s4 =	sshll.u32 s26, $0x1;
	_ =	strace $0x80000049;
	[dreg:$0x1] =	wrdreg $0xFFFFFFFF  }
0xa7: {  	s28 =	simm.s32 $_size_execute0_lowered;
	s2 =	sadd.s32 s2, s4;
	[dreg:$0x0] =	wrdreg $0x0  }
0xa8: {  	s4 =	sshll.u32 s28, $0x1;
	[dreg:$0x2] =	wrdreg s2  }
0xa9: {  	[dreg:$0x3] =	wrdreg s4  }
0xaa: {  	[dreg:$0x4] =	wrdreg $0xC0  }
0xab: {  	_ =	task [dreg:s6], $0x5FFFF  }
0xac: {  	[dreg:$0x1] =	wrdreg $0xFFFFFFFF  }
0xad: {  	[dreg:$0x0] =	wrdreg $0x60  }
0xae: {  	[dreg:$0x2] =	wrdreg s24  }
0xaf: {  	[dreg:$0x3] =	wrdreg $0x122000  }
0xb0: {  	[dreg:$0x4] =	wrdreg $0x9  }
0xb1: {  	_ =	task.clear_ibuf [dreg:s6], $0x5FFFF;
	_ =	strace $0x90000049  }
0xb2: {  	s29 =	simm.s32 $0x9;
	_ =	strace $0x8000004B  }
0xb3: {  	_ =	swait.ge [sflag:s29], $0x1  }
0xb4: {  	[sflag:s29] =	ssyncadd.s32 $0xFFFFFFFF  }
0xb5: {  	_ =	strace $0x9000004B  }
0xb6: {  	_ =	sfence  }
0xb7: {  	s30 =	sld [smem:$0x0];
	_ =	sdelay $0x2  }
0xb8: {  	s31 =	sshll.u32 s1, $0xD;
	s1 =	sshrl.u32 s1, $0x2  }
0xb9: {  	s3 =	sand.u32 $0x4000, s31;
	s1 =	sadd.s32 s1, s30  }
0xba: {  	s0 =	sor.u32 s3, s0;
	s1 =	sshll.u32 s1, $0x11  }
0xbb: {  	s0 =	sor.u32 s1, s0  }
0xbc: {  	s0 =	sadd.s32 $0x8F2B, s0  }
0xbd: {  	[sflag:s0] =	ssyncadd.remote.s32 $0x1  }
0xbe: {  	_ =	sfence.sel $0xFFFF  }
0xbf: {  	[dreg:$0x0] =	wrdreg $0xFFFFFFFF;
	(pc) =	sbr.abs _section_cstart, $3  }
0xc0: {  	[dreg:$0x1] =	wrdreg $0xFFFFFFFF  }
0xc1: {  	_ =	task.clear_ibuf [dreg:s6], $0x2FFFF;
	_ =	strace $0x9FFFFFFF  }
0xc2: {  	(tm) =	ssettm $0x7FFFFFFF  }
0xc3: {  	_ =	shalt  }
tec
execute0_lowered:
.L_overlay_start_1:
0x0: {  	(tag) =	ssettag $0x1  }
0x1: {  	s0 =	rddreg [dreg:$0x0]  }
0x2: {  	s1 =	rddreg [dreg:$0x1];
	s2 =	srdreg.scid  }
0x3: {  	s12 =	simm.s32 $0x0;
	s11 =	stileid.u32;
	s18 =	simm.s32 $0xE100  }
0x4: {  	s19 =	simm.s32 $0x2;
	s20 =	simm.s32 $0xC100;
	s28 =	simm.s32 $0x12180  }
0x5: {  	s29 =	simm.s32 $0x10100;
	s30 =	simm.s32 $0x0;
	s2 =	sand.u32 $0x1, s2  }
0x6: {  	[smem:$0x7FF] =	sst s12;
	s8 =	smul.u32 $0xA000, s11;
	s4 =	sadd.s32 $0x14000, s0  }
0x7: {  	s5 =	sadd.s32 $0x400, s0;
	s6 =	sadd.s32 $0xA200, s0;
	s9 =	smul.u32 $0x28000, s11  }
0x8: {  	s7 =	sadd.s32 $0x9D8000, s0;
	s3 =	smul.u32 $0xA0000, s2;
	s21 =	ssub.s32 $0x2, s2  }
0x9: {  	_ =	strace $0x8000004A;
	s2 =	sshll.u32 s2, $0x4;
	s10 =	sshrl.u32 s21, $0x1  }
0xa: {  	s2 =	sor.u32 s11, s2;
	s9 =	sshrl.u32 s9, $0x2;
	s11 =	sadd.s32 $0x14200, s0  }
0xb: {  	s3 =	sadd.s32 s8, s3;
	s8 =	ssub.s32 s21, s10;
	s13 =	sadd.s32 s9, s1  }
0xc: {  	s9 =	smul.u32 $0x2740, s2;
	s23 =	smax.u32 s8, $0x1;
	[dreg:$0x4] =	wrdreg s13  }
0xd: {  	s10 =	sadd.s32 $0x14100, s0;
	s24 =	sadd.s32 $0x2000, s13;
	[dreg:$0x6] =	wrdreg s23  }
0xe: {  	s21 =	simm.s32 $0xC900;
	s25 =	sadd.s32 $0x4000, s13;
	[dreg:$0x7] =	wrdreg s24  }
0xf: {  	s3 =	sshrl.u32 s3, $0x3;
	s26 =	sadd.s32 $0x6000, s13;
	[dreg:$0x8] =	wrdreg s25  }
0x10: {  	s31 =	sadd.s32 $0x8000, s13;
	s3 =	sadd.s32 s3, s0;
	[dreg:$0x9] =	wrdreg s26  }
0x11: {  	v3 =	vlaneseq.u32;
	[dreg:$0xa] =	wrdreg s31;
	s23 =	simm.s32 $0xD900;
	s24 =	simm.s32 $0x1  }
0x12: {  	v0 =	vimm.f32 $0.0e+00;
	vm0 =	vmmov $0xffff;
	v2 =	vshrl.u32 v3, $0x3;
	s25 =	simm.s32 $0x40;
	s26 =	simm.s32 $0x12100;
	s22 =	sadd.s32 $0xFE600, s3  }
0x13: {  	v1 =	vand.u32 $0x7, v3;
	v3 =	vor.u32 $0x8, v3;
	v2 =	vmul.u32 $0x8, v2;
	s3 =	simm.s32 $0xB900;
	[dreg:$0x5] =	wrdreg s22;
	s22 =	simm.s32 $0xD100  }
.LBB2_1:
0x14: {  	[dreg:$0x3] =	wrdreg s12;
	s0 =	simm.s32 $0x0;
	s2 =	simm.s32 $0x200  }
.LBB2_2:
0x15: {  	p0 =	sne.s32 s2, $0x7E00;
	[tilespmem:s0+$0x10170] =	vst v0  }
0x16: {  	[tilespmem:s0+$0xE100] =	vst v0  }
0x17: {  	[tilespmem:s0+$0x10100] =	vst v0  }
0x18: {  	[tilespmem:s0+$0xE110] =	vst v0  }
0x19: {  	[tilespmem:s0+$0x10110] =	vst v0  }
0x1a: {  	[tilespmem:s0+$0xE120] =	vst v0  }
0x1b: {  	[tilespmem:s0+$0x10120] =	vst v0  }
0x1c: {  	[tilespmem:s0+$0xE130] =	vst v0  }
0x1d: {  	[tilespmem:s0+$0x10130] =	vst v0  }
0x1e: {  	[tilespmem:s0+$0xE140] =	vst v0  }
0x1f: {  	[tilespmem:s0+$0x10140] =	vst v0  }
.Ltmp0:
0x20: {  	[tilespmem:s0+$0xE150] =	vst v0;
	(pc) =	sbr.rel @p0 .LBB2_2-.Ltmp0, $4  }
0x21: {  	[tilespmem:s0+$0x10150] =	vst v0  }
0x22: {  	[tilespmem:s0+$0xE160] =	vst v0  }
0x23: {  	[tilespmem:s0+$0x10160] =	vst v0  }
0x24: {  	[tilespmem:s0+$0xE170] =	vst v0;
	s0 =	sshra.s32 s2, $0x2;
	s2 =	sadd.s32 $0x200, s2  }
0x25: {  	[tilespmem:s0+$0x10170] =	vst v0  }
0x26: {  	[tilespmem:s0+$0xE100] =	vst v0  }
0x27: {  	[tilespmem:s0+$0x10100] =	vst v0  }
0x28: {  	[tilespmem:s0+$0xE110] =	vst v0  }
0x29: {  	[tilespmem:s0+$0x10110] =	vst v0  }
0x2a: {  	[tilespmem:s0+$0xE120] =	vst v0  }
0x2b: {  	[tilespmem:s0+$0x10120] =	vst v0  }
0x2c: {  	[tilespmem:s0+$0xE130] =	vst v0  }
0x2d: {  	[tilespmem:s0+$0x10130] =	vst v0  }
0x2e: {  	[tilespmem:s0+$0xE140] =	vst v0  }
0x2f: {  	[tilespmem:s0+$0x10140] =	vst v0  }
0x30: {  	[tilespmem:s0+$0xE150] =	vst v0  }
0x31: {  	[tilespmem:s0+$0x10150] =	vst v0  }
0x32: {  	[tilespmem:s0+$0xE160] =	vst v0  }
0x33: {  	[tilespmem:s0+$0x10160] =	vst v0  }
0x34: {  	[tilespmem:s0+$0xE170] =	vst v0  }
0x35: {  	[spmem:s13] =	stream.linear.scatter [tilespmem:s18], [sflag:$0x2], $0x2000, $0x38;
	[tilespmem:$0x1C200] =	vst v63  }
0x36: {  	_ =	swait.ge [sflag:s19], $0x2000  }
0x37: {  	[sflag:s19] =	ssyncset.done $0x0  }
0x38: {  	s14 =	rddreg [dreg:$0x7];
	[sflag:s19] =	ssyncadd.s32 $0xFFFFE000  }
0x39: {  	[spmem:s14] =	stream.linear.scatter [tilespmem:s18], [sflag:$0x2], $0x2000, $0x38;
	[tilespmem:$0x1C200] =	vst v63  }
0x3a: {  	_ =	swait.ge [sflag:s19], $0x2000  }
0x3b: {  	[sflag:s19] =	ssyncset.done $0x0  }
0x3c: {  	s15 =	rddreg [dreg:$0x8];
	[sflag:s19] =	ssyncadd.s32 $0xFFFFE000  }
0x3d: {  	[spmem:s15] =	stream.linear.scatter [tilespmem:s18], [sflag:$0x2], $0x2000, $0x38;
	[tilespmem:$0x1C200] =	vst v63  }
0x3e: {  	_ =	swait.ge [sflag:s19], $0x2000  }
0x3f: {  	[sflag:s19] =	ssyncset.done $0x0  }
0x40: {  	s16 =	rddreg [dreg:$0x9];
	[sflag:s19] =	ssyncadd.s32 $0xFFFFE000  }
0x41: {  	[spmem:s16] =	stream.linear.scatter [tilespmem:s18], [sflag:$0x2], $0x2000, $0x38;
	[tilespmem:$0x1C200] =	vst v63  }
0x42: {  	_ =	swait.ge [sflag:s19], $0x2000  }
0x43: {  	[sflag:s19] =	ssyncset.done $0x0  }
0x44: {  	s17 =	rddreg [dreg:$0xa];
	[sflag:s19] =	ssyncadd.s32 $0xFFFFE000  }
0x45: {  	[spmem:s17] =	stream.linear.scatter [tilespmem:s18], [sflag:$0x2], $0x2000, $0x38;
	[tilespmem:$0x1C200] =	vst v63  }
0x46: {  	_ =	swait.ge [sflag:s19], $0x2000  }
0x47: {  	[sflag:s19] =	ssyncset.done $0x0  }
0x48: {  	[sflag:s19] =	ssyncadd.s32 $0xFFFFE000  }
0x49: {  	s31 =	simm.s32 $0x0;
	[bflag:$0x0] =	sbarrier.arrive $0xFFFF  }
.LBB2_4:
0x4a: {  	s0 =	sshll.u32 s31, $0x6  }
0x4b: {  	s0 =	sadd.s32 s9, s0  }
0x4c: {  	s2 =	sshrl.u32 s0, $0x3  }
0x4d: {  	s12 =	sadd.s32 s5, s2  }
0x4e: {  	[tilespmem:s30], [sflag:$0x2] =	stream.linear.gather [hbm4b:s12+s30], $0x40, $0x38;
	[tilespmem:$0x1C200] =	vst v63  }
0x4f: {  	_ =	swait.ge [sflag:s19], $0x40  }
0x50: {  	[sflag:s19] =	ssyncset.done $0x0  }
0x51: {  	s8 =	simm.s32 $0x80;
	s2 =	sadd.s32 s6, s2;
	[sflag:s19] =	ssyncadd.s32 $0xFFFFFFC0  }
0x52: {  	[tilespmem:s8], [sflag:$0x2] =	stream.linear.gather [hbm4b:s2+s30], $0x40, $0x38;
	[tilespmem:$0x1C200] =	vst v63  }
0x53: {  	_ =	swait.ge [sflag:s19], $0x40  }
0x54: {  	s0 =	sshll.u32 s0, $0x4;
	[sflag:s19] =	ssyncset.done $0x0  }
0x55: {  	s17 =	sadd.s32 s7, s0;
	s0 =	simm.s32 $0x100;
	[sflag:s19] =	ssyncadd.s32 $0xFFFFFFC0  }
0x56: {  	[tilespmem:s0], [sflag:$0x2] =	stream.linear.gather [hbm4b:s17+s30], $0x2000, $0x38;
	[tilespmem:$0x1C200] =	vst v63  }
0x57: {  	_ =	swait.ge [sflag:s19], $0x2000  }
0x58: {  	[sflag:s19] =	ssyncset.done $0x0  }
0x59: {  	[sflag:s19] =	ssyncadd.s32 $0xFFFFE000  }
0x5a: {  	v4 =	vld [tilespmem:$0x0];
	_ =	sdelay $0x4  }
0x5b: {  	v5 =	vshrl.u32 v4, $0x3  }
0x5c: {  	v5 =	vmul.u32 $0x30, v5  }
0x5d: {  	v4 =	vand.u32 $0x7, v4  }
0x5e: {  	v4 =	vor.u32 v4, v5  }
0x5f: {  	v5 =	vperm.xlane v4, v1;
	_ =	sdelay $0x1  }
0x60: {  	v5 =	vadd.s32 v2, v5;
	_ =	sdelay $0x3  }
0x61: {  	s8 =	simm.s32 $0x2100;
	v4 =	vperm.xlane v4, v3  }
0x62: {  	[tilespmem:s8], [sflag:$0x1] =	stream.indirect_vreg.gather [hbm4b:s4+s30], $0x80, v5, vm0, $0xb8;
	[tilespmem:$0x1C200] =	vst v63  }
0x63: {  	s12 =	simm.s32 $0x2900;
	v4 =	vadd.s32 v2, v4  }
0x64: {  	[tilespmem:s12], [sflag:$0x1] =	stream.indirect_vreg.gather [hbm4b:s10+s30], $0x80, v5, vm0, $0xb8;
	[tilespmem:$0x1C200] =	vst v63  }
0x65: {  	s13 =	simm.s32 $0x3100  }
0x66: {  	[tilespmem:s13], [sflag:$0x1] =	stream.indirect_vreg.gather [hbm4b:s11+s30], $0x80, v5, vm0, $0xb8;
	[tilespmem:$0x1C200] =	vst v63  }
0x67: {  	s14 =	simm.s32 $0x3900  }
0x68: {  	[tilespmem:s14], [sflag:$0x1] =	stream.indirect_vreg.gather [hbm4b:s4+s30], $0x80, v4, vm0, $0xb8;
	[tilespmem:$0x1C200] =	vst v63  }
0x69: {  	s15 =	simm.s32 $0x4100  }
0x6a: {  	[tilespmem:s15], [sflag:$0x1] =	stream.indirect_vreg.gather [hbm4b:s10+s30], $0x80, v4, vm0, $0xb8;
	[tilespmem:$0x1C200] =	vst v63  }
0x6b: {  	s16 =	simm.s32 $0x4900  }
0x6c: {  	[tilespmem:s16], [sflag:$0x1] =	stream.indirect_vreg.gather [hbm4b:s11+s30], $0x80, v4, vm0, $0xb8;
	[tilespmem:$0x1C200] =	vst v63  }
0x6d: {  	v4 =	vld [tilespmem:$0x10];
	_ =	sdelay $0x4  }
0x6e: {  	v5 =	vshrl.u32 v4, $0x3  }
0x6f: {  	v5 =	vmul.u32 $0x30, v5  }
0x70: {  	v4 =	vand.u32 $0x7, v4  }
0x71: {  	v4 =	vor.u32 v4, v5  }
0x72: {  	v5 =	vperm.xlane v4, v1;
	_ =	sdelay $0x1  }
0x73: {  	v5 =	vadd.s32 v2, v5;
	_ =	sdelay $0x3  }
0x74: {  	s17 =	simm.s32 $0x5100;
	v4 =	vperm.xlane v4, v3  }
0x75: {  	[tilespmem:s17], [sflag:$0x1] =	stream.indirect_vreg.gather [hbm4b:s4+s30], $0x80, v5, vm0, $0xb8;
	[tilespmem:$0x1C200] =	vst v63  }
0x76: {  	s8 =	simm.s32 $0x5900;
	v4 =	vadd.s32 v2, v4  }
0x77: {  	[tilespmem:s8], [sflag:$0x1] =	stream.indirect_vreg.gather [hbm4b:s10+s30], $0x80, v5, vm0, $0xb8;
	[tilespmem:$0x1C200] =	vst v63  }
0x78: {  	s12 =	simm.s32 $0x6100  }
0x79: {  	[tilespmem:s12], [sflag:$0x1] =	stream.indirect_vreg.gather [hbm4b:s11+s30], $0x80, v5, vm0, $0xb8;
	[tilespmem:$0x1C200] =	vst v63  }
0x7a: {  	s13 =	simm.s32 $0x6900  }
0x7b: {  	[tilespmem:s13], [sflag:$0x1] =	stream.indirect_vreg.gather [hbm4b:s4+s30], $0x80, v4, vm0, $0xb8;
	[tilespmem:$0x1C200] =	vst v63  }
0x7c: {  	s14 =	simm.s32 $0x7100  }
0x7d: {  	[tilespmem:s14], [sflag:$0x1] =	stream.indirect_vreg.gather [hbm4b:s10+s30], $0x80, v4, vm0, $0xb8;
	[tilespmem:$0x1C200] =	vst v63  }
0x7e: {  	s15 =	simm.s32 $0x7900  }
0x7f: {  	[tilespmem:s15], [sflag:$0x1] =	stream.indirect_vreg.gather [hbm4b:s11+s30], $0x80, v4, vm0, $0xb8;
	[tilespmem:$0x1C200] =	vst v63  }
0x80: {  	v4 =	vld [tilespmem:$0x20];
	_ =	sdelay $0x4  }
0x81: {  	v5 =	vshrl.u32 v4, $0x3  }
0x82: {  	v5 =	vmul.u32 $0x30, v5  }
0x83: {  	v4 =	vand.u32 $0x7, v4  }
0x84: {  	v4 =	vor.u32 v4, v5  }
0x85: {  	v5 =	vperm.xlane v4, v1;
	_ =	sdelay $0x1  }
0x86: {  	v5 =	vadd.s32 v2, v5;
	_ =	sdelay $0x3  }
0x87: {  	s16 =	simm.s32 $0x8100;
	v4 =	vperm.xlane v4, v3  }
0x88: {  	[tilespmem:s16], [sflag:$0x1] =	stream.indirect_vreg.gather [hbm4b:s4+s30], $0x80, v5, vm0, $0xb8;
	[tilespmem:$0x1C200] =	vst v63  }
0x89: {  	s17 =	simm.s32 $0x8900;
	v4 =	vadd.s32 v2, v4  }
0x8a: {  	[tilespmem:s17], [sflag:$0x1] =	stream.indirect_vreg.gather [hbm4b:s10+s30], $0x80, v5, vm0, $0xb8;
	[tilespmem:$0x1C200] =	vst v63  }
0x8b: {  	s8 =	simm.s32 $0x9100  }
0x8c: {  	[tilespmem:s8], [sflag:$0x1] =	stream.indirect_vreg.gather [hbm4b:s11+s30], $0x80, v5, vm0, $0xb8;
	[tilespmem:$0x1C200] =	vst v63  }
0x8d: {  	s12 =	simm.s32 $0x9900  }
0x8e: {  	[tilespmem:s12], [sflag:$0x1] =	stream.indirect_vreg.gather [hbm4b:s4+s30], $0x80, v4, vm0, $0xb8;
	[tilespmem:$0x1C200] =	vst v63  }
0x8f: {  	s13 =	simm.s32 $0xA100  }
0x90: {  	[tilespmem:s13], [sflag:$0x1] =	stream.indirect_vreg.gather [hbm4b:s10+s30], $0x80, v4, vm0, $0xb8;
	[tilespmem:$0x1C200] =	vst v63  }
0x91: {  	s14 =	simm.s32 $0xA900  }
0x92: {  	[tilespmem:s14], [sflag:$0x1] =	stream.indirect_vreg.gather [hbm4b:s11+s30], $0x80, v4, vm0, $0xb8;
	[tilespmem:$0x1C200] =	vst v63  }
0x93: {  	v4 =	vld [tilespmem:$0x30];
	_ =	sdelay $0x4  }
0x94: {  	v5 =	vshrl.u32 v4, $0x3  }
0x95: {  	v5 =	vmul.u32 $0x30, v5  }
0x96: {  	v4 =	vand.u32 $0x7, v4  }
0x97: {  	v4 =	vor.u32 v4, v5  }
0x98: {  	v5 =	vperm.xlane v4, v1;
	_ =	sdelay $0x1  }
0x99: {  	v5 =	vadd.s32 v2, v5;
	_ =	sdelay $0x3  }
0x9a: {  	s15 =	simm.s32 $0xB100;
	v4 =	vperm.xlane v4, v3  }
0x9b: {  	[tilespmem:s15], [sflag:$0x1] =	stream.indirect_vreg.gather [hbm4b:s4+s30], $0x80, v5, vm0, $0xb8;
	[tilespmem:$0x1C200] =	vst v63  }
0x9c: {  	v4 =	vadd.s32 v2, v4  }
0x9d: {  	[tilespmem:s3], [sflag:$0x1] =	stream.indirect_vreg.gather [hbm4b:s10+s30], $0x80, v5, vm0, $0xb8;
	[tilespmem:$0x1C200] =	vst v63  }
0x9e: {  	_ = 	snop  }
0x9f: {  	[tilespmem:s20], [sflag:$0x1] =	stream.indirect_vreg.gather [hbm4b:s11+s30], $0x80, v5, vm0, $0xb8;
	[tilespmem:$0x1C200] =	vst v63  }
0xa0: {  	_ = 	snop  }
0xa1: {  	[tilespmem:s21], [sflag:$0x1] =	stream.indirect_vreg.gather [hbm4b:s4+s30], $0x80, v4, vm0, $0xb8;
	[tilespmem:$0x1C200] =	vst v63  }
0xa2: {  	_ = 	snop  }
0xa3: {  	[tilespmem:s22], [sflag:$0x1] =	stream.indirect_vreg.gather [hbm4b:s10+s30], $0x80, v4, vm0, $0xb8;
	[tilespmem:$0x1C200] =	vst v63  }
0xa4: {  	_ = 	snop  }
0xa5: {  	[tilespmem:s23], [sflag:$0x1] =	stream.indirect_vreg.gather [hbm4b:s11+s30], $0x80, v4, vm0, $0xb8;
	[tilespmem:$0x1C200] =	vst v63  }
0xa6: {  	_ =	swait.ge [sflag:s24], $0xC000  }
0xa7: {  	[sflag:s24] =	ssyncset.done $0x0  }
0xa8: {  	[sflag:s24] =	ssyncadd.s32 $0xFFFF4000  }
0xa9: {  	v4 =	vld [tilespmem:$0x80];
	_ =	sdelay $0x1  }
0xaa: {  	v5 =	vld [tilespmem:$0x90];
	_ =	sdelay $0x1  }
0xab: {  	v6 =	vld [tilespmem:$0xA0]  }
0xac: {  	v7 =	vand.u32 $0x80000001, v4  }
0xad: {  	v4 =	vshrl.u32 v4, $0x1;
	vm1 =	veq.s32 v7, $0x1;
	v7 =	vld [tilespmem:$0xB0]  }
0xae: {  	v9 =	vand.u32 $0x80000001, v5;
	v8 =	vsel vm1, $0x13EC, v4  }
0xaf: {  	v5 =	vshrl.u32 v5, $0x1;
	v4 =	vnsel vm1, $0x13EC, v4;
	vm1 =	veq.s32 v9, $0x1;
	[tilespmem:$0x12100] =	vst v8  }
0xb0: {  	[tilespmem:$0x12180] =	vst v4;
	v4 =	vsel vm1, $0x13EC, v5;
	v8 =	vand.u32 $0x80000001, v6  }
0xb1: {  	[tilespmem:$0x12110] =	vst v4;
	v4 =	vnsel vm1, $0x13EC, v5;
	v5 =	vshrl.u32 v6, $0x1;
	vm1 =	veq.s32 v8, $0x1  }
0xb2: {  	[tilespmem:$0x12190] =	vst v4;
	v4 =	vsel vm1, $0x13EC, v5;
	v6 =	vand.u32 $0x80000001, v7  }
0xb3: {  	s16 =	simm.s32 $0x0;
	[tilespmem:$0x12120] =	vst v4;
	v4 =	vnsel vm1, $0x13EC, v5;
	v5 =	vshrl.u32 v7, $0x1;
	vm1 =	veq.s32 v6, $0x1  }
0xb4: {  	s2 =	smul.u32 $0x6000, s16;
	[tilespmem:$0x121A0] =	vst v4;
	v4 =	vsel vm1, $0x13EC, v5  }
0xb5: {  	[tilespmem:$0x12130] =	vst v4;
	v4 =	vnsel vm1, $0x13EC, v5  }
0xb6: {  	s17 =	sand.u32 $0x380, s30;
	s2 =	sshra.s32 s2, $0x2;
	[tilespmem:$0x121B0] =	vst v4  }
0xb7: {  	s13 =	sor.u32 s17, s2;
	v4 =	vld [tilespmem:s0+$0x0]  }
0xb8: {  	v5 =	vld [tilespmem:s13+$0x2140]  }
0xb9: {  	v6 =	vld [tilespmem:s13+$0x2100];
	_ =	sdelay $0x1  }
0xba: {  	v7 =	vld [tilespmem:s13+$0x2500]  }
0xbb: {  	v8 =	vbroadcast v4, $0x0;
	v45 =	vbroadcast v4, $0x1  }
0xbc: {  	v11 =	vld [tilespmem:s13+$0x2540];
	v10 =	vbroadcast v4, $0x2  }
0xbd: {  	v6 =	vmul.f32 v6, v8;
	v5 =	vmul.f32 v5, v45  }
0xbe: {  	v12 =	vld [tilespmem:s13+$0x2900]  }
0xbf: {  	v13 =	vbroadcast v4, $0x3;
	v5 =	vadd.f32 v5, v6;
	v6 =	vmul.f32 v7, v10  }
0xc0: {  	v7 =	vld [tilespmem:s13+$0x2940]  }
0xc1: {  	v14 =	vbroadcast v4, $0x4;
	v5 =	vadd.f32 v6, v5;
	v6 =	vmul.f32 v11, v13  }
0xc2: {  	v46 =	vld [tilespmem:s13+$0x2D00]  }
0xc3: {  	v15 =	vbroadcast v4, $0x5;
	v5 =	vadd.f32 v6, v5;
	v6 =	vmul.f32 v12, v14  }
0xc4: {  	v47 =	vld [tilespmem:s13+$0x2D40]  }
0xc5: {  	v16 =	vbroadcast v4, $0x6;
	v5 =	vadd.f32 v6, v5;
	v6 =	vmul.f32 v7, v15  }
0xc6: {  	v7 =	vld [tilespmem:s13+$0x3100]  }
0xc7: {  	v17 =	vbroadcast v4, $0x7;
	v5 =	vadd.f32 v6, v5;
	v6 =	vmul.f32 v46, v16  }
0xc8: {  	v48 =	vld [tilespmem:s13+$0x3140]  }
0xc9: {  	v18 =	vbroadcast v4, $0x8;
	v5 =	vadd.f32 v6, v5;
	v6 =	vmul.f32 v47, v17  }
0xca: {  	v49 =	vld [tilespmem:s13+$0x3500]  }
0xcb: {  	v19 =	vbroadcast v4, $0x9;
	v5 =	vadd.f32 v6, v5;
	v6 =	vmul.f32 v7, v18;
	_ =	sdelay $0x1  }
0xcc: {  	v4 =	vbroadcast v4, $0xA;
	v5 =	vadd.f32 v6, v5;
	v6 =	vmul.f32 v48, v19;
	_ =	sdelay $0x1  }
0xcd: {  	v5 =	vadd.f32 v6, v5;
	v6 =	vmul.f32 v49, v4;
	_ =	sdelay $0x1  }
0xce: {  	v5 =	vadd.f32 v6, v5  }
0xcf: {  	s12 =	simm.s32 $0xE120  }
0xd0: {  	s2 =	simm.s32 $0x10170;
	[tilespmem:s12+$0xFFFFFFE0] =	vst v5  }
0xd1: {  	[tilespmem:s2+$0xFFFFFFD0] =	vst v5  }
0xd2: {  	v5 =	vld [tilespmem:s13+$0x2110]  }
0xd3: {  	v6 =	vld [tilespmem:s13+$0x2150];
	_ =	sdelay $0x1  }
0xd4: {  	v7 =	vld [tilespmem:s13+$0x2510];
	_ =	sdelay $0x1  }
0xd5: {  	v50 =	vld [tilespmem:s13+$0x2550]  }
0xd6: {  	v5 =	vmul.f32 v5, v8;
	v6 =	vmul.f32 v6, v45  }
0xd7: {  	v51 =	vld [tilespmem:s13+$0x2910]  }
0xd8: {  	v5 =	vadd.f32 v6, v5;
	v6 =	vmul.f32 v7, v10  }
0xd9: {  	v7 =	vld [tilespmem:s13+$0x2950]  }
0xda: {  	v5 =	vadd.f32 v6, v5;
	v6 =	vmul.f32 v50, v13  }
0xdb: {  	v52 =	vld [tilespmem:s13+$0x2D10]  }
0xdc: {  	v5 =	vadd.f32 v6, v5;
	v6 =	vmul.f32 v51, v14  }
0xdd: {  	v53 =	vld [tilespmem:s13+$0x2D50]  }
0xde: {  	v5 =	vadd.f32 v6, v5;
	v6 =	vmul.f32 v7, v15  }
0xdf: {  	v7 =	vld [tilespmem:s13+$0x3110]  }
0xe0: {  	v5 =	vadd.f32 v6, v5;
	v6 =	vmul.f32 v52, v16  }
0xe1: {  	v54 =	vld [tilespmem:s13+$0x3150]  }
0xe2: {  	v5 =	vadd.f32 v6, v5;
	v6 =	vmul.f32 v53, v17  }
0xe3: {  	v55 =	vld [tilespmem:s13+$0x3510]  }
0xe4: {  	v5 =	vadd.f32 v6, v5;
	v6 =	vmul.f32 v7, v18;
	_ =	sdelay $0x1  }
0xe5: {  	v5 =	vadd.f32 v6, v5;
	v6 =	vmul.f32 v54, v19;
	_ =	sdelay $0x1  }
0xe6: {  	v5 =	vadd.f32 v6, v5;
	v6 =	vmul.f32 v55, v4;
	_ =	sdelay $0x1  }
0xe7: {  	v5 =	vadd.f32 v6, v5;
	_ =	sdelay $0x1  }
0xe8: {  	[tilespmem:s12+$0xFFFFFFF0] =	vst v5  }
0xe9: {  	[tilespmem:s2+$0xFFFFFFE0] =	vst v5  }
0xea: {  	v5 =	vld [tilespmem:s13+$0x2120]  }
0xeb: {  	v6 =	vld [tilespmem:s13+$0x2160];
	_ =	sdelay $0x1  }
0xec: {  	v7 =	vld [tilespmem:s13+$0x2520];
	_ =	sdelay $0x1  }
0xed: {  	v56 =	vld [tilespmem:s13+$0x2560]  }
0xee: {  	v5 =	vmul.f32 v5, v8;
	v6 =	vmul.f32 v6, v45  }
0xef: {  	v57 =	vld [tilespmem:s13+$0x2920]  }
0xf0: {  	v7 =	vmul.f32 v7, v10;
	v5 =	vadd.f32 v6, v5  }
0xf1: {  	v6 =	vld [tilespmem:s13+$0x2960]  }
0xf2: {  	v11 =	vmul.f32 v56, v13;
	v5 =	vadd.f32 v7, v5  }
0xf3: {  	v7 =	vld [tilespmem:s13+$0x2D20]  }
0xf4: {  	v12 =	vmul.f32 v57, v14;
	v5 =	vadd.f32 v11, v5  }
0xf5: {  	v58 =	vld [tilespmem:s13+$0x2D60]  }
0xf6: {  	v6 =	vmul.f32 v6, v15;
	v5 =	vadd.f32 v12, v5  }
0xf7: {  	v59 =	vld [tilespmem:s13+$0x3120]  }
0xf8: {  	v7 =	vmul.f32 v7, v16;
	v5 =	vadd.f32 v6, v5  }
0xf9: {  	v6 =	vld [tilespmem:s13+$0x3160]  }
0xfa: {  	v11 =	vmul.f32 v58, v17;
	v5 =	vadd.f32 v7, v5  }
0xfb: {  	v7 =	vld [tilespmem:s13+$0x3520]  }
0xfc: {  	v12 =	vmul.f32 v59, v18;
	v5 =	vadd.f32 v11, v5;
	_ =	sdelay $0x1  }
0xfd: {  	v6 =	vmul.f32 v6, v19;
	v5 =	vadd.f32 v12, v5;
	_ =	sdelay $0x1  }
0xfe: {  	v7 =	vmul.f32 v7, v4;
	v5 =	vadd.f32 v6, v5;
	_ =	sdelay $0x1  }
0xff: {  	v5 =	vadd.f32 v7, v5;
	_ =	sdelay $0x1  }
0x100: {  	[tilespmem:s12+$0x0] =	vst v5  }
0x101: {  	[tilespmem:s2+$0xFFFFFFF0] =	vst v5  }
0x102: {  	v5 =	vld [tilespmem:s13+$0x2130]  }
0x103: {  	v6 =	vld [tilespmem:s13+$0x2170];
	_ =	sdelay $0x1  }
0x104: {  	v7 =	vld [tilespmem:s13+$0x2530];
	_ =	sdelay $0x1  }
0x105: {  	v60 =	vld [tilespmem:s13+$0x2570]  }
0x106: {  	v5 =	vmul.f32 v5, v8;
	v6 =	vmul.f32 v6, v45  }
0x107: {  	v8 =	vld [tilespmem:s13+$0x2930]  }
0x108: {  	v7 =	vmul.f32 v7, v10;
	v5 =	vadd.f32 v6, v5  }
0x109: {  	v6 =	vld [tilespmem:s13+$0x2970]  }
0x10a: {  	v61 =	vmul.f32 v60, v13;
	v5 =	vadd.f32 v7, v5  }
0x10b: {  	v7 =	vld [tilespmem:s13+$0x2D30]  }
0x10c: {  	v8 =	vmul.f32 v8, v14;
	v5 =	vadd.f32 v61, v5  }
0x10d: {  	v62 =	vld [tilespmem:s13+$0x2D70]  }
0x10e: {  	v6 =	vmul.f32 v6, v15;
	v5 =	vadd.f32 v8, v5  }
0x10f: {  	v8 =	vld [tilespmem:s13+$0x3130]  }
0x110: {  	v63 =	vld [tilespmem:s13+$0x3170];
	v7 =	vmul.f32 v7, v16;
	v5 =	vadd.f32 v6, v5  }
0x111: {  	v6 =	vld [tilespmem:s13+$0x3530]  }
0x112: {  	v9 =	vmul.f32 v62, v17;
	v5 =	vadd.f32 v7, v5;
	_ =	sdelay $0x1  }
0x113: {  	v7 =	vmul.f32 v8, v18;
	v8 =	vadd.f32 v9, v5  }
0x114: {  	s16 =	simm.s32 $0x0  }
0x115: {  	s14 =	simm.s32 $0xE120;
	s15 =	simm.s32 $0x101F0;
	s13 =	simm.s32 $0x1;
	v5 =	vmul.f32 v63, v19;
	v4 =	vmul.f32 v6, v4;
	v6 =	vadd.f32 v7, v8  }
.LBB2_5:
0x116: {  	s16 =	sadd.s32 $0x80, s16;
	s12 =	sadd.s32 $0x80, s12;
	s0 =	sadd.s32 $0x80, s0  }
0x117: {  	s17 =	sshrl.u32 s13, $0x3;
	p0 =	sne.s32 s13, $0x3F;
	s13 =	sadd.s32 $0x1, s13;
	v5 =	vadd.f32 v5, v6  }
0x118: {  	s17 =	smul.u32 $0x6000, s17  }
0x119: {  	v4 =	vadd.f32 v4, v5  }
0x11a: {  	s8 =	sand.u32 $0x380, s16;
	s17 =	sshra.s32 s17, $0x2  }
0x11b: {  	s17 =	sor.u32 s8, s17;
	[tilespmem:s14+$0x10] =	vst v4;
	s14 =	smov.u32 s12  }
0x11c: {  	[tilespmem:s2+$0x0] =	vst v4;
	s2 =	smov.u32 s15  }
0x11d: {  	v11 =	vld [tilespmem:s0+$0x0]  }
0x11e: {  	v5 =	vld [tilespmem:s17+$0x2140]  }
0x11f: {  	v6 =	vld [tilespmem:s17+$0x2100];
	_ =	sdelay $0x1  }
0x120: {  	v7 =	vld [tilespmem:s17+$0x2500]  }
0x121: {  	v14 =	vbroadcast v11, $0x0;
	v12 =	vbroadcast v11, $0x1  }
0x122: {  	v10 =	vbroadcast v11, $0x2;
	v4 =	vbroadcast v11, $0x3;
	v9 =	vld [tilespmem:s17+$0x2540]  }
0x123: {  	v6 =	vmul.f32 v6, v14;
	v8 =	vmul.f32 v5, v12  }
0x124: {  	v13 =	vbroadcast v11, $0x4;
	v5 =	vbroadcast v11, $0x5;
	v15 =	vld [tilespmem:s17+$0x2900]  }
0x125: {  	v16 =	vadd.f32 v8, v6;
	v17 =	vmul.f32 v7, v10;
	v7 =	vbroadcast v11, $0x6  }
0x126: {  	v8 =	vbroadcast v11, $0x7;
	v6 =	vbroadcast v11, $0x8;
	v18 =	vld [tilespmem:s17+$0x2940]  }
0x127: {  	v16 =	vadd.f32 v17, v16;
	v17 =	vmul.f32 v9, v4;
	v9 =	vbroadcast v11, $0x9  }
0x128: {  	v11 =	vbroadcast v11, $0xA;
	v19 =	vld [tilespmem:s17+$0x2D00]  }
0x129: {  	v16 =	vadd.f32 v17, v16;
	v15 =	vmul.f32 v15, v13  }
0x12a: {  	v17 =	vld [tilespmem:s17+$0x2D40]  }
0x12b: {  	v15 =	vadd.f32 v15, v16;
	v16 =	vmul.f32 v18, v5  }
0x12c: {  	v18 =	vld [tilespmem:s17+$0x3100]  }
0x12d: {  	v15 =	vadd.f32 v16, v15;
	v16 =	vmul.f32 v19, v7  }
0x12e: {  	v19 =	vld [tilespmem:s17+$0x3140]  }
0x12f: {  	v15 =	vadd.f32 v16, v15;
	v16 =	vmul.f32 v17, v8  }
0x130: {  	v17 =	vld [tilespmem:s17+$0x3500]  }
0x131: {  	v15 =	vadd.f32 v16, v15;
	v16 =	vmul.f32 v18, v6;
	_ =	sdelay $0x1  }
0x132: {  	v15 =	vadd.f32 v16, v15;
	v16 =	vmul.f32 v19, v9;
	_ =	sdelay $0x1  }
0x133: {  	v15 =	vadd.f32 v16, v15;
	v16 =	vmul.f32 v17, v11;
	_ =	sdelay $0x1  }
0x134: {  	v15 =	vadd.f32 v16, v15;
	_ =	sdelay $0x1  }
0x135: {  	[tilespmem:s12+$0xFFFFFFE0] =	vst v15  }
0x136: {  	[tilespmem:s15+$0xFFFFFFD0] =	vst v15  }
0x137: {  	v15 =	vld [tilespmem:s17+$0x2110]  }
0x138: {  	v16 =	vld [tilespmem:s17+$0x2150];
	_ =	sdelay $0x1  }
0x139: {  	v17 =	vld [tilespmem:s17+$0x2510];
	_ =	sdelay $0x1  }
0x13a: {  	v15 =	vmul.f32 v15, v14;
	v18 =	vld [tilespmem:s17+$0x2550]  }
0x13b: {  	v16 =	vmul.f32 v16, v12  }
0x13c: {  	v19 =	vld [tilespmem:s17+$0x2910]  }
0x13d: {  	v15 =	vadd.f32 v16, v15;
	v16 =	vmul.f32 v17, v10  }
0x13e: {  	v17 =	vld [tilespmem:s17+$0x2950]  }
0x13f: {  	v15 =	vadd.f32 v16, v15;
	v16 =	vmul.f32 v18, v4  }
0x140: {  	v18 =	vld [tilespmem:s17+$0x2D10]  }
0x141: {  	v15 =	vadd.f32 v16, v15;
	v16 =	vmul.f32 v19, v13  }
0x142: {  	v19 =	vld [tilespmem:s17+$0x2D50]  }
0x143: {  	v15 =	vadd.f32 v16, v15;
	v16 =	vmul.f32 v17, v5  }
0x144: {  	v17 =	vld [tilespmem:s17+$0x3110]  }
0x145: {  	v15 =	vadd.f32 v16, v15;
	v16 =	vmul.f32 v18, v7  }
0x146: {  	v18 =	vld [tilespmem:s17+$0x3150]  }
0x147: {  	v15 =	vadd.f32 v16, v15;
	v16 =	vmul.f32 v19, v8  }
0x148: {  	v19 =	vld [tilespmem:s17+$0x3510]  }
0x149: {  	v15 =	vadd.f32 v16, v15;
	v16 =	vmul.f32 v17, v6;
	_ =	sdelay $0x1  }
0x14a: {  	v15 =	vadd.f32 v16, v15;
	v16 =	vmul.f32 v18, v9;
	_ =	sdelay $0x1  }
0x14b: {  	v15 =	vadd.f32 v16, v15;
	v16 =	vmul.f32 v19, v11;
	_ =	sdelay $0x1  }
0x14c: {  	v15 =	vadd.f32 v16, v15;
	_ =	sdelay $0x1  }
0x14d: {  	[tilespmem:s12+$0xFFFFFFF0] =	vst v15  }
0x14e: {  	[tilespmem:s15+$0xFFFFFFE0] =	vst v15  }
0x14f: {  	v15 =	vld [tilespmem:s17+$0x2120]  }
0x150: {  	v16 =	vld [tilespmem:s17+$0x2160]  }
0x151: {  	v17 =	vld [tilespmem:s17+$0x2520]  }
0x152: {  	v18 =	vld [tilespmem:s17+$0x2560]  }
0x153: {  	v19 =	vld [tilespmem:s17+$0x2920]  }
0x154: {  	v15 =	vmul.f32 v15, v14;
	v20 =	vld [tilespmem:s17+$0x2960]  }
0x155: {  	v16 =	vmul.f32 v16, v12;
	v21 =	vld [tilespmem:s17+$0x2D20]  }
0x156: {  	v17 =	vmul.f32 v17, v10;
	v22 =	vld [tilespmem:s17+$0x2D60]  }
0x157: {  	v15 =	vadd.f32 v16, v15;
	v16 =	vmul.f32 v18, v4;
	v18 =	vld [tilespmem:s17+$0x3120]  }
0x158: {  	v19 =	vmul.f32 v19, v13;
	v23 =	vld [tilespmem:s17+$0x3160]  }
0x159: {  	v15 =	vadd.f32 v17, v15;
	v17 =	vmul.f32 v20, v5;
	v20 =	vld [tilespmem:s17+$0x3520]  }
0x15a: {  	v21 =	vmul.f32 v21, v7  }
0x15b: {  	v15 =	vadd.f32 v16, v15;
	v16 =	vmul.f32 v22, v8  }
0x15c: {  	v18 =	vmul.f32 v18, v6  }
0x15d: {  	v15 =	vadd.f32 v19, v15;
	v19 =	vmul.f32 v23, v9  }
0x15e: {  	v20 =	vmul.f32 v20, v11  }
0x15f: {  	v15 =	vadd.f32 v17, v15;
	_ =	sdelay $0x1  }
0x160: {  	v15 =	vadd.f32 v21, v15;
	_ =	sdelay $0x1  }
0x161: {  	v15 =	vadd.f32 v16, v15;
	_ =	sdelay $0x1  }
0x162: {  	v15 =	vadd.f32 v18, v15;
	_ =	sdelay $0x1  }
0x163: {  	v15 =	vadd.f32 v19, v15;
	_ =	sdelay $0x1  }
0x164: {  	v15 =	vadd.f32 v20, v15;
	_ =	sdelay $0x1  }
0x165: {  	[tilespmem:s12+$0x0] =	vst v15  }
0x166: {  	[tilespmem:s15+$0xFFFFFFF0] =	vst v15  }
0x167: {  	v15 =	vld [tilespmem:s17+$0x2130]  }
0x168: {  	v16 =	vld [tilespmem:s17+$0x2170]  }
0x169: {  	v17 =	vld [tilespmem:s17+$0x2530]  }
0x16a: {  	v18 =	vld [tilespmem:s17+$0x2570]  }
0x16b: {  	v19 =	vld [tilespmem:s17+$0x2930]  }
0x16c: {  	v14 =	vmul.f32 v15, v14;
	v15 =	vld [tilespmem:s17+$0x2970]  }
0x16d: {  	v12 =	vmul.f32 v16, v12;
	v16 =	vld [tilespmem:s17+$0x2D30]  }
0x16e: {  	v10 =	vmul.f32 v17, v10;
	v17 =	vld [tilespmem:s17+$0x2D70]  }
0x16f: {  	v12 =	vadd.f32 v12, v14;
	v4 =	vmul.f32 v18, v4;
	v14 =	vld [tilespmem:s17+$0x3130]  }
0x170: {  	v13 =	vmul.f32 v19, v13;
	v18 =	vld [tilespmem:s17+$0x3170]  }
0x171: {  	v10 =	vadd.f32 v10, v12;
	v12 =	vmul.f32 v15, v5;
	v15 =	vld [tilespmem:s17+$0x3530]  }
0x172: {  	v7 =	vmul.f32 v16, v7  }
0x173: {  	v4 =	vadd.f32 v4, v10;
	v8 =	vmul.f32 v17, v8  }
0x174: {  	v6 =	vmul.f32 v14, v6  }
0x175: {  	v10 =	vadd.f32 v13, v4;
	v5 =	vmul.f32 v18, v9  }
0x176: {  	v4 =	vmul.f32 v15, v11  }
0x177: {  	v9 =	vadd.f32 v12, v10;
	_ =	sdelay $0x1  }
.Ltmp1:
0x178: {  	v7 =	vadd.f32 v7, v9;
	(pc) =	sbr.rel @p0 .LBB2_5-.Ltmp1, $3  }
0x179: {  	_ = 	snop  }
0x17a: {  	v7 =	vadd.f32 v8, v7;
	_ =	sdelay $0x1  }
0x17b: {  	s15 =	sadd.s32 $0x80, s15;
	v6 =	vadd.f32 v6, v7  }
0x17c: {  	_ = 	snop  }
0x17d: {  	v5 =	vadd.f32 v5, v6;
	_ =	sdelay $0x1  }
0x17e: {  	v4 =	vadd.f32 v4, v5;
	_ =	sdelay $0x1  }
0x17f: {  	[tilespmem:s14+$0x10] =	vst v4  }
0x180: {  	[tilespmem:s2+$0x0] =	vst v4  }
0x181: {  	[spmem:s1] =	stream.indirect.scatter.add.f32 [tilespmem:s18], [sflag:$0x2], $0x80, s26, s25, $0xb8;
	[tilespmem:$0x1C200] =	vst v63  }
0x182: {  	s31 =	sadd.s32 $0x1, s31;
	_ =	swait.ge [sflag:s19], $0x2000  }
0x183: {  	p0 =	sne.s32 s31, $0x9D;
	[sflag:s19] =	ssyncset.done $0x0  }
.Ltmp2:
0x184: {  	[sflag:s19] =	ssyncadd.s32 $0xFFFFE000;
	(pc) =	sbr.rel @p0 .LBB2_4-.Ltmp2, $4  }
0x185: {  	[spmem:s1] =	stream.indirect.scatter.add.f32 [tilespmem:s29], [sflag:$0x2], $0x80, s28, s25, $0xb8;
	[tilespmem:$0x1C200] =	vst v63  }
0x186: {  	_ =	swait.ge [sflag:s19], $0x2000  }
0x187: {  	[sflag:s19] =	ssyncset.done $0x0  }
0x188: {  	[sflag:s19] =	ssyncadd.s32 $0xFFFFE000  }
0x189: {  	s0 =	stileid.u32;
	[bflag:$0x0] =	sbarrier.arrive $0xFFFF  }
0x18a: {  	s0 =	sshll.u32 s0, $0x6;
	s13 =	rddreg [dreg:$0x4]  }
0x18b: {  	s8 =	rddreg [dreg:$0x5];
	s0 =	sor.u32 $0x1C02, s0;
	s2 =	sshrl.u32 s13, $0x3  }
0x18c: {  	[hbm:s8], [sflag:s0] =	dma.local [spmem:s2], $0x1400  }
0x18d: {  	_ =	swait.ge [sflag:s19], $0x1400  }
0x18e: {  	s12 =	rddreg [dreg:$0x3]  }
0x18f: {  	s31 =	rddreg [dreg:$0x6];
	s12 =	sadd.s32 $0x1, s12  }
0x190: {  	p0 =	sne.s32 s12, s31  }
.Ltmp3:
0x191: {  	_ = 	snop;
	(pc) =	sbr.rel @p0 .LBB2_1-.Ltmp3, $3  }
0x192: {  	_ =	sdelay $0x1  }
0x193: {  	[sflag:s19] =	ssyncset.done $0x0  }
0x194: {  	[sflag:s19] =	ssyncadd.s32 $0xFFFFEC00  }
0x195: {  	_ =	sfence.sel $0x180000  }
0x196: {  	[bflag:$0x0] =	sbarrier.arrive $0xFFFF  }
0x197: {  	_ =	strace $0x9000004A  }
0x198: {  	s0 =	stileid.u32;
	[bflag:$0x2] =	sbarrier.arrive $0xFFFF  }
0x199: {  	p0 =	sne.s32 s0, $0x0;
	s0 =	rddreg [dreg:$0x2]  }
0x19a: {  	s0 =	sadd.s32 @!p0 $0x100000, s0  }
0x19b: {  	[sflag:s0] =	ssyncadd.tile.s32 @!p0 $0x1;
	_ =	shalt  }
.Lfunc_end2:
_tile_overlayer_lowered:
.L_overlay_start_2:
0x19c: {  	(tag) =	ssettag $0x2  }
0x19d: {  	s0 =	rddreg [dreg:$0x0];
	s2 =	stileid.u32  }
0x19e: {  	s1 =	rddreg [dreg:$0x1];
	p0 =	sne.s32 s2, $0x0  }
0x19f: {  	s3 =	rddreg [dreg:$0x2];
	[bflag:$0x3] =	sbarrier.arrive $0xFFFF;
	s2 =	simm.s32 @!p0 $0x1C02  }
0x1a0: {  	[timem:s3], [sflag:s2] =	dma.local @!p0 [hbm:s0], s1  }
0x1a1: {  	s0 =	simm.s32 @!p0 $0x2  }
0x1a2: {  	_ =	swait.ge @!p0 [sflag:s0], s1  }
0x1a3: {  	s1 =	ssub.s32 @!p0 $0x0, s1;
	[sflag:s0] =	ssyncset.done @!p0 $0x0  }
0x1a4: {  	[sflag:s0] =	ssyncadd.s32 @!p0 s1  }
0x1a5: {  	[bflag:$0x3] =	sbarrier.arrive $0xFFFF  }
0x1a6: {  	_ =	shalt  }

// kernel: kernel.7.cloned.1.call-start
scs
__scs_entry_jumppad:
0x0: {  	(pc) =	sbr.rel $0x88, $3  }
0x1: {  	(tag) =	ssettag $0x0;
	lr =	simm.s32 $0x1  }
0x2: {  	[smem:$0x3F98] =	sst lr;
	_ =	strace $0xD0000000  }
0x3: {  	_ = 	snop  }
0x4: {  	_ = 	snop  }
0x5: {  	_ = 	snop  }
0x6: {  	_ = 	snop  }
0x7: {  	_ = 	snop  }
__scs_overlays_trampoline_lowered:
0x8: {  	[smem:$0x3FA7] =	sst s0  }
0x9: {  	[smem:$0x3FA8] =	sst s1  }
0xa: {  	[smem:$0x3FA9] =	sst s2  }
0xb: {  	[smem:$0x3FAA] =	sst s3  }
0xc: {  	[smem:$0x3FAB] =	sst s4  }
0xd: {  	[smem:$0x3FAC] =	sst s5  }
0xe: {  	[smem:$0x3FAD] =	sst s6  }
0xf: {  	[smem:$0x3FAE] =	sst s7  }
0x10: {  	[smem:$0x3FAF] =	sst s8  }
0x11: {  	[smem:$0x3FB0] =	sst s9;
	s0 =	simm.s32 @!p0 $0x0  }
0x12: {  	s1 =	sld [smem:$0x3F96];
	s0 =	simm.s32 @p0 $0x1  }
0x13: {  	[smem:$0x3FB1] =	sst s0;
	s0 =	simm.s32 @!p1 $0x0  }
0x14: {  	s2 =	sld [smem:$0x3F95];
	s0 =	simm.s32 @p1 $0x1  }
0x15: {  	[smem:$0x3FB2] =	sst s0;
	s0 =	simm.s32 @!p2 $0x0  }
0x16: {  	s3 =	sld [smem:$0x3FDB];
	s0 =	simm.s32 @p2 $0x1  }
0x17: {  	s4 =	simm.s32 $0x1BF5;
	[smem:$0x3FB4] =	sst s0  }
0x18: {  	s0 =	sld [smem:$0x3F97];
	_ =	swait.ge [sflag:s4], $0x0  }
0x19: {  	s7 =	sld [smem:$0x3F98]  }
0x1a: {  	s8 =	sadd.s32 $0xFFFFE003, lr  }
0x1b: {  	s9 =	sadd.s32 $0xFFFFFEF7, lr;
	s5 =	simm.s32 $0xFFFFFFFF;
	p2 =	slt.u32 s8, $0xFFFFF086  }
0x1c: {  	p1 =	slt.u32 s9, $0xF7A;
	s5 =	simm.s32 @!p2 $0x0  }
0x1d: {  	s5 =	simm.s32 @p1 $0x1;
	p0 =	seq.s32 s7, s2  }
0x1e: {  	s7 =	smul.u32 @!p0 $0xF7A, s2;
	p2 =	seq.s32 @!p0 s5, $0x0  }
0x1f: {  	s9 =	smul.u32 $0xF7A, s1;
	s8 =	simm.s32 @!p0 $0x1BF5;
	p2 =	por !p2, p0  }
0x20: {  	[sflag:s8] =	ssyncset.s32 @!p0 $0xFFFFF086;
	s6 =	sadd.s32 @!p0 s3, s7;
	s7 =	simm.s32 @!p0 $0x108  }
0x21: {  	s3 =	sadd.s32 s3, s9;
	s6 =	sadd.s32 @!p0 $0x88, s6;
	s7 =	simm.s32 @p2 $0x1082  }
0x22: {  	[simem:s7], [sflag:s8] =	dma.local @!p0 [hbm:s6], $0xF7A  }
0x23: {  	s9 =	sor.u32 $0xD0000000, s2;
	s6 =	simm.s32 $0x108;
	_ =	swait.ge @!p0 [sflag:s8], $0x0  }
0x24: {  	s3 =	sadd.s32 $0x88, s3;
	s6 =	simm.s32 @!p1 $0x1082;
	[sflag:s4] =	ssyncset.s32 $0xFFFFF086  }
0x25: {  	[simem:s6], [sflag:s4] =	dma.local [hbm:s3], $0xF7A  }
0x26: {  	[smem:$0x3F98] =	sst s1;
	(tag) =	ssettag s2;
	_ =	strace s9  }
0x27: {  	s1 =	sld [smem:$0x3FA8]  }
0x28: {  	s2 =	sld [smem:$0x3FA9]  }
0x29: {  	s4 =	sld [smem:$0x3FAB]  }
0x2a: {  	p0 =	seq.s32 s5, $0x0;
	s5 =	sld [smem:$0x3FAC]  }
0x2b: {  	s6 =	sld [smem:$0x3FAD]  }
0x2c: {  	s7 =	sld [smem:$0x3FAE]  }
0x2d: {  	s3 =	simm.s32 $0x108;
	s8 =	sld [smem:$0x3FAF]  }
0x2e: {  	s3 =	simm.s32 @!p0 $0x1082;
	s9 =	sld [smem:$0x3FB0]  }
0x2f: {  	lr =	sadd.s32 s0, s3;
	s0 =	sld [smem:$0x3FA7]  }
0x30: {  	s3 =	sld [smem:$0x3FAA]  }
0x31: {  	[smem:$0x3FB3] =	sst s10  }
0x32: {  	s10 =	sld [smem:$0x3FB1];
	_ =	sdelay $0x3  }
0x33: {  	p0 =	seq.s32 s10, $0x1;
	s10 =	sld [smem:$0x3FB3];
	_ =	sdelay $0x3  }
0x34: {  	[smem:$0x3FB3] =	sst s10  }
0x35: {  	s10 =	sld [smem:$0x3FB2];
	_ =	sdelay $0x3  }
0x36: {  	p1 =	seq.s32 s10, $0x1;
	s10 =	sld [smem:$0x3FB3];
	_ =	sdelay $0x3  }
0x37: {  	[smem:$0x3FB3] =	sst s10  }
0x38: {  	s10 =	sld [smem:$0x3FB4]  }
0x39: {  	_ = 	snop;
	(pc) =	sbr.ind lr, $3  }
0x3a: {  	_ = 	snop  }
0x3b: {  	_ = 	snop  }
0x3c: {  	p2 =	seq.s32 s10, $0x1;
	s10 =	sld [smem:$0x3FB3]  }
0x3d: {  	_ =	shalt  }
0x3e: {  	_ =	shalt  }
0x3f: {  	_ =	shalt  }
0x40: {  	_ =	shalt  }
0x41: {  	_ =	shalt  }
0x42: {  	_ =	shalt  }
0x43: {  	_ =	shalt  }
0x44: {  	_ =	shalt  }
0x45: {  	_ =	shalt  }
0x46: {  	_ =	shalt  }
0x47: {  	_ =	shalt  }
0x48: {  	_ =	shalt  }
0x49: {  	_ =	shalt  }
0x4a: {  	_ =	shalt  }
0x4b: {  	_ =	shalt  }
0x4c: {  	_ =	shalt  }
0x4d: {  	_ =	shalt  }
0x4e: {  	_ =	shalt  }
0x4f: {  	_ =	shalt  }
0x50: {  	_ =	shalt  }
0x51: {  	_ =	shalt  }
0x52: {  	_ =	shalt  }
0x53: {  	_ =	shalt  }
0x54: {  	_ =	shalt  }
0x55: {  	_ =	shalt  }
0x56: {  	_ =	shalt  }
0x57: {  	_ =	shalt  }
0x58: {  	_ =	shalt  }
0x59: {  	_ =	shalt  }
0x5a: {  	_ =	shalt  }
0x5b: {  	_ =	shalt  }
0x5c: {  	_ =	shalt  }
0x5d: {  	_ =	shalt  }
0x5e: {  	_ =	shalt  }
0x5f: {  	_ =	shalt  }
0x60: {  	_ =	shalt  }
0x61: {  	_ =	shalt  }
0x62: {  	_ =	shalt  }
0x63: {  	_ =	shalt  }
0x64: {  	_ =	shalt  }
0x65: {  	_ =	shalt  }
0x66: {  	_ =	shalt  }
0x67: {  	_ =	shalt  }
0x68: {  	_ =	shalt  }
0x69: {  	_ =	shalt  }
0x6a: {  	_ =	shalt  }
0x6b: {  	_ =	shalt  }
0x6c: {  	_ =	shalt  }
0x6d: {  	_ =	shalt  }
0x6e: {  	_ =	shalt  }
0x6f: {  	_ =	shalt  }
0x70: {  	_ =	shalt  }
0x71: {  	_ =	shalt  }
0x72: {  	_ =	shalt  }
0x73: {  	_ =	shalt  }
0x74: {  	_ =	shalt  }
0x75: {  	_ =	shalt  }
0x76: {  	_ =	shalt  }
0x77: {  	_ =	shalt  }
0x78: {  	_ =	shalt  }
0x79: {  	_ =	shalt  }
0x7a: {  	_ =	shalt  }
0x7b: {  	_ =	shalt  }
0x7c: {  	_ =	shalt  }
0x7d: {  	_ =	shalt  }
0x7e: {  	_ =	shalt  }
0x7f: {  	_ =	shalt  }
0x80: {  	_ =	shalt  }
0x81: {  	_ =	shalt  }
0x82: {  	_ =	shalt  }
0x83: {  	_ =	shalt  }
0x84: {  	_ =	shalt  }
0x85: {  	_ =	shalt  }
0x86: {  	_ =	shalt  }
0x87: {  	_ =	shalt  }
.Lfunc_end0:
.L_simem_size_0:
called_computation_lowered:
.L_overlay_start_0:
0x88: {  	s2 =	sld [smem:$0x3FD9]  }
0x89: {  	s3 =	sld [smem:$0x3FFE];
	_ =	sdelay $0x1  }
0x8a: {  	s1 =	srdreg.scid  }
0x8b: {  	s0 =	sand.u32 $0x1, s1  }
0x8c: {  	s16 =	sshll.u32 s0, $0xA;
	s2 =	sadd.s32 s3, s2  }
0x8d: {  	s2 =	sadd.s32 s2, s16  }
0x8e: {  	[smem:$0x3FBF] =	sst s2  }
0x8f: {  	_ = 	snop  }
0x90: {  	(tm) =	ssettm $0x1  }
0x91: {  	s17 =	sld [smem:$0x3FFB];
	_ =	sdelay $0x3  }
0x92: {  	_ =	strace s17  }
0x93: {  	s2 =	sld [smem:$0x3FFC];
	_ =	sdelay $0x3  }
0x94: {  	_ =	strace s2  }
0x95: {  	s2 =	sld [smem:$0x3FFD];
	_ =	sdelay $0x3  }
0x96: {  	_ =	strace s2  }
0x97: {  	_ =	strace $0x8FFFFFFF  }
0x98: {  	s18 =	sld [smem:$0x3FDB];
	_ =	sdelay $0x1  }
0x99: {  	s19 =	simm.s32 $_scs_section_size  }
0x9a: {  	s4 =	simm.s32 $_size__tile_overlayer_lowered;
	s5 =	simm.s32 $_tile_overlayer_lowered  }
0x9b: {  	s22 =	simm.s32 $0x1BFF;
	s21 =	sshll.u32 s5, $0x1;
	s2 =	sadd.s32 s19, s18  }
0x9c: {  	s6 =	simm.s32 $0x0;
	s20 =	sshll.u32 s4, $0x1;
	s4 =	sadd.s32 s21, s2  }
0x9d: {  	[timem:s6], [sflag:s22] =	dma.local [hbm:s4], s20  }
0x9e: {  	_ =	swait.ge [sflag:s22], s20  }
0x9f: {  	s3 =	ssub.s32 $0x0, s20;
	[sflag:s22] =	ssyncset.done $0x0  }
0xa0: {  	[sflag:s22] =	ssyncadd.s32 s3;
	_ =	sdelay $0x1  }
0xa1: {  	s23 =	simm.s32 $0x1B8B  }
0xa2: {  	_ =	swait.ge [sflag:s23], $0x1  }
0xa3: {  	[sflag:s23] =	ssyncset.done $0x0  }
0xa4: {  	s25 =	simm.s32 $0x1B8E;
	s24 =	sld [smem:$0x3FFE];
	[sflag:s23] =	ssyncadd.s32 $0xFFFFFFFF  }
0xa5: {  	s26 =	simm.s32 $execute0_lowered;
	[smem:$0x3FD2] =	sst s25  }
0xa6: {  	s4 =	sshll.u32 s26, $0x1;
	_ =	strace $0x80000046;
	[dreg:$0x1] =	wrdreg $0xFFFFFFFF  }
0xa7: {  	s28 =	simm.s32 $_size_execute0_lowered;
	s2 =	sadd.s32 s2, s4;
	[dreg:$0x0] =	wrdreg $0x0  }
0xa8: {  	s4 =	sshll.u32 s28, $0x1;
	[dreg:$0x2] =	wrdreg s2  }
0xa9: {  	[dreg:$0x3] =	wrdreg s4  }
0xaa: {  	[dreg:$0x4] =	wrdreg $0xC0  }
0xab: {  	_ =	task [dreg:s6], $0x5FFFF  }
0xac: {  	[dreg:$0x1] =	wrdreg $0xFFFFFFFF  }
0xad: {  	[dreg:$0x0] =	wrdreg $0x60  }
0xae: {  	[dreg:$0x2] =	wrdreg s24  }
0xaf: {  	[dreg:$0x3] =	wrdreg $0x122000  }
0xb0: {  	[dreg:$0x4] =	wrdreg $0x9  }
0xb1: {  	_ =	task.clear_ibuf [dreg:s6], $0x5FFFF;
	_ =	strace $0x90000046  }
0xb2: {  	s29 =	simm.s32 $0x9;
	_ =	strace $0x80000048  }
0xb3: {  	_ =	swait.ge [sflag:s29], $0x1  }
0xb4: {  	[sflag:s29] =	ssyncadd.s32 $0xFFFFFFFF  }
0xb5: {  	_ =	strace $0x90000048  }
0xb6: {  	_ =	sfence  }
0xb7: {  	s30 =	sld [smem:$0x0];
	_ =	sdelay $0x2  }
0xb8: {  	s31 =	sshll.u32 s1, $0xD;
	s1 =	sshrl.u32 s1, $0x2  }
0xb9: {  	s3 =	sand.u32 $0x4000, s31;
	s1 =	sadd.s32 s1, s30  }
0xba: {  	s0 =	sor.u32 s3, s0;
	s1 =	sshll.u32 s1, $0x11  }
0xbb: {  	s0 =	sor.u32 s1, s0  }
0xbc: {  	s0 =	sadd.s32 $0x8F2B, s0  }
0xbd: {  	[sflag:s0] =	ssyncadd.remote.s32 $0x1  }
0xbe: {  	_ =	sfence.sel $0xFFFF  }
0xbf: {  	[dreg:$0x0] =	wrdreg $0xFFFFFFFF;
	(pc) =	sbr.abs _section_cstart, $3  }
0xc0: {  	[dreg:$0x1] =	wrdreg $0xFFFFFFFF  }
0xc1: {  	_ =	task.clear_ibuf [dreg:s6], $0x2FFFF;
	_ =	strace $0x9FFFFFFF  }
0xc2: {  	(tm) =	ssettm $0x7FFFFFFF  }
0xc3: {  	_ =	shalt  }
tec
execute0_lowered:
.L_overlay_start_1:
0x0: {  	(tag) =	ssettag $0x1  }
0x1: {  	s0 =	rddreg [dreg:$0x0]  }
0x2: {  	s1 =	rddreg [dreg:$0x1];
	s2 =	srdreg.scid  }
0x3: {  	s12 =	simm.s32 $0x0;
	s11 =	stileid.u32;
	s18 =	simm.s32 $0xE100  }
0x4: {  	s19 =	simm.s32 $0x2;
	s20 =	simm.s32 $0xC100;
	s28 =	simm.s32 $0x12180  }
0x5: {  	s29 =	simm.s32 $0x10100;
	s30 =	simm.s32 $0x0;
	s2 =	sand.u32 $0x1, s2  }
0x6: {  	[smem:$0x7FF] =	sst s12;
	s8 =	smul.u32 $0xA000, s11;
	s4 =	sadd.s32 $0x14000, s0  }
0x7: {  	s5 =	sadd.s32 $0x400, s0;
	s6 =	sadd.s32 $0xA200, s0;
	s9 =	smul.u32 $0x28000, s11  }
0x8: {  	s7 =	sadd.s32 $0x9D8000, s0;
	s3 =	smul.u32 $0xA0000, s2;
	s21 =	ssub.s32 $0x2, s2  }
0x9: {  	_ =	strace $0x80000047;
	s2 =	sshll.u32 s2, $0x4;
	s10 =	sshrl.u32 s21, $0x1  }
0xa: {  	s2 =	sor.u32 s11, s2;
	s9 =	sshrl.u32 s9, $0x2;
	s11 =	sadd.s32 $0x14200, s0  }
0xb: {  	s3 =	sadd.s32 s8, s3;
	s8 =	ssub.s32 s21, s10;
	s13 =	sadd.s32 s9, s1  }
0xc: {  	s9 =	smul.u32 $0x2740, s2;
	s23 =	smax.u32 s8, $0x1;
	[dreg:$0x4] =	wrdreg s13  }
0xd: {  	s10 =	sadd.s32 $0x14100, s0;
	s24 =	sadd.s32 $0x2000, s13;
	[dreg:$0x6] =	wrdreg s23  }
0xe: {  	s21 =	simm.s32 $0xC900;
	s25 =	sadd.s32 $0x4000, s13;
	[dreg:$0x7] =	wrdreg s24  }
0xf: {  	s3 =	sshrl.u32 s3, $0x3;
	s26 =	sadd.s32 $0x6000, s13;
	[dreg:$0x8] =	wrdreg s25  }
0x10: {  	s31 =	sadd.s32 $0x8000, s13;
	s3 =	sadd.s32 s3, s0;
	[dreg:$0x9] =	wrdreg s26  }
0x11: {  	v3 =	vlaneseq.u32;
	[dreg:$0xa] =	wrdreg s31;
	s23 =	simm.s32 $0xD900;
	s24 =	simm.s32 $0x1  }
0x12: {  	v0 =	vimm.f32 $0.0e+00;
	vm0 =	vmmov $0xffff;
	v2 =	vshrl.u32 v3, $0x3;
	s25 =	simm.s32 $0x40;
	s26 =	simm.s32 $0x12100;
	s22 =	sadd.s32 $0xFE600, s3  }
0x13: {  	v1 =	vand.u32 $0x7, v3;
	v3 =	vor.u32 $0x8, v3;
	v2 =	vmul.u32 $0x8, v2;
	s3 =	simm.s32 $0xB900;
	[dreg:$0x5] =	wrdreg s22;
	s22 =	simm.s32 $0xD100  }
.LBB2_1:
0x14: {  	[dreg:$0x3] =	wrdreg s12;
	s0 =	simm.s32 $0x0;
	s2 =	simm.s32 $0x200  }
.LBB2_2:
0x15: {  	p0 =	sne.s32 s2, $0x7E00;
	[tilespmem:s0+$0x10170] =	vst v0  }
0x16: {  	[tilespmem:s0+$0xE100] =	vst v0  }
0x17: {  	[tilespmem:s0+$0x10100] =	vst v0  }
0x18: {  	[tilespmem:s0+$0xE110] =	vst v0  }
0x19: {  	[tilespmem:s0+$0x10110] =	vst v0  }
0x1a: {  	[tilespmem:s0+$0xE120] =	vst v0  }
0x1b: {  	[tilespmem:s0+$0x10120] =	vst v0  }
0x1c: {  	[tilespmem:s0+$0xE130] =	vst v0  }
0x1d: {  	[tilespmem:s0+$0x10130] =	vst v0  }
0x1e: {  	[tilespmem:s0+$0xE140] =	vst v0  }
0x1f: {  	[tilespmem:s0+$0x10140] =	vst v0  }
.Ltmp0:
0x20: {  	[tilespmem:s0+$0xE150] =	vst v0;
	(pc) =	sbr.rel @p0 .LBB2_2-.Ltmp0, $4  }
0x21: {  	[tilespmem:s0+$0x10150] =	vst v0  }
0x22: {  	[tilespmem:s0+$0xE160] =	vst v0  }
0x23: {  	[tilespmem:s0+$0x10160] =	vst v0  }
0x24: {  	[tilespmem:s0+$0xE170] =	vst v0;
	s0 =	sshra.s32 s2, $0x2;
	s2 =	sadd.s32 $0x200, s2  }
0x25: {  	[tilespmem:s0+$0x10170] =	vst v0  }
0x26: {  	[tilespmem:s0+$0xE100] =	vst v0  }
0x27: {  	[tilespmem:s0+$0x10100] =	vst v0  }
0x28: {  	[tilespmem:s0+$0xE110] =	vst v0  }
0x29: {  	[tilespmem:s0+$0x10110] =	vst v0  }
0x2a: {  	[tilespmem:s0+$0xE120] =	vst v0  }
0x2b: {  	[tilespmem:s0+$0x10120] =	vst v0  }
0x2c: {  	[tilespmem:s0+$0xE130] =	vst v0  }
0x2d: {  	[tilespmem:s0+$0x10130] =	vst v0  }
0x2e: {  	[tilespmem:s0+$0xE140] =	vst v0  }
0x2f: {  	[tilespmem:s0+$0x10140] =	vst v0  }
0x30: {  	[tilespmem:s0+$0xE150] =	vst v0  }
0x31: {  	[tilespmem:s0+$0x10150] =	vst v0  }
0x32: {  	[tilespmem:s0+$0xE160] =	vst v0  }
0x33: {  	[tilespmem:s0+$0x10160] =	vst v0  }
0x34: {  	[tilespmem:s0+$0xE170] =	vst v0  }
0x35: {  	[spmem:s13] =	stream.linear.scatter [tilespmem:s18], [sflag:$0x2], $0x2000, $0x38;
	[tilespmem:$0x1C200] =	vst v63  }
0x36: {  	_ =	swait.ge [sflag:s19], $0x2000  }
0x37: {  	[sflag:s19] =	ssyncset.done $0x0  }
0x38: {  	s14 =	rddreg [dreg:$0x7];
	[sflag:s19] =	ssyncadd.s32 $0xFFFFE000  }
0x39: {  	[spmem:s14] =	stream.linear.scatter [tilespmem:s18], [sflag:$0x2], $0x2000, $0x38;
	[tilespmem:$0x1C200] =	vst v63  }
0x3a: {  	_ =	swait.ge [sflag:s19], $0x2000  }
0x3b: {  	[sflag:s19] =	ssyncset.done $0x0  }
0x3c: {  	s15 =	rddreg [dreg:$0x8];
	[sflag:s19] =	ssyncadd.s32 $0xFFFFE000  }
0x3d: {  	[spmem:s15] =	stream.linear.scatter [tilespmem:s18], [sflag:$0x2], $0x2000, $0x38;
	[tilespmem:$0x1C200] =	vst v63  }
0x3e: {  	_ =	swait.ge [sflag:s19], $0x2000  }
0x3f: {  	[sflag:s19] =	ssyncset.done $0x0  }
0x40: {  	s16 =	rddreg [dreg:$0x9];
	[sflag:s19] =	ssyncadd.s32 $0xFFFFE000  }
0x41: {  	[spmem:s16] =	stream.linear.scatter [tilespmem:s18], [sflag:$0x2], $0x2000, $0x38;
	[tilespmem:$0x1C200] =	vst v63  }
0x42: {  	_ =	swait.ge [sflag:s19], $0x2000  }
0x43: {  	[sflag:s19] =	ssyncset.done $0x0  }
0x44: {  	s17 =	rddreg [dreg:$0xa];
	[sflag:s19] =	ssyncadd.s32 $0xFFFFE000  }
0x45: {  	[spmem:s17] =	stream.linear.scatter [tilespmem:s18], [sflag:$0x2], $0x2000, $0x38;
	[tilespmem:$0x1C200] =	vst v63  }
0x46: {  	_ =	swait.ge [sflag:s19], $0x2000  }
0x47: {  	[sflag:s19] =	ssyncset.done $0x0  }
0x48: {  	[sflag:s19] =	ssyncadd.s32 $0xFFFFE000  }
0x49: {  	s31 =	simm.s32 $0x0;
	[bflag:$0x0] =	sbarrier.arrive $0xFFFF  }
.LBB2_4:
0x4a: {  	s0 =	sshll.u32 s31, $0x6  }
0x4b: {  	s0 =	sadd.s32 s9, s0  }
0x4c: {  	s2 =	sshrl.u32 s0, $0x3  }
0x4d: {  	s12 =	sadd.s32 s5, s2  }
0x4e: {  	[tilespmem:s30], [sflag:$0x2] =	stream.linear.gather [hbm4b:s12+s30], $0x40, $0x38;
	[tilespmem:$0x1C200] =	vst v63  }
0x4f: {  	_ =	swait.ge [sflag:s19], $0x40  }
0x50: {  	[sflag:s19] =	ssyncset.done $0x0  }
0x51: {  	s8 =	simm.s32 $0x80;
	s2 =	sadd.s32 s6, s2;
	[sflag:s19] =	ssyncadd.s32 $0xFFFFFFC0  }
0x52: {  	[tilespmem:s8], [sflag:$0x2] =	stream.linear.gather [hbm4b:s2+s30], $0x40, $0x38;
	[tilespmem:$0x1C200] =	vst v63  }
0x53: {  	_ =	swait.ge [sflag:s19], $0x40  }
0x54: {  	s0 =	sshll.u32 s0, $0x4;
	[sflag:s19] =	ssyncset.done $0x0  }
0x55: {  	s17 =	sadd.s32 s7, s0;
	s0 =	simm.s32 $0x100;
	[sflag:s19] =	ssyncadd.s32 $0xFFFFFFC0  }
0x56: {  	[tilespmem:s0], [sflag:$0x2] =	stream.linear.gather [hbm4b:s17+s30], $0x2000, $0x38;
	[tilespmem:$0x1C200] =	vst v63  }
0x57: {  	_ =	swait.ge [sflag:s19], $0x2000  }
0x58: {  	[sflag:s19] =	ssyncset.done $0x0  }
0x59: {  	[sflag:s19] =	ssyncadd.s32 $0xFFFFE000  }
0x5a: {  	v4 =	vld [tilespmem:$0x0];
	_ =	sdelay $0x4  }
0x5b: {  	v5 =	vshrl.u32 v4, $0x3  }
0x5c: {  	v5 =	vmul.u32 $0x30, v5  }
0x5d: {  	v4 =	vand.u32 $0x7, v4  }
0x5e: {  	v4 =	vor.u32 v4, v5  }
0x5f: {  	v5 =	vperm.xlane v4, v1;
	_ =	sdelay $0x1  }
0x60: {  	v5 =	vadd.s32 v2, v5;
	_ =	sdelay $0x3  }
0x61: {  	s8 =	simm.s32 $0x2100;
	v4 =	vperm.xlane v4, v3  }
0x62: {  	[tilespmem:s8], [sflag:$0x1] =	stream.indirect_vreg.gather [hbm4b:s4+s30], $0x80, v5, vm0, $0xb8;
	[tilespmem:$0x1C200] =	vst v63  }
0x63: {  	s12 =	simm.s32 $0x2900;
	v4 =	vadd.s32 v2, v4  }
0x64: {  	[tilespmem:s12], [sflag:$0x1] =	stream.indirect_vreg.gather [hbm4b:s10+s30], $0x80, v5, vm0, $0xb8;
	[tilespmem:$0x1C200] =	vst v63  }
0x65: {  	s13 =	simm.s32 $0x3100  }
0x66: {  	[tilespmem:s13], [sflag:$0x1] =	stream.indirect_vreg.gather [hbm4b:s11+s30], $0x80, v5, vm0, $0xb8;
	[tilespmem:$0x1C200] =	vst v63  }
0x67: {  	s14 =	simm.s32 $0x3900  }
0x68: {  	[tilespmem:s14], [sflag:$0x1] =	stream.indirect_vreg.gather [hbm4b:s4+s30], $0x80, v4, vm0, $0xb8;
	[tilespmem:$0x1C200] =	vst v63  }
0x69: {  	s15 =	simm.s32 $0x4100  }
0x6a: {  	[tilespmem:s15], [sflag:$0x1] =	stream.indirect_vreg.gather [hbm4b:s10+s30], $0x80, v4, vm0, $0xb8;
	[tilespmem:$0x1C200] =	vst v63  }
0x6b: {  	s16 =	simm.s32 $0x4900  }
0x6c: {  	[tilespmem:s16], [sflag:$0x1] =	stream.indirect_vreg.gather [hbm4b:s11+s30], $0x80, v4, vm0, $0xb8;
	[tilespmem:$0x1C200] =	vst v63  }
0x6d: {  	v4 =	vld [tilespmem:$0x10];
	_ =	sdelay $0x4  }
0x6e: {  	v5 =	vshrl.u32 v4, $0x3  }
0x6f: {  	v5 =	vmul.u32 $0x30, v5  }
0x70: {  	v4 =	vand.u32 $0x7, v4  }
0x71: {  	v4 =	vor.u32 v4, v5  }
0x72: {  	v5 =	vperm.xlane v4, v1;
	_ =	sdelay $0x1  }
0x73: {  	v5 =	vadd.s32 v2, v5;
	_ =	sdelay $0x3  }
0x74: {  	s17 =	simm.s32 $0x5100;
	v4 =	vperm.xlane v4, v3  }
0x75: {  	[tilespmem:s17], [sflag:$0x1] =	stream.indirect_vreg.gather [hbm4b:s4+s30], $0x80, v5, vm0, $0xb8;
	[tilespmem:$0x1C200] =	vst v63  }
0x76: {  	s8 =	simm.s32 $0x5900;
	v4 =	vadd.s32 v2, v4  }
0x77: {  	[tilespmem:s8], [sflag:$0x1] =	stream.indirect_vreg.gather [hbm4b:s10+s30], $0x80, v5, vm0, $0xb8;
	[tilespmem:$0x1C200] =	vst v63  }
0x78: {  	s12 =	simm.s32 $0x6100  }
0x79: {  	[tilespmem:s12], [sflag:$0x1] =	stream.indirect_vreg.gather [hbm4b:s11+s30], $0x80, v5, vm0, $0xb8;
	[tilespmem:$0x1C200] =	vst v63  }
0x7a: {  	s13 =	simm.s32 $0x6900  }
0x7b: {  	[tilespmem:s13], [sflag:$0x1] =	stream.indirect_vreg.gather [hbm4b:s4+s30], $0x80, v4, vm0, $0xb8;
	[tilespmem:$0x1C200] =	vst v63  }
0x7c: {  	s14 =	simm.s32 $0x7100  }
0x7d: {  	[tilespmem:s14], [sflag:$0x1] =	stream.indirect_vreg.gather [hbm4b:s10+s30], $0x80, v4, vm0, $0xb8;
	[tilespmem:$0x1C200] =	vst v63  }
0x7e: {  	s15 =	simm.s32 $0x7900  }
0x7f: {  	[tilespmem:s15], [sflag:$0x1] =	stream.indirect_vreg.gather [hbm4b:s11+s30], $0x80, v4, vm0, $0xb8;
	[tilespmem:$0x1C200] =	vst v63  }
0x80: {  	v4 =	vld [tilespmem:$0x20];
	_ =	sdelay $0x4  }
0x81: {  	v5 =	vshrl.u32 v4, $0x3  }
0x82: {  	v5 =	vmul.u32 $0x30, v5  }
0x83: {  	v4 =	vand.u32 $0x7, v4  }
0x84: {  	v4 =	vor.u32 v4, v5  }
0x85: {  	v5 =	vperm.xlane v4, v1;
	_ =	sdelay $0x1  }
0x86: {  	v5 =	vadd.s32 v2, v5;
	_ =	sdelay $0x3  }
0x87: {  	s16 =	simm.s32 $0x8100;
	v4 =	vperm.xlane v4, v3  }
0x88: {  	[tilespmem:s16], [sflag:$0x1] =	stream.indirect_vreg.gather [hbm4b:s4+s30], $0x80, v5, vm0, $0xb8;
	[tilespmem:$0x1C200] =	vst v63  }
0x89: {  	s17 =	simm.s32 $0x8900;
	v4 =	vadd.s32 v2, v4  }
0x8a: {  	[tilespmem:s17], [sflag:$0x1] =	stream.indirect_vreg.gather [hbm4b:s10+s30], $0x80, v5, vm0, $0xb8;
	[tilespmem:$0x1C200] =	vst v63  }
0x8b: {  	s8 =	simm.s32 $0x9100  }
0x8c: {  	[tilespmem:s8], [sflag:$0x1] =	stream.indirect_vreg.gather [hbm4b:s11+s30], $0x80, v5, vm0, $0xb8;
	[tilespmem:$0x1C200] =	vst v63  }
0x8d: {  	s12 =	simm.s32 $0x9900  }
0x8e: {  	[tilespmem:s12], [sflag:$0x1] =	stream.indirect_vreg.gather [hbm4b:s4+s30], $0x80, v4, vm0, $0xb8;
	[tilespmem:$0x1C200] =	vst v63  }
0x8f: {  	s13 =	simm.s32 $0xA100  }
0x90: {  	[tilespmem:s13], [sflag:$0x1] =	stream.indirect_vreg.gather [hbm4b:s10+s30], $0x80, v4, vm0, $0xb8;
	[tilespmem:$0x1C200] =	vst v63  }
0x91: {  	s14 =	simm.s32 $0xA900  }
0x92: {  	[tilespmem:s14], [sflag:$0x1] =	stream.indirect_vreg.gather [hbm4b:s11+s30], $0x80, v4, vm0, $0xb8;
	[tilespmem:$0x1C200] =	vst v63  }
0x93: {  	v4 =	vld [tilespmem:$0x30];
	_ =	sdelay $0x4  }
0x94: {  	v5 =	vshrl.u32 v4, $0x3  }
0x95: {  	v5 =	vmul.u32 $0x30, v5  }
0x96: {  	v4 =	vand.u32 $0x7, v4  }
0x97: {  	v4 =	vor.u32 v4, v5  }
0x98: {  	v5 =	vperm.xlane v4, v1;
	_ =	sdelay $0x1  }
0x99: {  	v5 =	vadd.s32 v2, v5;
	_ =	sdelay $0x3  }
0x9a: {  	s15 =	simm.s32 $0xB100;
	v4 =	vperm.xlane v4, v3  }
0x9b: {  	[tilespmem:s15], [sflag:$0x1] =	stream.indirect_vreg.gather [hbm4b:s4+s30], $0x80, v5, vm0, $0xb8;
	[tilespmem:$0x1C200] =	vst v63  }
0x9c: {  	v4 =	vadd.s32 v2, v4  }
0x9d: {  	[tilespmem:s3], [sflag:$0x1] =	stream.indirect_vreg.gather [hbm4b:s10+s30], $0x80, v5, vm0, $0xb8;
	[tilespmem:$0x1C200] =	vst v63  }
0x9e: {  	_ = 	snop  }
0x9f: {  	[tilespmem:s20], [sflag:$0x1] =	stream.indirect_vreg.gather [hbm4b:s11+s30], $0x80, v5, vm0, $0xb8;
	[tilespmem:$0x1C200] =	vst v63  }
0xa0: {  	_ = 	snop  }
0xa1: {  	[tilespmem:s21], [sflag:$0x1] =	stream.indirect_vreg.gather [hbm4b:s4+s30], $0x80, v4, vm0, $0xb8;
	[tilespmem:$0x1C200] =	vst v63  }
0xa2: {  	_ = 	snop  }
0xa3: {  	[tilespmem:s22], [sflag:$0x1] =	stream.indirect_vreg.gather [hbm4b:s10+s30], $0x80, v4, vm0, $0xb8;
	[tilespmem:$0x1C200] =	vst v63  }
0xa4: {  	_ = 	snop  }
0xa5: {  	[tilespmem:s23], [sflag:$0x1] =	stream.indirect_vreg.gather [hbm4b:s11+s30], $0x80, v4, vm0, $0xb8;
	[tilespmem:$0x1C200] =	vst v63  }
0xa6: {  	_ =	swait.ge [sflag:s24], $0xC000  }
0xa7: {  	[sflag:s24] =	ssyncset.done $0x0  }
0xa8: {  	[sflag:s24] =	ssyncadd.s32 $0xFFFF4000  }
0xa9: {  	v4 =	vld [tilespmem:$0x80];
	_ =	sdelay $0x1  }
0xaa: {  	v5 =	vld [tilespmem:$0x90];
	_ =	sdelay $0x1  }
0xab: {  	v6 =	vld [tilespmem:$0xA0]  }
0xac: {  	v7 =	vand.u32 $0x80000001, v4  }
0xad: {  	v4 =	vshrl.u32 v4, $0x1;
	vm1 =	veq.s32 v7, $0x1;
	v7 =	vld [tilespmem:$0xB0]  }
0xae: {  	v9 =	vand.u32 $0x80000001, v5;
	v8 =	vsel vm1, $0x13EC, v4  }
0xaf: {  	v5 =	vshrl.u32 v5, $0x1;
	v4 =	vnsel vm1, $0x13EC, v4;
	vm1 =	veq.s32 v9, $0x1;
	[tilespmem:$0x12100] =	vst v8  }
0xb0: {  	[tilespmem:$0x12180] =	vst v4;
	v4 =	vsel vm1, $0x13EC, v5;
	v8 =	vand.u32 $0x80000001, v6  }
0xb1: {  	[tilespmem:$0x12110] =	vst v4;
	v4 =	vnsel vm1, $0x13EC, v5;
	v5 =	vshrl.u32 v6, $0x1;
	vm1 =	veq.s32 v8, $0x1  }
0xb2: {  	[tilespmem:$0x12190] =	vst v4;
	v4 =	vsel vm1, $0x13EC, v5;
	v6 =	vand.u32 $0x80000001, v7  }
0xb3: {  	s16 =	simm.s32 $0x0;
	[tilespmem:$0x12120] =	vst v4;
	v4 =	vnsel vm1, $0x13EC, v5;
	v5 =	vshrl.u32 v7, $0x1;
	vm1 =	veq.s32 v6, $0x1  }
0xb4: {  	s2 =	smul.u32 $0x6000, s16;
	[tilespmem:$0x121A0] =	vst v4;
	v4 =	vsel vm1, $0x13EC, v5  }
0xb5: {  	[tilespmem:$0x12130] =	vst v4;
	v4 =	vnsel vm1, $0x13EC, v5  }
0xb6: {  	s17 =	sand.u32 $0x380, s30;
	s2 =	sshra.s32 s2, $0x2;
	[tilespmem:$0x121B0] =	vst v4  }
0xb7: {  	s13 =	sor.u32 s17, s2;
	v4 =	vld [tilespmem:s0+$0x0]  }
0xb8: {  	v5 =	vld [tilespmem:s13+$0x2140]  }
0xb9: {  	v6 =	vld [tilespmem:s13+$0x2100];
	_ =	sdelay $0x1  }
0xba: {  	v7 =	vld [tilespmem:s13+$0x2500]  }
0xbb: {  	v8 =	vbroadcast v4, $0x0;
	v45 =	vbroadcast v4, $0x1  }
0xbc: {  	v11 =	vld [tilespmem:s13+$0x2540];
	v10 =	vbroadcast v4, $0x2  }
0xbd: {  	v6 =	vmul.f32 v6, v8;
	v5 =	vmul.f32 v5, v45  }
0xbe: {  	v12 =	vld [tilespmem:s13+$0x2900]  }
0xbf: {  	v13 =	vbroadcast v4, $0x3;
	v5 =	vadd.f32 v5, v6;
	v6 =	vmul.f32 v7, v10  }
0xc0: {  	v7 =	vld [tilespmem:s13+$0x2940]  }
0xc1: {  	v14 =	vbroadcast v4, $0x4;
	v5 =	vadd.f32 v6, v5;
	v6 =	vmul.f32 v11, v13  }
0xc2: {  	v46 =	vld [tilespmem:s13+$0x2D00]  }
0xc3: {  	v15 =	vbroadcast v4, $0x5;
	v5 =	vadd.f32 v6, v5;
	v6 =	vmul.f32 v12, v14  }
0xc4: {  	v47 =	vld [tilespmem:s13+$0x2D40]  }
0xc5: {  	v16 =	vbroadcast v4, $0x6;
	v5 =	vadd.f32 v6, v5;
	v6 =	vmul.f32 v7, v15  }
0xc6: {  	v7 =	vld [tilespmem:s13+$0x3100]  }
0xc7: {  	v17 =	vbroadcast v4, $0x7;
	v5 =	vadd.f32 v6, v5;
	v6 =	vmul.f32 v46, v16  }
0xc8: {  	v48 =	vld [tilespmem:s13+$0x3140]  }
0xc9: {  	v18 =	vbroadcast v4, $0x8;
	v5 =	vadd.f32 v6, v5;
	v6 =	vmul.f32 v47, v17  }
0xca: {  	v49 =	vld [tilespmem:s13+$0x3500]  }
0xcb: {  	v19 =	vbroadcast v4, $0x9;
	v5 =	vadd.f32 v6, v5;
	v6 =	vmul.f32 v7, v18;
	_ =	sdelay $0x1  }
0xcc: {  	v4 =	vbroadcast v4, $0xA;
	v5 =	vadd.f32 v6, v5;
	v6 =	vmul.f32 v48, v19;
	_ =	sdelay $0x1  }
0xcd: {  	v5 =	vadd.f32 v6, v5;
	v6 =	vmul.f32 v49, v4;
	_ =	sdelay $0x1  }
0xce: {  	v5 =	vadd.f32 v6, v5  }
0xcf: {  	s12 =	simm.s32 $0xE120  }
0xd0: {  	s2 =	simm.s32 $0x10170;
	[tilespmem:s12+$0xFFFFFFE0] =	vst v5  }
0xd1: {  	[tilespmem:s2+$0xFFFFFFD0] =	vst v5  }
0xd2: {  	v5 =	vld [tilespmem:s13+$0x2110]  }
0xd3: {  	v6 =	vld [tilespmem:s13+$0x2150];
	_ =	sdelay $0x1  }
0xd4: {  	v7 =	vld [tilespmem:s13+$0x2510];
	_ =	sdelay $0x1  }
0xd5: {  	v50 =	vld [tilespmem:s13+$0x2550]  }
0xd6: {  	v5 =	vmul.f32 v5, v8;
	v6 =	vmul.f32 v6, v45  }
0xd7: {  	v51 =	vld [tilespmem:s13+$0x2910]  }
0xd8: {  	v5 =	vadd.f32 v6, v5;
	v6 =	vmul.f32 v7, v10  }
0xd9: {  	v7 =	vld [tilespmem:s13+$0x2950]  }
0xda: {  	v5 =	vadd.f32 v6, v5;
	v6 =	vmul.f32 v50, v13  }
0xdb: {  	v52 =	vld [tilespmem:s13+$0x2D10]  }
0xdc: {  	v5 =	vadd.f32 v6, v5;
	v6 =	vmul.f32 v51, v14  }
0xdd: {  	v53 =	vld [tilespmem:s13+$0x2D50]  }
0xde: {  	v5 =	vadd.f32 v6, v5;
	v6 =	vmul.f32 v7, v15  }
0xdf: {  	v7 =	vld [tilespmem:s13+$0x3110]  }
0xe0: {  	v5 =	vadd.f32 v6, v5;
	v6 =	vmul.f32 v52, v16  }
0xe1: {  	v54 =	vld [tilespmem:s13+$0x3150]  }
0xe2: {  	v5 =	vadd.f32 v6, v5;
	v6 =	vmul.f32 v53, v17  }
0xe3: {  	v55 =	vld [tilespmem:s13+$0x3510]  }
0xe4: {  	v5 =	vadd.f32 v6, v5;
	v6 =	vmul.f32 v7, v18;
	_ =	sdelay $0x1  }
0xe5: {  	v5 =	vadd.f32 v6, v5;
	v6 =	vmul.f32 v54, v19;
	_ =	sdelay $0x1  }
0xe6: {  	v5 =	vadd.f32 v6, v5;
	v6 =	vmul.f32 v55, v4;
	_ =	sdelay $0x1  }
0xe7: {  	v5 =	vadd.f32 v6, v5;
	_ =	sdelay $0x1  }
0xe8: {  	[tilespmem:s12+$0xFFFFFFF0] =	vst v5  }
0xe9: {  	[tilespmem:s2+$0xFFFFFFE0] =	vst v5  }
0xea: {  	v5 =	vld [tilespmem:s13+$0x2120]  }
0xeb: {  	v6 =	vld [tilespmem:s13+$0x2160];
	_ =	sdelay $0x1  }
0xec: {  	v7 =	vld [tilespmem:s13+$0x2520];
	_ =	sdelay $0x1  }
0xed: {  	v56 =	vld [tilespmem:s13+$0x2560]  }
0xee: {  	v5 =	vmul.f32 v5, v8;
	v6 =	vmul.f32 v6, v45  }
0xef: {  	v57 =	vld [tilespmem:s13+$0x2920]  }
0xf0: {  	v7 =	vmul.f32 v7, v10;
	v5 =	vadd.f32 v6, v5  }
0xf1: {  	v6 =	vld [tilespmem:s13+$0x2960]  }
0xf2: {  	v11 =	vmul.f32 v56, v13;
	v5 =	vadd.f32 v7, v5  }
0xf3: {  	v7 =	vld [tilespmem:s13+$0x2D20]  }
0xf4: {  	v12 =	vmul.f32 v57, v14;
	v5 =	vadd.f32 v11, v5  }
0xf5: {  	v58 =	vld [tilespmem:s13+$0x2D60]  }
0xf6: {  	v6 =	vmul.f32 v6, v15;
	v5 =	vadd.f32 v12, v5  }
0xf7: {  	v59 =	vld [tilespmem:s13+$0x3120]  }
0xf8: {  	v7 =	vmul.f32 v7, v16;
	v5 =	vadd.f32 v6, v5  }
0xf9: {  	v6 =	vld [tilespmem:s13+$0x3160]  }
0xfa: {  	v11 =	vmul.f32 v58, v17;
	v5 =	vadd.f32 v7, v5  }
0xfb: {  	v7 =	vld [tilespmem:s13+$0x3520]  }
0xfc: {  	v12 =	vmul.f32 v59, v18;
	v5 =	vadd.f32 v11, v5;
	_ =	sdelay $0x1  }
0xfd: {  	v6 =	vmul.f32 v6, v19;
	v5 =	vadd.f32 v12, v5;
	_ =	sdelay $0x1  }
0xfe: {  	v7 =	vmul.f32 v7, v4;
	v5 =	vadd.f32 v6, v5;
	_ =	sdelay $0x1  }
0xff: {  	v5 =	vadd.f32 v7, v5;
	_ =	sdelay $0x1  }
0x100: {  	[tilespmem:s12+$0x0] =	vst v5  }
0x101: {  	[tilespmem:s2+$0xFFFFFFF0] =	vst v5  }
0x102: {  	v5 =	vld [tilespmem:s13+$0x2130]  }
0x103: {  	v6 =	vld [tilespmem:s13+$0x2170];
	_ =	sdelay $0x1  }
0x104: {  	v7 =	vld [tilespmem:s13+$0x2530];
	_ =	sdelay $0x1  }
0x105: {  	v60 =	vld [tilespmem:s13+$0x2570]  }
0x106: {  	v5 =	vmul.f32 v5, v8;
	v6 =	vmul.f32 v6, v45  }
0x107: {  	v8 =	vld [tilespmem:s13+$0x2930]  }
0x108: {  	v7 =	vmul.f32 v7, v10;
	v5 =	vadd.f32 v6, v5  }
0x109: {  	v6 =	vld [tilespmem:s13+$0x2970]  }
0x10a: {  	v61 =	vmul.f32 v60, v13;
	v5 =	vadd.f32 v7, v5  }
0x10b: {  	v7 =	vld [tilespmem:s13+$0x2D30]  }
0x10c: {  	v8 =	vmul.f32 v8, v14;
	v5 =	vadd.f32 v61, v5  }
0x10d: {  	v62 =	vld [tilespmem:s13+$0x2D70]  }
0x10e: {  	v6 =	vmul.f32 v6, v15;
	v5 =	vadd.f32 v8, v5  }
0x10f: {  	v8 =	vld [tilespmem:s13+$0x3130]  }
0x110: {  	v63 =	vld [tilespmem:s13+$0x3170];
	v7 =	vmul.f32 v7, v16;
	v5 =	vadd.f32 v6, v5  }
0x111: {  	v6 =	vld [tilespmem:s13+$0x3530]  }
0x112: {  	v9 =	vmul.f32 v62, v17;
	v5 =	vadd.f32 v7, v5;
	_ =	sdelay $0x1  }
0x113: {  	v7 =	vmul.f32 v8, v18;
	v8 =	vadd.f32 v9, v5  }
0x114: {  	s16 =	simm.s32 $0x0  }
0x115: {  	s14 =	simm.s32 $0xE120;
	s15 =	simm.s32 $0x101F0;
	s13 =	simm.s32 $0x1;
	v5 =	vmul.f32 v63, v19;
	v4 =	vmul.f32 v6, v4;
	v6 =	vadd.f32 v7, v8  }
.LBB2_5:
0x116: {  	s16 =	sadd.s32 $0x80, s16;
	s12 =	sadd.s32 $0x80, s12;
	s0 =	sadd.s32 $0x80, s0  }
0x117: {  	s17 =	sshrl.u32 s13, $0x3;
	p0 =	sne.s32 s13, $0x3F;
	s13 =	sadd.s32 $0x1, s13;
	v5 =	vadd.f32 v5, v6  }
0x118: {  	s17 =	smul.u32 $0x6000, s17  }
0x119: {  	v4 =	vadd.f32 v4, v5  }
0x11a: {  	s8 =	sand.u32 $0x380, s16;
	s17 =	sshra.s32 s17, $0x2  }
0x11b: {  	s17 =	sor.u32 s8, s17;
	[tilespmem:s14+$0x10] =	vst v4;
	s14 =	smov.u32 s12  }
0x11c: {  	[tilespmem:s2+$0x0] =	vst v4;
	s2 =	smov.u32 s15  }
0x11d: {  	v11 =	vld [tilespmem:s0+$0x0]  }
0x11e: {  	v5 =	vld [tilespmem:s17+$0x2140]  }
0x11f: {  	v6 =	vld [tilespmem:s17+$0x2100];
	_ =	sdelay $0x1  }
0x120: {  	v7 =	vld [tilespmem:s17+$0x2500]  }
0x121: {  	v14 =	vbroadcast v11, $0x0;
	v12 =	vbroadcast v11, $0x1  }
0x122: {  	v10 =	vbroadcast v11, $0x2;
	v4 =	vbroadcast v11, $0x3;
	v9 =	vld [tilespmem:s17+$0x2540]  }
0x123: {  	v6 =	vmul.f32 v6, v14;
	v8 =	vmul.f32 v5, v12  }
0x124: {  	v13 =	vbroadcast v11, $0x4;
	v5 =	vbroadcast v11, $0x5;
	v15 =	vld [tilespmem:s17+$0x2900]  }
0x125: {  	v16 =	vadd.f32 v8, v6;
	v17 =	vmul.f32 v7, v10;
	v7 =	vbroadcast v11, $0x6  }
0x126: {  	v8 =	vbroadcast v11, $0x7;
	v6 =	vbroadcast v11, $0x8;
	v18 =	vld [tilespmem:s17+$0x2940]  }
0x127: {  	v16 =	vadd.f32 v17, v16;
	v17 =	vmul.f32 v9, v4;
	v9 =	vbroadcast v11, $0x9  }
0x128: {  	v11 =	vbroadcast v11, $0xA;
	v19 =	vld [tilespmem:s17+$0x2D00]  }
0x129: {  	v16 =	vadd.f32 v17, v16;
	v15 =	vmul.f32 v15, v13  }
0x12a: {  	v17 =	vld [tilespmem:s17+$0x2D40]  }
0x12b: {  	v15 =	vadd.f32 v15, v16;
	v16 =	vmul.f32 v18, v5  }
0x12c: {  	v18 =	vld [tilespmem:s17+$0x3100]  }
0x12d: {  	v15 =	vadd.f32 v16, v15;
	v16 =	vmul.f32 v19, v7  }
0x12e: {  	v19 =	vld [tilespmem:s17+$0x3140]  }
0x12f: {  	v15 =	vadd.f32 v16, v15;
	v16 =	vmul.f32 v17, v8  }
0x130: {  	v17 =	vld [tilespmem:s17+$0x3500]  }
0x131: {  	v15 =	vadd.f32 v16, v15;
	v16 =	vmul.f32 v18, v6;
	_ =	sdelay $0x1  }
0x132: {  	v15 =	vadd.f32 v16, v15;
	v16 =	vmul.f32 v19, v9;
	_ =	sdelay $0x1  }
0x133: {  	v15 =	vadd.f32 v16, v15;
	v16 =	vmul.f32 v17, v11;
	_ =	sdelay $0x1  }
0x134: {  	v15 =	vadd.f32 v16, v15;
	_ =	sdelay $0x1  }
0x135: {  	[tilespmem:s12+$0xFFFFFFE0] =	vst v15  }
0x136: {  	[tilespmem:s15+$0xFFFFFFD0] =	vst v15  }
0x137: {  	v15 =	vld [tilespmem:s17+$0x2110]  }
0x138: {  	v16 =	vld [tilespmem:s17+$0x2150];
	_ =	sdelay $0x1  }
0x139: {  	v17 =	vld [tilespmem:s17+$0x2510];
	_ =	sdelay $0x1  }
0x13a: {  	v15 =	vmul.f32 v15, v14;
	v18 =	vld [tilespmem:s17+$0x2550]  }
0x13b: {  	v16 =	vmul.f32 v16, v12  }
0x13c: {  	v19 =	vld [tilespmem:s17+$0x2910]  }
0x13d: {  	v15 =	vadd.f32 v16, v15;
	v16 =	vmul.f32 v17, v10  }
0x13e: {  	v17 =	vld [tilespmem:s17+$0x2950]  }
0x13f: {  	v15 =	vadd.f32 v16, v15;
	v16 =	vmul.f32 v18, v4  }
0x140: {  	v18 =	vld [tilespmem:s17+$0x2D10]  }
0x141: {  	v15 =	vadd.f32 v16, v15;
	v16 =	vmul.f32 v19, v13  }
0x142: {  	v19 =	vld [tilespmem:s17+$0x2D50]  }
0x143: {  	v15 =	vadd.f32 v16, v15;
	v16 =	vmul.f32 v17, v5  }
0x144: {  	v17 =	vld [tilespmem:s17+$0x3110]  }
0x145: {  	v15 =	vadd.f32 v16, v15;
	v16 =	vmul.f32 v18, v7  }
0x146: {  	v18 =	vld [tilespmem:s17+$0x3150]  }
0x147: {  	v15 =	vadd.f32 v16, v15;
	v16 =	vmul.f32 v19, v8  }
0x148: {  	v19 =	vld [tilespmem:s17+$0x3510]  }
0x149: {  	v15 =	vadd.f32 v16, v15;
	v16 =	vmul.f32 v17, v6;
	_ =	sdelay $0x1  }
0x14a: {  	v15 =	vadd.f32 v16, v15;
	v16 =	vmul.f32 v18, v9;
	_ =	sdelay $0x1  }
0x14b: {  	v15 =	vadd.f32 v16, v15;
	v16 =	vmul.f32 v19, v11;
	_ =	sdelay $0x1  }
0x14c: {  	v15 =	vadd.f32 v16, v15;
	_ =	sdelay $0x1  }
0x14d: {  	[tilespmem:s12+$0xFFFFFFF0] =	vst v15  }
0x14e: {  	[tilespmem:s15+$0xFFFFFFE0] =	vst v15  }
0x14f: {  	v15 =	vld [tilespmem:s17+$0x2120]  }
0x150: {  	v16 =	vld [tilespmem:s17+$0x2160]  }
0x151: {  	v17 =	vld [tilespmem:s17+$0x2520]  }
0x152: {  	v18 =	vld [tilespmem:s17+$0x2560]  }
0x153: {  	v19 =	vld [tilespmem:s17+$0x2920]  }
0x154: {  	v15 =	vmul.f32 v15, v14;
	v20 =	vld [tilespmem:s17+$0x2960]  }
0x155: {  	v16 =	vmul.f32 v16, v12;
	v21 =	vld [tilespmem:s17+$0x2D20]  }
0x156: {  	v17 =	vmul.f32 v17, v10;
	v22 =	vld [tilespmem:s17+$0x2D60]  }
0x157: {  	v15 =	vadd.f32 v16, v15;
	v16 =	vmul.f32 v18, v4;
	v18 =	vld [tilespmem:s17+$0x3120]  }
0x158: {  	v19 =	vmul.f32 v19, v13;
	v23 =	vld [tilespmem:s17+$0x3160]  }
0x159: {  	v15 =	vadd.f32 v17, v15;
	v17 =	vmul.f32 v20, v5;
	v20 =	vld [tilespmem:s17+$0x3520]  }
0x15a: {  	v21 =	vmul.f32 v21, v7  }
0x15b: {  	v15 =	vadd.f32 v16, v15;
	v16 =	vmul.f32 v22, v8  }
0x15c: {  	v18 =	vmul.f32 v18, v6  }
0x15d: {  	v15 =	vadd.f32 v19, v15;
	v19 =	vmul.f32 v23, v9  }
0x15e: {  	v20 =	vmul.f32 v20, v11  }
0x15f: {  	v15 =	vadd.f32 v17, v15;
	_ =	sdelay $0x1  }
0x160: {  	v15 =	vadd.f32 v21, v15;
	_ =	sdelay $0x1  }
0x161: {  	v15 =	vadd.f32 v16, v15;
	_ =	sdelay $0x1  }
0x162: {  	v15 =	vadd.f32 v18, v15;
	_ =	sdelay $0x1  }
0x163: {  	v15 =	vadd.f32 v19, v15;
	_ =	sdelay $0x1  }
0x164: {  	v15 =	vadd.f32 v20, v15;
	_ =	sdelay $0x1  }
0x165: {  	[tilespmem:s12+$0x0] =	vst v15  }
0x166: {  	[tilespmem:s15+$0xFFFFFFF0] =	vst v15  }
0x167: {  	v15 =	vld [tilespmem:s17+$0x2130]  }
0x168: {  	v16 =	vld [tilespmem:s17+$0x2170]  }
0x169: {  	v17 =	vld [tilespmem:s17+$0x2530]  }
0x16a: {  	v18 =	vld [tilespmem:s17+$0x2570]  }
0x16b: {  	v19 =	vld [tilespmem:s17+$0x2930]  }
0x16c: {  	v14 =	vmul.f32 v15, v14;
	v15 =	vld [tilespmem:s17+$0x2970]  }
0x16d: {  	v12 =	vmul.f32 v16, v12;
	v16 =	vld [tilespmem:s17+$0x2D30]  }
0x16e: {  	v10 =	vmul.f32 v17, v10;
	v17 =	vld [tilespmem:s17+$0x2D70]  }
0x16f: {  	v12 =	vadd.f32 v12, v14;
	v4 =	vmul.f32 v18, v4;
	v14 =	vld [tilespmem:s17+$0x3130]  }
0x170: {  	v13 =	vmul.f32 v19, v13;
	v18 =	vld [tilespmem:s17+$0x3170]  }
0x171: {  	v10 =	vadd.f32 v10, v12;
	v12 =	vmul.f32 v15, v5;
	v15 =	vld [tilespmem:s17+$0x3530]  }
0x172: {  	v7 =	vmul.f32 v16, v7  }
0x173: {  	v4 =	vadd.f32 v4, v10;
	v8 =	vmul.f32 v17, v8  }
0x174: {  	v6 =	vmul.f32 v14, v6  }
0x175: {  	v10 =	vadd.f32 v13, v4;
	v5 =	vmul.f32 v18, v9  }
0x176: {  	v4 =	vmul.f32 v15, v11  }
0x177: {  	v9 =	vadd.f32 v12, v10;
	_ =	sdelay $0x1  }
.Ltmp1:
0x178: {  	v7 =	vadd.f32 v7, v9;
	(pc) =	sbr.rel @p0 .LBB2_5-.Ltmp1, $3  }
0x179: {  	_ = 	snop  }
0x17a: {  	v7 =	vadd.f32 v8, v7;
	_ =	sdelay $0x1  }
0x17b: {  	s15 =	sadd.s32 $0x80, s15;
	v6 =	vadd.f32 v6, v7  }
0x17c: {  	_ = 	snop  }
0x17d: {  	v5 =	vadd.f32 v5, v6;
	_ =	sdelay $0x1  }
0x17e: {  	v4 =	vadd.f32 v4, v5;
	_ =	sdelay $0x1  }
0x17f: {  	[tilespmem:s14+$0x10] =	vst v4  }
0x180: {  	[tilespmem:s2+$0x0] =	vst v4  }
0x181: {  	[spmem:s1] =	stream.indirect.scatter.add.f32 [tilespmem:s18], [sflag:$0x2], $0x80, s26, s25, $0xb8;
	[tilespmem:$0x1C200] =	vst v63  }
0x182: {  	s31 =	sadd.s32 $0x1, s31;
	_ =	swait.ge [sflag:s19], $0x2000  }
0x183: {  	p0 =	sne.s32 s31, $0x9D;
	[sflag:s19] =	ssyncset.done $0x0  }
.Ltmp2:
0x184: {  	[sflag:s19] =	ssyncadd.s32 $0xFFFFE000;
	(pc) =	sbr.rel @p0 .LBB2_4-.Ltmp2, $4  }
0x185: {  	[spmem:s1] =	stream.indirect.scatter.add.f32 [tilespmem:s29], [sflag:$0x2], $0x80, s28, s25, $0xb8;
	[tilespmem:$0x1C200] =	vst v63  }
0x186: {  	_ =	swait.ge [sflag:s19], $0x2000  }
0x187: {  	[sflag:s19] =	ssyncset.done $0x0  }
0x188: {  	[sflag:s19] =	ssyncadd.s32 $0xFFFFE000  }
0x189: {  	s0 =	stileid.u32;
	[bflag:$0x0] =	sbarrier.arrive $0xFFFF  }
0x18a: {  	s0 =	sshll.u32 s0, $0x6;
	s13 =	rddreg [dreg:$0x4]  }
0x18b: {  	s8 =	rddreg [dreg:$0x5];
	s0 =	sor.u32 $0x1C02, s0;
	s2 =	sshrl.u32 s13, $0x3  }
0x18c: {  	[hbm:s8], [sflag:s0] =	dma.local [spmem:s2], $0x1400  }
0x18d: {  	_ =	swait.ge [sflag:s19], $0x1400  }
0x18e: {  	s12 =	rddreg [dreg:$0x3]  }
0x18f: {  	s31 =	rddreg [dreg:$0x6];
	s12 =	sadd.s32 $0x1, s12  }
0x190: {  	p0 =	sne.s32 s12, s31  }
.Ltmp3:
0x191: {  	_ = 	snop;
	(pc) =	sbr.rel @p0 .LBB2_1-.Ltmp3, $3  }
0x192: {  	_ =	sdelay $0x1  }
0x193: {  	[sflag:s19] =	ssyncset.done $0x0  }
0x194: {  	[sflag:s19] =	ssyncadd.s32 $0xFFFFEC00  }
0x195: {  	_ =	sfence.sel $0x180000  }
0x196: {  	[bflag:$0x0] =	sbarrier.arrive $0xFFFF  }
0x197: {  	_ =	strace $0x90000047  }
0x198: {  	s0 =	stileid.u32;
	[bflag:$0x2] =	sbarrier.arrive $0xFFFF  }
0x199: {  	p0 =	sne.s32 s0, $0x0;
	s0 =	rddreg [dreg:$0x2]  }
0x19a: {  	s0 =	sadd.s32 @!p0 $0x100000, s0  }
0x19b: {  	[sflag:s0] =	ssyncadd.tile.s32 @!p0 $0x1;
	_ =	shalt  }
.Lfunc_end2:
_tile_overlayer_lowered:
.L_overlay_start_2:
0x19c: {  	(tag) =	ssettag $0x2  }
0x19d: {  	s0 =	rddreg [dreg:$0x0];
	s2 =	stileid.u32  }
0x19e: {  	s1 =	rddreg [dreg:$0x1];
	p0 =	sne.s32 s2, $0x0  }
0x19f: {  	s3 =	rddreg [dreg:$0x2];
	[bflag:$0x3] =	sbarrier.arrive $0xFFFF;
	s2 =	simm.s32 @!p0 $0x1C02  }
0x1a0: {  	[timem:s3], [sflag:s2] =	dma.local @!p0 [hbm:s0], s1  }
0x1a1: {  	s0 =	simm.s32 @!p0 $0x2  }
0x1a2: {  	_ =	swait.ge @!p0 [sflag:s0], s1  }
0x1a3: {  	s1 =	ssub.s32 @!p0 $0x0, s1;
	[sflag:s0] =	ssyncset.done @!p0 $0x0  }
0x1a4: {  	[sflag:s0] =	ssyncadd.s32 @!p0 s1  }
0x1a5: {  	[bflag:$0x3] =	sbarrier.arrive $0xFFFF  }
0x1a6: {  	_ =	shalt  }

</sc_bundles>
